<compile_context>
chip_gen: v7x
topology: tpu7x:2x2x1
jax: 0.10.2.dev20260603
libtpu: 0.0.44.dev20260713+nightly
codegen_flags: <defaults>
</compile_context>

<pallas_src>
import functools

import jax
import jax.numpy as jnp
from jax import lax
from jax.experimental import pallas as pl
from jax.experimental.pallas import tpu as pltpu
from jax.experimental.pallas import tpu_sc as plsc

N_SRC = 10000
N_B = 10000
E = 320000
D_IN = 128
D = 64
DP = 80
NT = 16
EPT = E // NT
BLK = 80
NBLK = 25
CHUNK = BLK * NBLK
NCH = EPT // CHUNK
N_PAD = 10240
RPT = N_PAD // NT
ZR = 128
RB = 400
GRID = N_SRC // RB


def _prologue_body(f_ref, w7_ref, b7_ref, sw_ref, sc_ref,
                   srch_ref, t0s_ref, tbl1_ref, tbl2_ref, s8_ref):
    fmap = (0, 0, 1, 2, 0, 3, 4)
    t = []
    for k in range(7):
        t.append(jnp.dot(f_ref[fmap[k]], w7_ref[k],
                         preferred_element_type=jnp.float32) + b7_ref[k][None, :])
    srch_ref[...] = t[0]
    t0s_ref[0] = t[1]
    t0s_ref[1] = t[4]
    tbl1_ref[0] = t[2]
    tbl1_ref[1] = t[5]
    tbl2_ref[0] = t[3]
    tbl2_ref[1] = t[6]
    sfmap = (0, 1, 2, 0, 3, 4)
    cols = []
    for k in range(6):
        cols.append(jnp.sum(f_ref[sfmap[k]] * sw_ref[k][None, :], axis=1)
                    + sc_ref[0, k])
    z = jnp.zeros_like(cols[0])
    s8_ref[...] = jnp.stack(cols + [z, z], axis=1)


def _prologue(F, W7, b7, SW, SC8):
    return pl.pallas_call(
        _prologue_body,
        grid=(GRID,),
        in_specs=[
            pl.BlockSpec((5, RB, D_IN), lambda i: (0, i, 0)),
            pl.BlockSpec((7, D_IN, D), lambda i: (0, 0, 0)),
            pl.BlockSpec((7, D), lambda i: (0, 0)),
            pl.BlockSpec((6, D_IN), lambda i: (0, 0)),
            pl.BlockSpec((1, 8), lambda i: (0, 0)),
        ],
        out_specs=[
            pl.BlockSpec((RB, D), lambda i: (i, 0)),
            pl.BlockSpec((2, RB, D), lambda i: (0, i, 0)),
            pl.BlockSpec((2, RB, D), lambda i: (0, i, 0)),
            pl.BlockSpec((2, RB, D), lambda i: (0, i, 0)),
            pl.BlockSpec((RB, 8), lambda i: (i, 0)),
        ],
        out_shape=[
            jax.ShapeDtypeStruct((N_SRC, D), jnp.float32),
            jax.ShapeDtypeStruct((2, N_SRC, D), jnp.float32),
            jax.ShapeDtypeStruct((2, N_B, D), jnp.float32),
            jax.ShapeDtypeStruct((2, N_B, D), jnp.float32),
            jax.ShapeDtypeStruct((N_SRC, 8), jnp.float32),
        ],
    )(F, W7, b7, SW, SC8)


_MESH = plsc.VectorSubcoreMesh(core_axis_name="c", subcore_axis_name="s")


@functools.partial(
    pl.kernel,
    mesh=_MESH,
    compiler_params=pltpu.CompilerParams(needs_layout_passes=False,
                                         use_tc_tiling_on_sc=False),
    out_type=jax.ShapeDtypeStruct((2, NT, RPT, DP), jnp.float32),
    scratch_types=[
        pltpu.VMEM((N_SRC,), jnp.float32),
        pltpu.VMEM((N_SRC,), jnp.float32),
        pltpu.VMEM((N_SRC,), jnp.float32),
        pltpu.VMEM((NBLK, 1, BLK), jnp.int32),
        pltpu.VMEM((NBLK, 1, BLK), jnp.int32),
        pltpu.VMEM((NBLK, 1, BLK), jnp.int32),
        pltpu.VMEM((BLK, D), jnp.float32),
        pltpu.VMEM((BLK, D), jnp.float32),
        pltpu.VMEM((BLK, DP), jnp.float32),
        pltpu.VMEM((BLK,), jnp.float32),
        pltpu.VMEM((ZR, DP), jnp.float32),
        pltpu.VMEM_SHARED((N_PAD, DP), jnp.float32),
        pltpu.SemaphoreType.DMA,
        pltpu.SemaphoreType.DMA,
    ],
)
def _sc_main(tbl1, tbl2, s0t, s1t, s2t, idx0, idx1, idx2, acc_out,
             s0_v, s1_v, s2_v, i0_v, i1_v, i2_v, r1_v, r2_v, val_v, ex_v,
             zb_v, acc_sh, sem1, sem2):
    c = lax.axis_index("c")
    s = lax.axis_index("s")

    pltpu.sync_copy(s0t.at[c, 0], s0_v)
    pltpu.sync_copy(s1t.at[c, 0], s1_v)
    pltpu.sync_copy(s2t.at[c, 0], s2_v)

    zv = jnp.zeros((16,), jnp.float32)

    def zrow(i, carry):
        for dd in range(DP // 16):
            zb_v[i, pl.ds(dd * 16, 16)] = zv
        return carry

    lax.fori_loop(0, ZR, zrow, 0)
    for k in range(RPT // ZR):
        pltpu.sync_copy(zb_v, acc_sh.at[pl.ds(s * RPT + k * ZR, ZR)])
    plsc.subcore_barrier()

    def chunk_body(ci, carry):
        row0 = s * (NCH * NBLK) + ci * NBLK
        pltpu.sync_copy(idx0.at[c, pl.ds(row0, NBLK)], i0_v)
        pltpu.sync_copy(idx1.at[c, pl.ds(row0, NBLK)], i1_v)
        pltpu.sync_copy(idx2.at[c, pl.ds(row0, NBLK)], i2_v)

        def blk_body(j, carry2):
            h1 = pltpu.async_copy(tbl1.at[i1_v.at[j, 0]], r1_v, sem1)
            h2 = pltpu.async_copy(tbl2.at[i2_v.at[j, 0]], r2_v, sem2)
            for g in range(BLK // 16):
                v0 = i0_v[j, 0, pl.ds(g * 16, 16)]
                v1 = i1_v[j, 0, pl.ds(g * 16, 16)]
                v2 = i2_v[j, 0, pl.ds(g * 16, 16)]
                g0 = plsc.load_gather(s0_v, [v0])
                g1 = plsc.load_gather(s1_v, [v1])
                g2 = plsc.load_gather(s2_v, [v2])
                x = g0 + g1 + g2
                e2 = jnp.exp(x + x)
                th = 1.0 - 2.0 / (e2 + 1.0)
                ex_v[pl.ds(g * 16, 16)] = jnp.exp(th)
            h1.wait()
            h2.wait()

            def grp(kk, carry3):
                exvec = ex_v[pl.ds(kk * 16, 16)]
                for e in range(16):
                    ee = kk * 16 + e
                    b = jnp.full((16,), exvec[e], jnp.float32)
                    for dd in range(D // 16):
                        row = (r1_v[ee, pl.ds(dd * 16, 16)]
                               + r2_v[ee, pl.ds(dd * 16, 16)])
                        val_v[ee, pl.ds(dd * 16, 16)] = b * row
                    val_v[ee, pl.ds(D, 16)] = b
                return carry3

            lax.fori_loop(0, BLK // 16, grp, 0)
            pltpu.sync_copy(val_v, acc_sh.at[i0_v.at[j, 0]], add=True)
            return carry2

        lax.fori_loop(0, NBLK, blk_body, 0)
        return carry

    lax.fori_loop(0, NCH, chunk_body, 0)
    plsc.subcore_barrier()
    pltpu.sync_copy(acc_sh.at[pl.ds(s * RPT, RPT)], acc_out.at[c, s])


def _epilogue_body(srch_ref, t0s_ref, acc_ref, mpb_ref, semv_ref,
                   riw_ref, rib_ref, rws_ref, rbs_ref, rov_ref, scal_ref,
                   out_ref):
    hs = [srch_ref[...]]
    for cc in range(2):
        a = acc_ref[cc]
        den = a[:, D:D + 1]
        ind = (den > 0).astype(jnp.float32)
        hp = (t0s_ref[cc] * ind + a[:, 0:D] / jnp.maximum(den, 1e-30)) / 3.0
        hs.append(hp + mpb_ref[cc][None, :])
    semb = scal_ref[0, 0]
    atts = [jnp.sum(h * semv_ref[0][None, :], axis=1, keepdims=True) + semb
            for h in hs]
    att = jnp.concatenate(atts, axis=1)
    att = jnp.where(att > 0, att, 0.01 * att)
    m = jnp.max(att, axis=1, keepdims=True)
    exa = jnp.exp(att - m)
    w = exa / jnp.sum(exa, axis=1, keepdims=True)
    hp = w[:, 0:1] * hs[0] + w[:, 1:2] * hs[1] + w[:, 2:3] * hs[2]
    h = jnp.maximum(jnp.dot(hp, riw_ref[...],
                            preferred_element_type=jnp.float32)
                    + rib_ref[0][None, :], 0.0)
    i = 0
    for _blk in range(2):
        r = h
        for _l in range(2):
            h = jnp.maximum(jnp.dot(h, rws_ref[i],
                                    preferred_element_type=jnp.float32)
                            + rbs_ref[i][None, :], 0.0)
            i += 1
        h = h + r
    o = jnp.sum(h * rov_ref[0][None, :], axis=1, keepdims=True) + scal_ref[0, 1]
    out_ref[...] = 1.0 / (1.0 + jnp.exp(-o))


def _epilogue(srch, t0s, ACC, mpb, semv, riw, rib, rws, rbs, rov, scal):
    return pl.pallas_call(
        _epilogue_body,
        grid=(GRID,),
        in_specs=[
            pl.BlockSpec((RB, D), lambda i: (i, 0)),
            pl.BlockSpec((2, RB, D), lambda i: (0, i, 0)),
            pl.BlockSpec((2, RB, DP), lambda i: (0, i, 0)),
            pl.BlockSpec((2, D), lambda i: (0, 0)),
            pl.BlockSpec((1, D), lambda i: (0, 0)),
            pl.BlockSpec((D, D), lambda i: (0, 0)),
            pl.BlockSpec((1, D), lambda i: (0, 0)),
            pl.BlockSpec((4, D, D), lambda i: (0, 0, 0)),
            pl.BlockSpec((4, D), lambda i: (0, 0)),
            pl.BlockSpec((1, D), lambda i: (0, 0)),
            pl.BlockSpec((1, 8), lambda i: (0, 0)),
        ],
        out_specs=pl.BlockSpec((RB, 1), lambda i: (i, 0)),
        out_shape=jax.ShapeDtypeStruct((N_SRC, 1), jnp.float32),
    )(srch, t0s, ACC, mpb, semv, riw, rib, rws, rbs, rov, scal)


def kernel(src_feat, mp1_feat1, mp1_feat2, mp2_feat1, mp2_feat2,
           mp1_idx0, mp1_idx1, mp1_idx2, mp2_idx0, mp2_idx1, mp2_idx2,
           W_src, b_src, W_B, b_B,
           mp1_featW, mp1_featb, mp1_attW, mp1_attb, mp1_bias,
           mp2_featW, mp2_featb, mp2_attW, mp2_attb, mp2_bias,
           sem_W, sem_b, res_inW, res_inb, res_Ws, res_bs, res_outW, res_outb):
    f32 = jnp.float32
    w7, b7, sw, sc = [W_src], [b_src], [], []
    for fW, fb, attW, attb in ((mp1_featW, mp1_featb, mp1_attW, mp1_attb),
                               (mp2_featW, mp2_featb, mp2_attW, mp2_attb)):
        w0 = W_src @ fW
        wb = W_B @ fW
        b0 = b_src @ fW + fb
        bb = b_B @ fW + fb
        w7 += [w0, wb, wb]
        b7 += [b0, bb, bb]
        a1 = attW[:D, 0]
        a2 = attW[D:, 0]
        v0 = a1 + a2 / 3.0
        v12 = a2 / 3.0
        sw += [w0 @ v0, wb @ v12, wb @ v12]
        sc += [jnp.dot(b0, v0) + attb[0], jnp.dot(bb, v12), jnp.dot(bb, v12)]
    W7 = jnp.stack(w7).astype(f32)
    B7 = jnp.stack(b7).astype(f32)
    SW = jnp.stack(sw).astype(f32)
    SC8 = jnp.concatenate([jnp.stack(sc), jnp.zeros((2,), f32)]).reshape(1, 8)

    F = jnp.stack([src_feat, mp1_feat1, mp1_feat2, mp2_feat1, mp2_feat2])
    srch, t0s, tbl1_3, tbl2_3, s8 = _prologue(F, W7, B7, SW, SC8)
    tbl1 = tbl1_3.reshape(2 * N_B, D)
    tbl2 = tbl2_3.reshape(2 * N_B, D)
    sT = s8.T
    s0t = jnp.stack([sT[0], sT[3]]).reshape(2, 1, N_SRC)
    s1t = jnp.stack([sT[1], sT[4]]).reshape(2, 1, N_SRC)
    s2t = jnp.stack([sT[2], sT[5]]).reshape(2, 1, N_SRC)

    i32 = jnp.int32
    IDX0 = jnp.stack([mp1_idx0, mp2_idx0]).astype(i32).reshape(2, E // BLK, 1, BLK)
    IDX1 = jnp.stack([mp1_idx1, mp2_idx1 + N_B]).astype(i32).reshape(2, E // BLK, 1, BLK)
    IDX2 = jnp.stack([mp1_idx2, mp2_idx2 + N_B]).astype(i32).reshape(2, E // BLK, 1, BLK)

    ACCp = _sc_main(tbl1, tbl2, s0t, s1t, s2t, IDX0, IDX1, IDX2)
    ACC = ACCp.reshape(2, N_PAD, DP)[:, :N_SRC]

    mpb = jnp.stack([mp1_bias, mp2_bias]).astype(f32)
    semv = sem_W[:, 0].reshape(1, D)
    rov = res_outW[:, 0].reshape(1, D)
    rib = res_inb.reshape(1, D)
    scal = jnp.concatenate([sem_b, res_outb, jnp.zeros((6,), f32)]).reshape(1, 8)
    return _epilogue(srch, t0s, ACC, mpb, semv, res_inW, rib,
                     res_Ws, res_bs, rov, scal)

# --- scband reference (transcript-rebuilt; emitter-appended) ---
"""Pipeline reference for scband-magnn-9689446220160 (READ-ONLY COPY).

The authoritative reference and input builder live on the scoring server;
editing this copy changes nothing except your own understanding.
"""

import jax, jax.numpy as jnp
import numpy as np

N_SRC = 10000
N_B = 10000
E = 320000
D_IN = 128
D_HID = 64


def setup_inputs(seed: int = 0) -> dict:
    key = jax.random.key(seed)
    ks = jax.random.split(key, 40)
    inp = {}
    inp["src_feat"] = jax.random.normal(ks[0], (N_SRC, D_IN), dtype=jnp.float32)
    inp["mp1_feat1"] = jax.random.normal(ks[1], (N_B, D_IN), dtype=jnp.float32)
    inp["mp1_feat2"] = jax.random.normal(ks[2], (N_B, D_IN), dtype=jnp.float32)
    inp["mp2_feat1"] = jax.random.normal(ks[3], (N_B, D_IN), dtype=jnp.float32)
    inp["mp2_feat2"] = jax.random.normal(ks[4], (N_B, D_IN), dtype=jnp.float32)
    inp["mp1_idx0"] = jax.random.randint(ks[5], (E,), 0, N_SRC)
    inp["mp1_idx1"] = jax.random.randint(ks[6], (E,), 0, N_B)
    inp["mp1_idx2"] = jax.random.randint(ks[7], (E,), 0, N_B)
    inp["mp2_idx0"] = jax.random.randint(ks[8], (E,), 0, N_SRC)
    inp["mp2_idx1"] = jax.random.randint(ks[9], (E,), 0, N_B)
    inp["mp2_idx2"] = jax.random.randint(ks[10], (E,), 0, N_B)
    # learned parameters
    inp["W_src"] = jax.random.normal(ks[11], (D_IN, D_HID), dtype=jnp.float32) * 0.05
    inp["b_src"] = jnp.zeros((D_HID,), dtype=jnp.float32)
    inp["W_B"] = jax.random.normal(ks[12], (D_IN, D_HID), dtype=jnp.float32) * 0.05
    inp["b_B"] = jnp.zeros((D_HID,), dtype=jnp.float32)
    inp["mp1_featW"] = jax.random.normal(ks[13], (D_HID, D_HID), dtype=jnp.float32) * 0.05
    inp["mp1_featb"] = jnp.zeros((D_HID,), dtype=jnp.float32)
    inp["mp1_attW"] = jax.random.normal(ks[14], (2 * D_HID, 1), dtype=jnp.float32) * 0.05
    inp["mp1_attb"] = jnp.zeros((1,), dtype=jnp.float32)
    inp["mp1_bias"] = jnp.zeros((D_HID,), dtype=jnp.float32)
    inp["mp2_featW"] = jax.random.normal(ks[15], (D_HID, D_HID), dtype=jnp.float32) * 0.05
    inp["mp2_featb"] = jnp.zeros((D_HID,), dtype=jnp.float32)
    inp["mp2_attW"] = jax.random.normal(ks[16], (2 * D_HID, 1), dtype=jnp.float32) * 0.05
    inp["mp2_attb"] = jnp.zeros((1,), dtype=jnp.float32)
    inp["mp2_bias"] = jnp.zeros((D_HID,), dtype=jnp.float32)
    inp["sem_W"] = jax.random.normal(ks[17], (D_HID, 1), dtype=jnp.float32) * 0.05
    inp["sem_b"] = jnp.zeros((1,), dtype=jnp.float32)
    inp["res_inW"] = jax.random.normal(ks[18], (D_HID, D_HID), dtype=jnp.float32) * 0.05
    inp["res_inb"] = jnp.zeros((D_HID,), dtype=jnp.float32)
    inp["res_Ws"] = jax.random.normal(ks[19], (4, D_HID, D_HID), dtype=jnp.float32) * 0.05
    inp["res_bs"] = jnp.zeros((4, D_HID), dtype=jnp.float32)
    inp["res_outW"] = jax.random.normal(ks[20], (D_HID, 1), dtype=jnp.float32) * 0.05
    inp["res_outb"] = jnp.zeros((1,), dtype=jnp.float32)
    return inp


def _metapath(src_h, f1, f2, idx0, idx1, idx2, featW, featb, attW, attb, bias):
    # Intra_Metapath_Conv: feat_linear then gather per metapath position
    h0 = (src_h @ featW + featb)[idx0]
    h1 = (f1 @ featW + featb)[idx1]
    h2 = (f2 @ featW + featb)[idx2]
    enc = (h0 + h1 + h2) / 3.0
    a_in = jnp.concatenate([h0, enc], axis=1)
    e = jnp.tanh(a_in @ attW + attb)[:, 0]
    # sparse softmax over metapath instances grouped by src node (dim=1 of sparse [N_src, E])
    seg_max = jax.ops.segment_max(e, idx0, num_segments=N_SRC)
    ex = jnp.exp(e - seg_max[idx0])
    denom = jax.ops.segment_sum(ex, idx0, num_segments=N_SRC)
    att = ex / denom[idx0]
    hp = jax.ops.segment_sum(att[:, None] * enc, idx0, num_segments=N_SRC)
    return hp + bias


def reference(src_feat, mp1_feat1, mp1_feat2, mp2_feat1, mp2_feat2,
              mp1_idx0, mp1_idx1, mp1_idx2, mp2_idx0, mp2_idx1, mp2_idx2,
              W_src, b_src, W_B, b_B,
              mp1_featW, mp1_featb, mp1_attW, mp1_attb, mp1_bias,
              mp2_featW, mp2_featb, mp2_attW, mp2_attb, mp2_bias,
              sem_W, sem_b, res_inW, res_inb, res_Ws, res_bs, res_outW, res_outb):
    # node-type transforms
    src_h = src_feat @ W_src + b_src
    m1f1 = mp1_feat1 @ W_B + b_B
    m1f2 = mp1_feat2 @ W_B + b_B
    m2f1 = mp2_feat1 @ W_B + b_B
    m2f2 = mp2_feat2 @ W_B + b_B
    h_mp1 = _metapath(src_h, m1f1, m1f2, mp1_idx0, mp1_idx1, mp1_idx2,
                      mp1_featW, mp1_featb, mp1_attW, mp1_attb, mp1_bias)
    h_mp2 = _metapath(src_h, m2f1, m2f2, mp2_idx0, mp2_idx1, mp2_idx2,
                      mp2_featW, mp2_featb, mp2_attW, mp2_attb, mp2_bias)
    sem = jnp.stack([src_h, h_mp1, h_mp2], axis=1)  # [N, 3, 64]; dropout is identity in eval
    att = (sem @ sem_W + sem_b)[..., 0]  # [N, 3]
    att = jax.nn.leaky_relu(att, 0.01)
    att = jax.nn.softmax(att, axis=1)
    h_prime = jnp.sum(att[:, :, None] * sem, axis=1)  # [N, 64]
    # Res_DNN: input linear + 2 residual blocks of 2 layers + output linear
    h = jax.nn.relu(h_prime @ res_inW + res_inb)
    i = 0
    for _blk in range(2):
        r = h
        for _l in range(2):
            h = jax.nn.relu(h @ res_Ws[i] + res_bs[i])
            i += 1
        h = h + r
    out = jax.nn.sigmoid(h @ res_outW + res_outb)
    return out

if __name__ == "__main__":
    import jax
    _d = setup_inputs()
    print(jax.jit(kernel)(*tuple(_d.values())))

</pallas_src>

<mosaic_0001>
#map = affine_map<(d0, d1) -> (0, 0)>
#map1 = affine_map<(d0, d1) -> (0, 0, 0)>
#map2 = affine_map<(d0, d1) -> (0, 0, 0, 0)>
module attributes {stable_mosaic.version = 14 : i64} {
  func.func @_sc_main(%arg0: i32, %arg1: i32, %arg2: memref<20000x64xf32, #tpu.memory_space<hbm>>, %arg3: memref<20000x64xf32, #tpu.memory_space<hbm>>, %arg4: memref<2x1x10000xf32, #tpu.memory_space<hbm>>, %arg5: memref<2x1x10000xf32, #tpu.memory_space<hbm>>, %arg6: memref<2x1x10000xf32, #tpu.memory_space<hbm>>, %arg7: memref<2x4000x1x80xi32, #tpu.memory_space<hbm>>, %arg8: memref<2x4000x1x80xi32, #tpu.memory_space<hbm>>, %arg9: memref<2x4000x1x80xi32, #tpu.memory_space<hbm>>, %arg10: memref<2x16x640x80xf32, #tpu.memory_space<hbm>>, %arg11: memref<10000xf32, #tpu.memory_space<vmem>>, %arg12: memref<10000xf32, #tpu.memory_space<vmem>>, %arg13: memref<10000xf32, #tpu.memory_space<vmem>>, %arg14: memref<25x1x80xi32, #tpu.memory_space<vmem>>, %arg15: memref<25x1x80xi32, #tpu.memory_space<vmem>>, %arg16: memref<25x1x80xi32, #tpu.memory_space<vmem>>, %arg17: memref<80x64xf32, #tpu.memory_space<vmem>>, %arg18: memref<80x64xf32, #tpu.memory_space<vmem>>, %arg19: memref<80x80xf32, #tpu.memory_space<vmem>>, %arg20: memref<80xf32, #tpu.memory_space<vmem>>, %arg21: memref<128x80xf32, #tpu.memory_space<vmem>>, %arg22: memref<10240x80xf32, #tpu.memory_space<vmem_shared>>, %arg23: memref<!tpu.dma_semaphore, #tpu.memory_space<semaphore_mem>>, %arg24: memref<!tpu.dma_semaphore, #tpu.memory_space<semaphore_mem>>) attributes {dimension_semantics = [#tpu.dimension_semantics<core_parallel>, #tpu.dimension_semantics<subcore_parallel>], iteration_bounds = array<i64: 2, 16>, scalar_prefetch = 0 : i64, scratch_operands = 14 : i64, tpu.core_type = #tpu.core_type<sc_vector_subcore>, window_params = [{transform_indices = #map}, {transform_indices = #map}, {transform_indices = #map1}, {transform_indices = #map1}, {transform_indices = #map1}, {transform_indices = #map2}, {transform_indices = #map2}, {transform_indices = #map2}, {transform_indices = #map2}]} {
    %run_scoped3A = arith.constant 0 : i32
    "tpu.region"() ({
      %run_scoped3A_35 = tpu.sem_alloc : memref<!tpu.dma_semaphore, #tpu.memory_space<semaphore_mem>>
      %dma_start3A = arith.constant 0 : i32
      %dma_start3A_36 = tpu.memref_slice %arg4[%arg0, %run_scoped3A, %dma_start3A] : memref<2x1x10000xf32, #tpu.memory_space<hbm>> -> memref<1x1x10000xf32, #tpu.memory_space<hbm>>
      %dma_start3A_37 = tpu.memref_squeeze %dma_start3A_36 : memref<1x1x10000xf32, #tpu.memory_space<hbm>> -> memref<10000xf32, #tpu.memory_space<hbm>>
      %dma_start3A_38 = arith.constant 0 : i32
      %dma_start3A_39 = tpu.memref_slice %arg4[%arg0, %run_scoped3A, %dma_start3A_38] : memref<2x1x10000xf32, #tpu.memory_space<hbm>> -> memref<1x1x10000xf32, #tpu.memory_space<hbm>>
      %dma_start3A_40 = tpu.memref_squeeze %dma_start3A_39 : memref<1x1x10000xf32, #tpu.memory_space<hbm>> -> memref<10000xf32, #tpu.memory_space<hbm>>
      tpu.enqueue_dma source(%dma_start3A_40 : memref<10000xf32, #tpu.memory_space<hbm>>) target(%arg11 : memref<10000xf32, #tpu.memory_space<vmem>>) target_semaphore(%run_scoped3A_35 : memref<!tpu.dma_semaphore, #tpu.memory_space<semaphore_mem>>)
      %dma_wait3A = arith.constant 0 : i32
      %dma_wait3A_41 = tpu.memref_slice %arg4[%arg0, %run_scoped3A, %dma_wait3A] : memref<2x1x10000xf32, #tpu.memory_space<hbm>> -> memref<1x1x10000xf32, #tpu.memory_space<hbm>>
      %dma_wait3A_42 = tpu.memref_squeeze %dma_wait3A_41 : memref<1x1x10000xf32, #tpu.memory_space<hbm>> -> memref<10000xf32, #tpu.memory_space<hbm>>
      %dma_wait3A_43 = arith.constant 0 : i32
      %dma_wait3A_44 = tpu.memref_slice %arg4[%arg0, %run_scoped3A, %dma_wait3A_43] : memref<2x1x10000xf32, #tpu.memory_space<hbm>> -> memref<1x1x10000xf32, #tpu.memory_space<hbm>>
      %dma_wait3A_45 = tpu.memref_squeeze %dma_wait3A_44 : memref<1x1x10000xf32, #tpu.memory_space<hbm>> -> memref<10000xf32, #tpu.memory_space<hbm>>
      tpu.wait_dma2 semaphore(%run_scoped3A_35 : memref<!tpu.dma_semaphore, #tpu.memory_space<semaphore_mem>>) src(%dma_wait3A_45 : memref<10000xf32, #tpu.memory_space<hbm>>) dst(%arg11 : memref<10000xf32, #tpu.memory_space<vmem>>)
      tpu.yield
    }) : () -> ()
    %run_scoped3A_0 = arith.constant 0 : i32
    "tpu.region"() ({
      %run_scoped3A_35 = tpu.sem_alloc : memref<!tpu.dma_semaphore, #tpu.memory_space<semaphore_mem>>
      %dma_start3A = arith.constant 0 : i32
      %dma_start3A_36 = tpu.memref_slice %arg5[%arg0, %run_scoped3A_0, %dma_start3A] : memref<2x1x10000xf32, #tpu.memory_space<hbm>> -> memref<1x1x10000xf32, #tpu.memory_space<hbm>>
      %dma_start3A_37 = tpu.memref_squeeze %dma_start3A_36 : memref<1x1x10000xf32, #tpu.memory_space<hbm>> -> memref<10000xf32, #tpu.memory_space<hbm>>
      %dma_start3A_38 = arith.constant 0 : i32
      %dma_start3A_39 = tpu.memref_slice %arg5[%arg0, %run_scoped3A_0, %dma_start3A_38] : memref<2x1x10000xf32, #tpu.memory_space<hbm>> -> memref<1x1x10000xf32, #tpu.memory_space<hbm>>
      %dma_start3A_40 = tpu.memref_squeeze %dma_start3A_39 : memref<1x1x10000xf32, #tpu.memory_space<hbm>> -> memref<10000xf32, #tpu.memory_space<hbm>>
      tpu.enqueue_dma source(%dma_start3A_40 : memref<10000xf32, #tpu.memory_space<hbm>>) target(%arg12 : memref<10000xf32, #tpu.memory_space<vmem>>) target_semaphore(%run_scoped3A_35 : memref<!tpu.dma_semaphore, #tpu.memory_space<semaphore_mem>>)
      %dma_wait3A = arith.constant 0 : i32
      %dma_wait3A_41 = tpu.memref_slice %arg5[%arg0, %run_scoped3A_0, %dma_wait3A] : memref<2x1x10000xf32, #tpu.memory_space<hbm>> -> memref<1x1x10000xf32, #tpu.memory_space<hbm>>
      %dma_wait3A_42 = tpu.memref_squeeze %dma_wait3A_41 : memref<1x1x10000xf32, #tpu.memory_space<hbm>> -> memref<10000xf32, #tpu.memory_space<hbm>>
      %dma_wait3A_43 = arith.constant 0 : i32
      %dma_wait3A_44 = tpu.memref_slice %arg5[%arg0, %run_scoped3A_0, %dma_wait3A_43] : memref<2x1x10000xf32, #tpu.memory_space<hbm>> -> memref<1x1x10000xf32, #tpu.memory_space<hbm>>
      %dma_wait3A_45 = tpu.memref_squeeze %dma_wait3A_44 : memref<1x1x10000xf32, #tpu.memory_space<hbm>> -> memref<10000xf32, #tpu.memory_space<hbm>>
      tpu.wait_dma2 semaphore(%run_scoped3A_35 : memref<!tpu.dma_semaphore, #tpu.memory_space<semaphore_mem>>) src(%dma_wait3A_45 : memref<10000xf32, #tpu.memory_space<hbm>>) dst(%arg12 : memref<10000xf32, #tpu.memory_space<vmem>>)
      tpu.yield
    }) : () -> ()
    %run_scoped3A_1 = arith.constant 0 : i32
    "tpu.region"() ({
      %run_scoped3A_35 = tpu.sem_alloc : memref<!tpu.dma_semaphore, #tpu.memory_space<semaphore_mem>>
      %dma_start3A = arith.constant 0 : i32
      %dma_start3A_36 = tpu.memref_slice %arg6[%arg0, %run_scoped3A_1, %dma_start3A] : memref<2x1x10000xf32, #tpu.memory_space<hbm>> -> memref<1x1x10000xf32, #tpu.memory_space<hbm>>
      %dma_start3A_37 = tpu.memref_squeeze %dma_start3A_36 : memref<1x1x10000xf32, #tpu.memory_space<hbm>> -> memref<10000xf32, #tpu.memory_space<hbm>>
      %dma_start3A_38 = arith.constant 0 : i32
      %dma_start3A_39 = tpu.memref_slice %arg6[%arg0, %run_scoped3A_1, %dma_start3A_38] : memref<2x1x10000xf32, #tpu.memory_space<hbm>> -> memref<1x1x10000xf32, #tpu.memory_space<hbm>>
      %dma_start3A_40 = tpu.memref_squeeze %dma_start3A_39 : memref<1x1x10000xf32, #tpu.memory_space<hbm>> -> memref<10000xf32, #tpu.memory_space<hbm>>
      tpu.enqueue_dma source(%dma_start3A_40 : memref<10000xf32, #tpu.memory_space<hbm>>) target(%arg13 : memref<10000xf32, #tpu.memory_space<vmem>>) target_semaphore(%run_scoped3A_35 : memref<!tpu.dma_semaphore, #tpu.memory_space<semaphore_mem>>)
      %dma_wait3A = arith.constant 0 : i32
      %dma_wait3A_41 = tpu.memref_slice %arg6[%arg0, %run_scoped3A_1, %dma_wait3A] : memref<2x1x10000xf32, #tpu.memory_space<hbm>> -> memref<1x1x10000xf32, #tpu.memory_space<hbm>>
      %dma_wait3A_42 = tpu.memref_squeeze %dma_wait3A_41 : memref<1x1x10000xf32, #tpu.memory_space<hbm>> -> memref<10000xf32, #tpu.memory_space<hbm>>
      %dma_wait3A_43 = arith.constant 0 : i32
      %dma_wait3A_44 = tpu.memref_slice %arg6[%arg0, %run_scoped3A_1, %dma_wait3A_43] : memref<2x1x10000xf32, #tpu.memory_space<hbm>> -> memref<1x1x10000xf32, #tpu.memory_space<hbm>>
      %dma_wait3A_45 = tpu.memref_squeeze %dma_wait3A_44 : memref<1x1x10000xf32, #tpu.memory_space<hbm>> -> memref<10000xf32, #tpu.memory_space<hbm>>
      tpu.wait_dma2 semaphore(%run_scoped3A_35 : memref<!tpu.dma_semaphore, #tpu.memory_space<semaphore_mem>>) src(%dma_wait3A_45 : memref<10000xf32, #tpu.memory_space<hbm>>) dst(%arg13 : memref<10000xf32, #tpu.memory_space<vmem>>)
      tpu.yield
    }) : () -> ()
    %broadcast_in_dim3A = arith.constant 0.000000e+00 : f32
    %broadcast_in_dim3A_2 = vector.broadcast %broadcast_in_dim3A : f32 to vector<16xf32>
    %scan3A = arith.constant 0 : i32
    %scan3A_3 = arith.constant 0 : i32
    %scan3A_4 = arith.constant 128 : i32
    %scan3A_5 = arith.addi %scan3A_3, %scan3A_4 : i32
    %scan3A_6 = arith.constant 1 : i32
    scf.for %scan3A_35 = %scan3A_3 to %scan3A_5 step %scan3A_6  : i32 {
      %swap3A = arith.index_cast %scan3A_35 : i32 to index
      %swap3A_36 = arith.constant 0 : index
      %swap3A_37 = tpu.vector_load %arg21[%swap3A, %swap3A_36] {strides = array<i32>} : memref<128x80xf32, #tpu.memory_space<vmem>>, vector<16xf32>,
      tpu.vector_store %arg21[%swap3A, %swap3A_36], %broadcast_in_dim3A_2 {strides = array<i32>} : memref<128x80xf32, #tpu.memory_space<vmem>>, vector<16xf32>,
      %swap3A_38 = arith.index_cast %scan3A_35 : i32 to index
      %swap3A_39 = arith.constant 16 : index
      %swap3A_40 = tpu.vector_load %arg21[%swap3A_38, %swap3A_39] {strides = array<i32>} : memref<128x80xf32, #tpu.memory_space<vmem>>, vector<16xf32>,
      tpu.vector_store %arg21[%swap3A_38, %swap3A_39], %broadcast_in_dim3A_2 {strides = array<i32>} : memref<128x80xf32, #tpu.memory_space<vmem>>, vector<16xf32>,
      %swap3A_41 = arith.index_cast %scan3A_35 : i32 to index
      %swap3A_42 = arith.constant 32 : index
      %swap3A_43 = tpu.vector_load %arg21[%swap3A_41, %swap3A_42] {strides = array<i32>} : memref<128x80xf32, #tpu.memory_space<vmem>>, vector<16xf32>,
      tpu.vector_store %arg21[%swap3A_41, %swap3A_42], %broadcast_in_dim3A_2 {strides = array<i32>} : memref<128x80xf32, #tpu.memory_space<vmem>>, vector<16xf32>,
      %swap3A_44 = arith.index_cast %scan3A_35 : i32 to index
      %swap3A_45 = arith.constant 48 : index
      %swap3A_46 = tpu.vector_load %arg21[%swap3A_44, %swap3A_45] {strides = array<i32>} : memref<128x80xf32, #tpu.memory_space<vmem>>, vector<16xf32>,
      tpu.vector_store %arg21[%swap3A_44, %swap3A_45], %broadcast_in_dim3A_2 {strides = array<i32>} : memref<128x80xf32, #tpu.memory_space<vmem>>, vector<16xf32>,
      %swap3A_47 = arith.index_cast %scan3A_35 : i32 to index
      %swap3A_48 = arith.constant 64 : index
      %swap3A_49 = tpu.vector_load %arg21[%swap3A_47, %swap3A_48] {strides = array<i32>} : memref<128x80xf32, #tpu.memory_space<vmem>>, vector<16xf32>,
      tpu.vector_store %arg21[%swap3A_47, %swap3A_48], %broadcast_in_dim3A_2 {strides = array<i32>} : memref<128x80xf32, #tpu.memory_space<vmem>>, vector<16xf32>,
    }
    %scan3A_7 = arith.constant 128 : i32
    %mul3A = arith.constant 640 : i32
    %mul3A_8 = arith.muli %arg1, %mul3A : i32
    %add3A = arith.constant 0 : i32
    %add3A_9 = arith.addi %mul3A_8, %add3A : i32
    "tpu.region"() ({
      %run_scoped3A_35 = tpu.sem_alloc : memref<!tpu.dma_semaphore, #tpu.memory_space<semaphore_mem>>
      %dma_start3A = arith.constant 0 : i32
      %dma_start3A_36 = tpu.memref_slice %arg22[%add3A_9, %dma_start3A] : memref<10240x80xf32, #tpu.memory_space<vmem_shared>> -> memref<128x80xf32, #tpu.memory_space<vmem_shared>>
      %dma_start3A_37 = arith.constant 0 : i32
      %dma_start3A_38 = tpu.memref_slice %arg22[%add3A_9, %dma_start3A_37] : memref<10240x80xf32, #tpu.memory_space<vmem_shared>> -> memref<128x80xf32, #tpu.memory_space<vmem_shared>>
      tpu.enqueue_dma source(%arg21 : memref<128x80xf32, #tpu.memory_space<vmem>>) target(%dma_start3A_38 : memref<128x80xf32, #tpu.memory_space<vmem_shared>>) target_semaphore(%run_scoped3A_35 : memref<!tpu.dma_semaphore, #tpu.memory_space<semaphore_mem>>)
      %dma_wait3A = arith.constant 0 : i32
      %dma_wait3A_39 = tpu.memref_slice %arg22[%add3A_9, %dma_wait3A] : memref<10240x80xf32, #tpu.memory_space<vmem_shared>> -> memref<128x80xf32, #tpu.memory_space<vmem_shared>>
      %dma_wait3A_40 = arith.constant 0 : i32
      %dma_wait3A_41 = tpu.memref_slice %arg22[%add3A_9, %dma_wait3A_40] : memref<10240x80xf32, #tpu.memory_space<vmem_shared>> -> memref<128x80xf32, #tpu.memory_space<vmem_shared>>
      tpu.wait_dma2 semaphore(%run_scoped3A_35 : memref<!tpu.dma_semaphore, #tpu.memory_space<semaphore_mem>>) src(%arg21 : memref<128x80xf32, #tpu.memory_space<vmem>>) dst(%dma_wait3A_41 : memref<128x80xf32, #tpu.memory_space<vmem_shared>>)
      tpu.yield
    }) : () -> ()
    %mul3A_10 = arith.constant 640 : i32
    %mul3A_11 = arith.muli %arg1, %mul3A_10 : i32
    %add3A_12 = arith.constant 128 : i32
    %add3A_13 = arith.addi %mul3A_11, %add3A_12 : i32
    "tpu.region"() ({
      %run_scoped3A_35 = tpu.sem_alloc : memref<!tpu.dma_semaphore, #tpu.memory_space<semaphore_mem>>
      %dma_start3A = arith.constant 0 : i32
      %dma_start3A_36 = tpu.memref_slice %arg22[%add3A_13, %dma_start3A] : memref<10240x80xf32, #tpu.memory_space<vmem_shared>> -> memref<128x80xf32, #tpu.memory_space<vmem_shared>>
      %dma_start3A_37 = arith.constant 0 : i32
      %dma_start3A_38 = tpu.memref_slice %arg22[%add3A_13, %dma_start3A_37] : memref<10240x80xf32, #tpu.memory_space<vmem_shared>> -> memref<128x80xf32, #tpu.memory_space<vmem_shared>>
      tpu.enqueue_dma source(%arg21 : memref<128x80xf32, #tpu.memory_space<vmem>>) target(%dma_start3A_38 : memref<128x80xf32, #tpu.memory_space<vmem_shared>>) target_semaphore(%run_scoped3A_35 : memref<!tpu.dma_semaphore, #tpu.memory_space<semaphore_mem>>)
      %dma_wait3A = arith.constant 0 : i32
      %dma_wait3A_39 = tpu.memref_slice %arg22[%add3A_13, %dma_wait3A] : memref<10240x80xf32, #tpu.memory_space<vmem_shared>> -> memref<128x80xf32, #tpu.memory_space<vmem_shared>>
      %dma_wait3A_40 = arith.constant 0 : i32
      %dma_wait3A_41 = tpu.memref_slice %arg22[%add3A_13, %dma_wait3A_40] : memref<10240x80xf32, #tpu.memory_space<vmem_shared>> -> memref<128x80xf32, #tpu.memory_space<vmem_shared>>
      tpu.wait_dma2 semaphore(%run_scoped3A_35 : memref<!tpu.dma_semaphore, #tpu.memory_space<semaphore_mem>>) src(%arg21 : memref<128x80xf32, #tpu.memory_space<vmem>>) dst(%dma_wait3A_41 : memref<128x80xf32, #tpu.memory_space<vmem_shared>>)
      tpu.yield
    }) : () -> ()
    %mul3A_14 = arith.constant 640 : i32
    %mul3A_15 = arith.muli %arg1, %mul3A_14 : i32
    %add3A_16 = arith.constant 256 : i32
    %add3A_17 = arith.addi %mul3A_15, %add3A_16 : i32
    "tpu.region"() ({
      %run_scoped3A_35 = tpu.sem_alloc : memref<!tpu.dma_semaphore, #tpu.memory_space<semaphore_mem>>
      %dma_start3A = arith.constant 0 : i32
      %dma_start3A_36 = tpu.memref_slice %arg22[%add3A_17, %dma_start3A] : memref<10240x80xf32, #tpu.memory_space<vmem_shared>> -> memref<128x80xf32, #tpu.memory_space<vmem_shared>>
      %dma_start3A_37 = arith.constant 0 : i32
      %dma_start3A_38 = tpu.memref_slice %arg22[%add3A_17, %dma_start3A_37] : memref<10240x80xf32, #tpu.memory_space<vmem_shared>> -> memref<128x80xf32, #tpu.memory_space<vmem_shared>>
      tpu.enqueue_dma source(%arg21 : memref<128x80xf32, #tpu.memory_space<vmem>>) target(%dma_start3A_38 : memref<128x80xf32, #tpu.memory_space<vmem_shared>>) target_semaphore(%run_scoped3A_35 : memref<!tpu.dma_semaphore, #tpu.memory_space<semaphore_mem>>)
      %dma_wait3A = arith.constant 0 : i32
      %dma_wait3A_39 = tpu.memref_slice %arg22[%add3A_17, %dma_wait3A] : memref<10240x80xf32, #tpu.memory_space<vmem_shared>> -> memref<128x80xf32, #tpu.memory_space<vmem_shared>>
      %dma_wait3A_40 = arith.constant 0 : i32
      %dma_wait3A_41 = tpu.memref_slice %arg22[%add3A_17, %dma_wait3A_40] : memref<10240x80xf32, #tpu.memory_space<vmem_shared>> -> memref<128x80xf32, #tpu.memory_space<vmem_shared>>
      tpu.wait_dma2 semaphore(%run_scoped3A_35 : memref<!tpu.dma_semaphore, #tpu.memory_space<semaphore_mem>>) src(%arg21 : memref<128x80xf32, #tpu.memory_space<vmem>>) dst(%dma_wait3A_41 : memref<128x80xf32, #tpu.memory_space<vmem_shared>>)
      tpu.yield
    }) : () -> ()
    %mul3A_18 = arith.constant 640 : i32
    %mul3A_19 = arith.muli %arg1, %mul3A_18 : i32
    %add3A_20 = arith.constant 384 : i32
    %add3A_21 = arith.addi %mul3A_19, %add3A_20 : i32
    "tpu.region"() ({
      %run_scoped3A_35 = tpu.sem_alloc : memref<!tpu.dma_semaphore, #tpu.memory_space<semaphore_mem>>
      %dma_start3A = arith.constant 0 : i32
      %dma_start3A_36 = tpu.memref_slice %arg22[%add3A_21, %dma_start3A] : memref<10240x80xf32, #tpu.memory_space<vmem_shared>> -> memref<128x80xf32, #tpu.memory_space<vmem_shared>>
      %dma_start3A_37 = arith.constant 0 : i32
      %dma_start3A_38 = tpu.memref_slice %arg22[%add3A_21, %dma_start3A_37] : memref<10240x80xf32, #tpu.memory_space<vmem_shared>> -> memref<128x80xf32, #tpu.memory_space<vmem_shared>>
      tpu.enqueue_dma source(%arg21 : memref<128x80xf32, #tpu.memory_space<vmem>>) target(%dma_start3A_38 : memref<128x80xf32, #tpu.memory_space<vmem_shared>>) target_semaphore(%run_scoped3A_35 : memref<!tpu.dma_semaphore, #tpu.memory_space<semaphore_mem>>)
      %dma_wait3A = arith.constant 0 : i32
      %dma_wait3A_39 = tpu.memref_slice %arg22[%add3A_21, %dma_wait3A] : memref<10240x80xf32, #tpu.memory_space<vmem_shared>> -> memref<128x80xf32, #tpu.memory_space<vmem_shared>>
      %dma_wait3A_40 = arith.constant 0 : i32
      %dma_wait3A_41 = tpu.memref_slice %arg22[%add3A_21, %dma_wait3A_40] : memref<10240x80xf32, #tpu.memory_space<vmem_shared>> -> memref<128x80xf32, #tpu.memory_space<vmem_shared>>
      tpu.wait_dma2 semaphore(%run_scoped3A_35 : memref<!tpu.dma_semaphore, #tpu.memory_space<semaphore_mem>>) src(%arg21 : memref<128x80xf32, #tpu.memory_space<vmem>>) dst(%dma_wait3A_41 : memref<128x80xf32, #tpu.memory_space<vmem_shared>>)
      tpu.yield
    }) : () -> ()
    %mul3A_22 = arith.constant 640 : i32
    %mul3A_23 = arith.muli %arg1, %mul3A_22 : i32
    %add3A_24 = arith.constant 512 : i32
    %add3A_25 = arith.addi %mul3A_23, %add3A_24 : i32
    "tpu.region"() ({
      %run_scoped3A_35 = tpu.sem_alloc : memref<!tpu.dma_semaphore, #tpu.memory_space<semaphore_mem>>
      %dma_start3A = arith.constant 0 : i32
      %dma_start3A_36 = tpu.memref_slice %arg22[%add3A_25, %dma_start3A] : memref<10240x80xf32, #tpu.memory_space<vmem_shared>> -> memref<128x80xf32, #tpu.memory_space<vmem_shared>>
      %dma_start3A_37 = arith.constant 0 : i32
      %dma_start3A_38 = tpu.memref_slice %arg22[%add3A_25, %dma_start3A_37] : memref<10240x80xf32, #tpu.memory_space<vmem_shared>> -> memref<128x80xf32, #tpu.memory_space<vmem_shared>>
      tpu.enqueue_dma source(%arg21 : memref<128x80xf32, #tpu.memory_space<vmem>>) target(%dma_start3A_38 : memref<128x80xf32, #tpu.memory_space<vmem_shared>>) target_semaphore(%run_scoped3A_35 : memref<!tpu.dma_semaphore, #tpu.memory_space<semaphore_mem>>)
      %dma_wait3A = arith.constant 0 : i32
      %dma_wait3A_39 = tpu.memref_slice %arg22[%add3A_25, %dma_wait3A] : memref<10240x80xf32, #tpu.memory_space<vmem_shared>> -> memref<128x80xf32, #tpu.memory_space<vmem_shared>>
      %dma_wait3A_40 = arith.constant 0 : i32
      %dma_wait3A_41 = tpu.memref_slice %arg22[%add3A_25, %dma_wait3A_40] : memref<10240x80xf32, #tpu.memory_space<vmem_shared>> -> memref<128x80xf32, #tpu.memory_space<vmem_shared>>
      tpu.wait_dma2 semaphore(%run_scoped3A_35 : memref<!tpu.dma_semaphore, #tpu.memory_space<semaphore_mem>>) src(%arg21 : memref<128x80xf32, #tpu.memory_space<vmem>>) dst(%dma_wait3A_41 : memref<128x80xf32, #tpu.memory_space<vmem_shared>>)
      tpu.yield
    }) : () -> ()
    %barrier3A = arith.constant 0 : index
    tpu.barrier barrier_id(%barrier3A)
    %scan3A_26 = arith.constant 0 : i32
    %scan3A_27 = arith.constant 0 : i32
    %scan3A_28 = arith.constant 10 : i32
    %scan3A_29 = arith.addi %scan3A_27, %scan3A_28 : i32
    %scan3A_30 = arith.constant 1 : i32
    scf.for %scan3A_35 = %scan3A_27 to %scan3A_29 step %scan3A_30  : i32 {
      %mul3A_36 = arith.constant 250 : i32
      %mul3A_37 = arith.muli %arg1, %mul3A_36 : i32
      %mul3A_38 = arith.constant 25 : i32
      %mul3A_39 = arith.muli %scan3A_35, %mul3A_38 : i32
      %add3A_40 = arith.addi %mul3A_37, %mul3A_39 : i32
      "tpu.region"() ({
        %run_scoped3A_47 = tpu.sem_alloc : memref<!tpu.dma_semaphore, #tpu.memory_space<semaphore_mem>>
        %dma_start3A = arith.constant 0 : i32
        %dma_start3A_48 = arith.constant 0 : i32
        %dma_start3A_49 = tpu.memref_slice %arg7[%arg0, %add3A_40, %dma_start3A, %dma_start3A_48] : memref<2x4000x1x80xi32, #tpu.memory_space<hbm>> -> memref<1x25x1x80xi32, #tpu.memory_space<hbm>>
        %dma_start3A_50 = tpu.memref_squeeze %dma_start3A_49 : memref<1x25x1x80xi32, #tpu.memory_space<hbm>> -> memref<25x1x80xi32, #tpu.memory_space<hbm>>
        %dma_start3A_51 = arith.constant 0 : i32
        %dma_start3A_52 = arith.constant 0 : i32
        %dma_start3A_53 = tpu.memref_slice %arg7[%arg0, %add3A_40, %dma_start3A_51, %dma_start3A_52] : memref<2x4000x1x80xi32, #tpu.memory_space<hbm>> -> memref<1x25x1x80xi32, #tpu.memory_space<hbm>>
        %dma_start3A_54 = tpu.memref_squeeze %dma_start3A_53 : memref<1x25x1x80xi32, #tpu.memory_space<hbm>> -> memref<25x1x80xi32, #tpu.memory_space<hbm>>
        tpu.enqueue_dma source(%dma_start3A_54 : memref<25x1x80xi32, #tpu.memory_space<hbm>>) target(%arg14 : memref<25x1x80xi32, #tpu.memory_space<vmem>>) target_semaphore(%run_scoped3A_47 : memref<!tpu.dma_semaphore, #tpu.memory_space<semaphore_mem>>)
        %dma_wait3A = arith.constant 0 : i32
        %dma_wait3A_55 = arith.constant 0 : i32
        %dma_wait3A_56 = tpu.memref_slice %arg7[%arg0, %add3A_40, %dma_wait3A, %dma_wait3A_55] : memref<2x4000x1x80xi32, #tpu.memory_space<hbm>> -> memref<1x25x1x80xi32, #tpu.memory_space<hbm>>
        %dma_wait3A_57 = tpu.memref_squeeze %dma_wait3A_56 : memref<1x25x1x80xi32, #tpu.memory_space<hbm>> -> memref<25x1x80xi32, #tpu.memory_space<hbm>>
        %dma_wait3A_58 = arith.constant 0 : i32
        %dma_wait3A_59 = arith.constant 0 : i32
        %dma_wait3A_60 = tpu.memref_slice %arg7[%arg0, %add3A_40, %dma_wait3A_58, %dma_wait3A_59] : memref<2x4000x1x80xi32, #tpu.memory_space<hbm>> -> memref<1x25x1x80xi32, #tpu.memory_space<hbm>>
        %dma_wait3A_61 = tpu.memref_squeeze %dma_wait3A_60 : memref<1x25x1x80xi32, #tpu.memory_space<hbm>> -> memref<25x1x80xi32, #tpu.memory_space<hbm>>
        tpu.wait_dma2 semaphore(%run_scoped3A_47 : memref<!tpu.dma_semaphore, #tpu.memory_space<semaphore_mem>>) src(%dma_wait3A_61 : memref<25x1x80xi32, #tpu.memory_space<hbm>>) dst(%arg14 : memref<25x1x80xi32, #tpu.memory_space<vmem>>)
        tpu.yield
      }) : () -> ()
      "tpu.region"() ({
        %run_scoped3A_47 = tpu.sem_alloc : memref<!tpu.dma_semaphore, #tpu.memory_space<semaphore_mem>>
        %dma_start3A = arith.constant 0 : i32
        %dma_start3A_48 = arith.constant 0 : i32
        %dma_start3A_49 = tpu.memref_slice %arg8[%arg0, %add3A_40, %dma_start3A, %dma_start3A_48] : memref<2x4000x1x80xi32, #tpu.memory_space<hbm>> -> memref<1x25x1x80xi32, #tpu.memory_space<hbm>>
        %dma_start3A_50 = tpu.memref_squeeze %dma_start3A_49 : memref<1x25x1x80xi32, #tpu.memory_space<hbm>> -> memref<25x1x80xi32, #tpu.memory_space<hbm>>
        %dma_start3A_51 = arith.constant 0 : i32
        %dma_start3A_52 = arith.constant 0 : i32
        %dma_start3A_53 = tpu.memref_slice %arg8[%arg0, %add3A_40, %dma_start3A_51, %dma_start3A_52] : memref<2x4000x1x80xi32, #tpu.memory_space<hbm>> -> memref<1x25x1x80xi32, #tpu.memory_space<hbm>>
        %dma_start3A_54 = tpu.memref_squeeze %dma_start3A_53 : memref<1x25x1x80xi32, #tpu.memory_space<hbm>> -> memref<25x1x80xi32, #tpu.memory_space<hbm>>
        tpu.enqueue_dma source(%dma_start3A_54 : memref<25x1x80xi32, #tpu.memory_space<hbm>>) target(%arg15 : memref<25x1x80xi32, #tpu.memory_space<vmem>>) target_semaphore(%run_scoped3A_47 : memref<!tpu.dma_semaphore, #tpu.memory_space<semaphore_mem>>)
        %dma_wait3A = arith.constant 0 : i32
        %dma_wait3A_55 = arith.constant 0 : i32
        %dma_wait3A_56 = tpu.memref_slice %arg8[%arg0, %add3A_40, %dma_wait3A, %dma_wait3A_55] : memref<2x4000x1x80xi32, #tpu.memory_space<hbm>> -> memref<1x25x1x80xi32, #tpu.memory_space<hbm>>
        %dma_wait3A_57 = tpu.memref_squeeze %dma_wait3A_56 : memref<1x25x1x80xi32, #tpu.memory_space<hbm>> -> memref<25x1x80xi32, #tpu.memory_space<hbm>>
        %dma_wait3A_58 = arith.constant 0 : i32
        %dma_wait3A_59 = arith.constant 0 : i32
        %dma_wait3A_60 = tpu.memref_slice %arg8[%arg0, %add3A_40, %dma_wait3A_58, %dma_wait3A_59] : memref<2x4000x1x80xi32, #tpu.memory_space<hbm>> -> memref<1x25x1x80xi32, #tpu.memory_space<hbm>>
        %dma_wait3A_61 = tpu.memref_squeeze %dma_wait3A_60 : memref<1x25x1x80xi32, #tpu.memory_space<hbm>> -> memref<25x1x80xi32, #tpu.memory_space<hbm>>
        tpu.wait_dma2 semaphore(%run_scoped3A_47 : memref<!tpu.dma_semaphore, #tpu.memory_space<semaphore_mem>>) src(%dma_wait3A_61 : memref<25x1x80xi32, #tpu.memory_space<hbm>>) dst(%arg15 : memref<25x1x80xi32, #tpu.memory_space<vmem>>)
        tpu.yield
      }) : () -> ()
      "tpu.region"() ({
        %run_scoped3A_47 = tpu.sem_alloc : memref<!tpu.dma_semaphore, #tpu.memory_space<semaphore_mem>>
        %dma_start3A = arith.constant 0 : i32
        %dma_start3A_48 = arith.constant 0 : i32
        %dma_start3A_49 = tpu.memref_slice %arg9[%arg0, %add3A_40, %dma_start3A, %dma_start3A_48] : memref<2x4000x1x80xi32, #tpu.memory_space<hbm>> -> memref<1x25x1x80xi32, #tpu.memory_space<hbm>>
        %dma_start3A_50 = tpu.memref_squeeze %dma_start3A_49 : memref<1x25x1x80xi32, #tpu.memory_space<hbm>> -> memref<25x1x80xi32, #tpu.memory_space<hbm>>
        %dma_start3A_51 = arith.constant 0 : i32
        %dma_start3A_52 = arith.constant 0 : i32
        %dma_start3A_53 = tpu.memref_slice %arg9[%arg0, %add3A_40, %dma_start3A_51, %dma_start3A_52] : memref<2x4000x1x80xi32, #tpu.memory_space<hbm>> -> memref<1x25x1x80xi32, #tpu.memory_space<hbm>>
        %dma_start3A_54 = tpu.memref_squeeze %dma_start3A_53 : memref<1x25x1x80xi32, #tpu.memory_space<hbm>> -> memref<25x1x80xi32, #tpu.memory_space<hbm>>
        tpu.enqueue_dma source(%dma_start3A_54 : memref<25x1x80xi32, #tpu.memory_space<hbm>>) target(%arg16 : memref<25x1x80xi32, #tpu.memory_space<vmem>>) target_semaphore(%run_scoped3A_47 : memref<!tpu.dma_semaphore, #tpu.memory_space<semaphore_mem>>)
        %dma_wait3A = arith.constant 0 : i32
        %dma_wait3A_55 = arith.constant 0 : i32
        %dma_wait3A_56 = tpu.memref_slice %arg9[%arg0, %add3A_40, %dma_wait3A, %dma_wait3A_55] : memref<2x4000x1x80xi32, #tpu.memory_space<hbm>> -> memref<1x25x1x80xi32, #tpu.memory_space<hbm>>
        %dma_wait3A_57 = tpu.memref_squeeze %dma_wait3A_56 : memref<1x25x1x80xi32, #tpu.memory_space<hbm>> -> memref<25x1x80xi32, #tpu.memory_space<hbm>>
        %dma_wait3A_58 = arith.constant 0 : i32
        %dma_wait3A_59 = arith.constant 0 : i32
        %dma_wait3A_60 = tpu.memref_slice %arg9[%arg0, %add3A_40, %dma_wait3A_58, %dma_wait3A_59] : memref<2x4000x1x80xi32, #tpu.memory_space<hbm>> -> memref<1x25x1x80xi32, #tpu.memory_space<hbm>>
        %dma_wait3A_61 = tpu.memref_squeeze %dma_wait3A_60 : memref<1x25x1x80xi32, #tpu.memory_space<hbm>> -> memref<25x1x80xi32, #tpu.memory_space<hbm>>
        tpu.wait_dma2 semaphore(%run_scoped3A_47 : memref<!tpu.dma_semaphore, #tpu.memory_space<semaphore_mem>>) src(%dma_wait3A_61 : memref<25x1x80xi32, #tpu.memory_space<hbm>>) dst(%arg16 : memref<25x1x80xi32, #tpu.memory_space<vmem>>)
        tpu.yield
      }) : () -> ()
      %scan3A_41 = arith.constant 0 : i32
      %scan3A_42 = arith.constant 0 : i32
      %scan3A_43 = arith.constant 25 : i32
      %scan3A_44 = arith.addi %scan3A_42, %scan3A_43 : i32
      %scan3A_45 = arith.constant 1 : i32
      scf.for %scan3A_47 = %scan3A_42 to %scan3A_44 step %scan3A_45  : i32 {
        %dma_start3A = arith.constant 0 : i32
        %dma_start3A_48 = arith.constant 0 : i32
        %dma_start3A_49 = tpu.memref_slice %arg15[%scan3A_47, %dma_start3A, %dma_start3A_48] : memref<25x1x80xi32, #tpu.memory_space<vmem>> -> memref<1x1x80xi32, #tpu.memory_space<vmem>>
        %dma_start3A_50 = tpu.memref_squeeze %dma_start3A_49 : memref<1x1x80xi32, #tpu.memory_space<vmem>> -> memref<80xi32, #tpu.memory_space<vmem>>
        %dma_start3A_51 = arith.constant 0 : i32
        %dma_start3A_52 = arith.constant 0 : i32
        %dma_start3A_53 = tpu.memref_slice %arg2[%dma_start3A_51, %dma_start3A_52] : memref<20000x64xf32, #tpu.memory_space<hbm>> -> memref<20000x64xf32, #tpu.memory_space<hbm>>
        tpu.enqueue_indirect_dma source(%dma_start3A_53 : memref<20000x64xf32, #tpu.memory_space<hbm>>) target(%arg17 : memref<80x64xf32, #tpu.memory_space<vmem>>) offsets(%dma_start3A_50 : memref<80xi32, #tpu.memory_space<vmem>>) semaphore(%arg23 : memref<!tpu.dma_semaphore, #tpu.memory_space<semaphore_mem>>)
        %dma_start3A_54 = arith.constant 0 : i32
        %dma_start3A_55 = arith.constant 0 : i32
        %dma_start3A_56 = tpu.memref_slice %arg16[%scan3A_47, %dma_start3A_54, %dma_start3A_55] : memref<25x1x80xi32, #tpu.memory_space<vmem>> -> memref<1x1x80xi32, #tpu.memory_space<vmem>>
        %dma_start3A_57 = tpu.memref_squeeze %dma_start3A_56 : memref<1x1x80xi32, #tpu.memory_space<vmem>> -> memref<80xi32, #tpu.memory_space<vmem>>
        %dma_start3A_58 = arith.constant 0 : i32
        %dma_start3A_59 = arith.constant 0 : i32
        %dma_start3A_60 = tpu.memref_slice %arg3[%dma_start3A_58, %dma_start3A_59] : memref<20000x64xf32, #tpu.memory_space<hbm>> -> memref<20000x64xf32, #tpu.memory_space<hbm>>
        tpu.enqueue_indirect_dma source(%dma_start3A_60 : memref<20000x64xf32, #tpu.memory_space<hbm>>) target(%arg18 : memref<80x64xf32, #tpu.memory_space<vmem>>) offsets(%dma_start3A_57 : memref<80xi32, #tpu.memory_space<vmem>>) semaphore(%arg24 : memref<!tpu.dma_semaphore, #tpu.memory_space<semaphore_mem>>)
        %get3A = arith.constant 0 : i32
        %get3A_61 = arith.index_cast %scan3A_47 : i32 to index
        %get3A_62 = arith.index_cast %get3A : i32 to index
        %get3A_63 = arith.constant 0 : index
        %get3A_64 = tpu.vector_load %arg14[%get3A_61, %get3A_62, %get3A_63] {strides = array<i32>} : memref<25x1x80xi32, #tpu.memory_space<vmem>>, vector<16xi32>,
        %get3A_65 = arith.constant 0 : i32
        %get3A_66 = arith.index_cast %scan3A_47 : i32 to index
        %get3A_67 = arith.index_cast %get3A_65 : i32 to index
        %get3A_68 = arith.constant 0 : index
        %get3A_69 = tpu.vector_load %arg15[%get3A_66, %get3A_67, %get3A_68] {strides = array<i32>} : memref<25x1x80xi32, #tpu.memory_space<vmem>>, vector<16xi32>,
        %get3A_70 = arith.constant 0 : i32
        %get3A_71 = arith.index_cast %scan3A_47 : i32 to index
        %get3A_72 = arith.index_cast %get3A_70 : i32 to index
        %get3A_73 = arith.constant 0 : index
        %get3A_74 = tpu.vector_load %arg16[%get3A_71, %get3A_72, %get3A_73] {strides = array<i32>} : memref<25x1x80xi32, #tpu.memory_space<vmem>>, vector<16xi32>,
        %gather3A = tpu.vector_load_idx %arg11[%get3A_64] : memref<10000xf32, #tpu.memory_space<vmem>>[vector<16xi32>], vector<16xf32>,
        %gather3A_75 = tpu.vector_load_idx %arg12[%get3A_69] : memref<10000xf32, #tpu.memory_space<vmem>>[vector<16xi32>], vector<16xf32>,
        %gather3A_76 = tpu.vector_load_idx %arg13[%get3A_74] : memref<10000xf32, #tpu.memory_space<vmem>>[vector<16xi32>], vector<16xf32>,
        %add3A_77 = arith.addf %gather3A, %gather3A_75 : vector<16xf32>
        %add3A_78 = arith.addf %add3A_77, %gather3A_76 : vector<16xf32>
        %add3A_79 = arith.addf %add3A_78, %add3A_78 : vector<16xf32>
        %exp3A = math.exp %add3A_79 : vector<16xf32>
        %add3A_80 = arith.constant 1.000000e+00 : f32
        %add3A_81 = vector.broadcast %add3A_80 : f32 to vector<16xf32>
        %add3A_82 = arith.addf %exp3A, %add3A_81 : vector<16xf32>
        %div3A = arith.constant 2.000000e+00 : f32
        %div3A_83 = vector.broadcast %div3A : f32 to vector<16xf32>
        %div3A_84 = arith.divf %div3A_83, %add3A_82 : vector<16xf32>
        %sub3A = arith.constant 1.000000e+00 : f32
        %sub3A_85 = vector.broadcast %sub3A : f32 to vector<16xf32>
        %sub3A_86 = arith.subf %sub3A_85, %div3A_84 : vector<16xf32>
        %exp3A_87 = math.exp %sub3A_86 : vector<16xf32>
        %swap3A = arith.constant 0 : index
        %swap3A_88 = tpu.vector_load %arg20[%swap3A] {strides = array<i32>} : memref<80xf32, #tpu.memory_space<vmem>>, vector<16xf32>,
        tpu.vector_store %arg20[%swap3A], %exp3A_87 {strides = array<i32>} : memref<80xf32, #tpu.memory_space<vmem>>, vector<16xf32>,
        %get3A_89 = arith.constant 0 : i32
        %get3A_90 = arith.index_cast %scan3A_47 : i32 to index
        %get3A_91 = arith.index_cast %get3A_89 : i32 to index
        %get3A_92 = arith.constant 16 : index
        %get3A_93 = tpu.vector_load %arg14[%get3A_90, %get3A_91, %get3A_92] {strides = array<i32>} : memref<25x1x80xi32, #tpu.memory_space<vmem>>, vector<16xi32>,
        %get3A_94 = arith.constant 0 : i32
        %get3A_95 = arith.index_cast %scan3A_47 : i32 to index
        %get3A_96 = arith.index_cast %get3A_94 : i32 to index
        %get3A_97 = arith.constant 16 : index
        %get3A_98 = tpu.vector_load %arg15[%get3A_95, %get3A_96, %get3A_97] {strides = array<i32>} : memref<25x1x80xi32, #tpu.memory_space<vmem>>, vector<16xi32>,
        %get3A_99 = arith.constant 0 : i32
        %get3A_100 = arith.index_cast %scan3A_47 : i32 to index
        %get3A_101 = arith.index_cast %get3A_99 : i32 to index
        %get3A_102 = arith.constant 16 : index
        %get3A_103 = tpu.vector_load %arg16[%get3A_100, %get3A_101, %get3A_102] {strides = array<i32>} : memref<25x1x80xi32, #tpu.memory_space<vmem>>, vector<16xi32>,
        %gather3A_104 = tpu.vector_load_idx %arg11[%get3A_93] : memref<10000xf32, #tpu.memory_space<vmem>>[vector<16xi32>], vector<16xf32>,
        %gather3A_105 = tpu.vector_load_idx %arg12[%get3A_98] : memref<10000xf32, #tpu.memory_space<vmem>>[vector<16xi32>], vector<16xf32>,
        %gather3A_106 = tpu.vector_load_idx %arg13[%get3A_103] : memref<10000xf32, #tpu.memory_space<vmem>>[vector<16xi32>], vector<16xf32>,
        %add3A_107 = arith.addf %gather3A_104, %gather3A_105 : vector<16xf32>
        %add3A_108 = arith.addf %add3A_107, %gather3A_106 : vector<16xf32>
        %add3A_109 = arith.addf %add3A_108, %add3A_108 : vector<16xf32>
        %exp3A_110 = math.exp %add3A_109 : vector<16xf32>
        %add3A_111 = arith.constant 1.000000e+00 : f32
        %add3A_112 = vector.broadcast %add3A_111 : f32 to vector<16xf32>
        %add3A_113 = arith.addf %exp3A_110, %add3A_112 : vector<16xf32>
        %div3A_114 = arith.constant 2.000000e+00 : f32
        %div3A_115 = vector.broadcast %div3A_114 : f32 to vector<16xf32>
        %div3A_116 = arith.divf %div3A_115, %add3A_113 : vector<16xf32>
        %sub3A_117 = arith.constant 1.000000e+00 : f32
        %sub3A_118 = vector.broadcast %sub3A_117 : f32 to vector<16xf32>
        %sub3A_119 = arith.subf %sub3A_118, %div3A_116 : vector<16xf32>
        %exp3A_120 = math.exp %sub3A_119 : vector<16xf32>
        %swap3A_121 = arith.constant 16 : index
        %swap3A_122 = tpu.vector_load %arg20[%swap3A_121] {strides = array<i32>} : memref<80xf32, #tpu.memory_space<vmem>>, vector<16xf32>,
        tpu.vector_store %arg20[%swap3A_121], %exp3A_120 {strides = array<i32>} : memref<80xf32, #tpu.memory_space<vmem>>, vector<16xf32>,
        %get3A_123 = arith.constant 0 : i32
        %get3A_124 = arith.index_cast %scan3A_47 : i32 to index
        %get3A_125 = arith.index_cast %get3A_123 : i32 to index
        %get3A_126 = arith.constant 32 : index
        %get3A_127 = tpu.vector_load %arg14[%get3A_124, %get3A_125, %get3A_126] {strides = array<i32>} : memref<25x1x80xi32, #tpu.memory_space<vmem>>, vector<16xi32>,
        %get3A_128 = arith.constant 0 : i32
        %get3A_129 = arith.index_cast %scan3A_47 : i32 to index
        %get3A_130 = arith.index_cast %get3A_128 : i32 to index
        %get3A_131 = arith.constant 32 : index
        %get3A_132 = tpu.vector_load %arg15[%get3A_129, %get3A_130, %get3A_131] {strides = array<i32>} : memref<25x1x80xi32, #tpu.memory_space<vmem>>, vector<16xi32>,
        %get3A_133 = arith.constant 0 : i32
        %get3A_134 = arith.index_cast %scan3A_47 : i32 to index
        %get3A_135 = arith.index_cast %get3A_133 : i32 to index
        %get3A_136 = arith.constant 32 : index
        %get3A_137 = tpu.vector_load %arg16[%get3A_134, %get3A_135, %get3A_136] {strides = array<i32>} : memref<25x1x80xi32, #tpu.memory_space<vmem>>, vector<16xi32>,
        %gather3A_138 = tpu.vector_load_idx %arg11[%get3A_127] : memref<10000xf32, #tpu.memory_space<vmem>>[vector<16xi32>], vector<16xf32>,
        %gather3A_139 = tpu.vector_load_idx %arg12[%get3A_132] : memref<10000xf32, #tpu.memory_space<vmem>>[vector<16xi32>], vector<16xf32>,
        %gather3A_140 = tpu.vector_load_idx %arg13[%get3A_137] : memref<10000xf32, #tpu.memory_space<vmem>>[vector<16xi32>], vector<16xf32>,
        %add3A_141 = arith.addf %gather3A_138, %gather3A_139 : vector<16xf32>
        %add3A_142 = arith.addf %add3A_141, %gather3A_140 : vector<16xf32>
        %add3A_143 = arith.addf %add3A_142, %add3A_142 : vector<16xf32>
        %exp3A_144 = math.exp %add3A_143 : vector<16xf32>
        %add3A_145 = arith.constant 1.000000e+00 : f32
        %add3A_146 = vector.broadcast %add3A_145 : f32 to vector<16xf32>
        %add3A_147 = arith.addf %exp3A_144, %add3A_146 : vector<16xf32>
        %div3A_148 = arith.constant 2.000000e+00 : f32
        %div3A_149 = vector.broadcast %div3A_148 : f32 to vector<16xf32>
        %div3A_150 = arith.divf %div3A_149, %add3A_147 : vector<16xf32>
        %sub3A_151 = arith.constant 1.000000e+00 : f32
        %sub3A_152 = vector.broadcast %sub3A_151 : f32 to vector<16xf32>
        %sub3A_153 = arith.subf %sub3A_152, %div3A_150 : vector<16xf32>
        %exp3A_154 = math.exp %sub3A_153 : vector<16xf32>
        %swap3A_155 = arith.constant 32 : index
        %swap3A_156 = tpu.vector_load %arg20[%swap3A_155] {strides = array<i32>} : memref<80xf32, #tpu.memory_space<vmem>>, vector<16xf32>,
        tpu.vector_store %arg20[%swap3A_155], %exp3A_154 {strides = array<i32>} : memref<80xf32, #tpu.memory_space<vmem>>, vector<16xf32>,
        %get3A_157 = arith.constant 0 : i32
        %get3A_158 = arith.index_cast %scan3A_47 : i32 to index
        %get3A_159 = arith.index_cast %get3A_157 : i32 to index
        %get3A_160 = arith.constant 48 : index
        %get3A_161 = tpu.vector_load %arg14[%get3A_158, %get3A_159, %get3A_160] {strides = array<i32>} : memref<25x1x80xi32, #tpu.memory_space<vmem>>, vector<16xi32>,
        %get3A_162 = arith.constant 0 : i32
        %get3A_163 = arith.index_cast %scan3A_47 : i32 to index
        %get3A_164 = arith.index_cast %get3A_162 : i32 to index
        %get3A_165 = arith.constant 48 : index
        %get3A_166 = tpu.vector_load %arg15[%get3A_163, %get3A_164, %get3A_165] {strides = array<i32>} : memref<25x1x80xi32, #tpu.memory_space<vmem>>, vector<16xi32>,
        %get3A_167 = arith.constant 0 : i32
        %get3A_168 = arith.index_cast %scan3A_47 : i32 to index
        %get3A_169 = arith.index_cast %get3A_167 : i32 to index
        %get3A_170 = arith.constant 48 : index
        %get3A_171 = tpu.vector_load %arg16[%get3A_168, %get3A_169, %get3A_170] {strides = array<i32>} : memref<25x1x80xi32, #tpu.memory_space<vmem>>, vector<16xi32>,
        %gather3A_172 = tpu.vector_load_idx %arg11[%get3A_161] : memref<10000xf32, #tpu.memory_space<vmem>>[vector<16xi32>], vector<16xf32>,
        %gather3A_173 = tpu.vector_load_idx %arg12[%get3A_166] : memref<10000xf32, #tpu.memory_space<vmem>>[vector<16xi32>], vector<16xf32>,
        %gather3A_174 = tpu.vector_load_idx %arg13[%get3A_171] : memref<10000xf32, #tpu.memory_space<vmem>>[vector<16xi32>], vector<16xf32>,
        %add3A_175 = arith.addf %gather3A_172, %gather3A_173 : vector<16xf32>
        %add3A_176 = arith.addf %add3A_175, %gather3A_174 : vector<16xf32>
        %add3A_177 = arith.addf %add3A_176, %add3A_176 : vector<16xf32>
        %exp3A_178 = math.exp %add3A_177 : vector<16xf32>
        %add3A_179 = arith.constant 1.000000e+00 : f32
        %add3A_180 = vector.broadcast %add3A_179 : f32 to vector<16xf32>
        %add3A_181 = arith.addf %exp3A_178, %add3A_180 : vector<16xf32>
        %div3A_182 = arith.constant 2.000000e+00 : f32
        %div3A_183 = vector.broadcast %div3A_182 : f32 to vector<16xf32>
        %div3A_184 = arith.divf %div3A_183, %add3A_181 : vector<16xf32>
        %sub3A_185 = arith.constant 1.000000e+00 : f32
        %sub3A_186 = vector.broadcast %sub3A_185 : f32 to vector<16xf32>
        %sub3A_187 = arith.subf %sub3A_186, %div3A_184 : vector<16xf32>
        %exp3A_188 = math.exp %sub3A_187 : vector<16xf32>
        %swap3A_189 = arith.constant 48 : index
        %swap3A_190 = tpu.vector_load %arg20[%swap3A_189] {strides = array<i32>} : memref<80xf32, #tpu.memory_space<vmem>>, vector<16xf32>,
        tpu.vector_store %arg20[%swap3A_189], %exp3A_188 {strides = array<i32>} : memref<80xf32, #tpu.memory_space<vmem>>, vector<16xf32>,
        %get3A_191 = arith.constant 0 : i32
        %get3A_192 = arith.index_cast %scan3A_47 : i32 to index
        %get3A_193 = arith.index_cast %get3A_191 : i32 to index
        %get3A_194 = arith.constant 64 : index
        %get3A_195 = tpu.vector_load %arg14[%get3A_192, %get3A_193, %get3A_194] {strides = array<i32>} : memref<25x1x80xi32, #tpu.memory_space<vmem>>, vector<16xi32>,
        %get3A_196 = arith.constant 0 : i32
        %get3A_197 = arith.index_cast %scan3A_47 : i32 to index
        %get3A_198 = arith.index_cast %get3A_196 : i32 to index
        %get3A_199 = arith.constant 64 : index
        %get3A_200 = tpu.vector_load %arg15[%get3A_197, %get3A_198, %get3A_199] {strides = array<i32>} : memref<25x1x80xi32, #tpu.memory_space<vmem>>, vector<16xi32>,
        %get3A_201 = arith.constant 0 : i32
        %get3A_202 = arith.index_cast %scan3A_47 : i32 to index
        %get3A_203 = arith.index_cast %get3A_201 : i32 to index
        %get3A_204 = arith.constant 64 : index
        %get3A_205 = tpu.vector_load %arg16[%get3A_202, %get3A_203, %get3A_204] {strides = array<i32>} : memref<25x1x80xi32, #tpu.memory_space<vmem>>, vector<16xi32>,
        %gather3A_206 = tpu.vector_load_idx %arg11[%get3A_195] : memref<10000xf32, #tpu.memory_space<vmem>>[vector<16xi32>], vector<16xf32>,
        %gather3A_207 = tpu.vector_load_idx %arg12[%get3A_200] : memref<10000xf32, #tpu.memory_space<vmem>>[vector<16xi32>], vector<16xf32>,
        %gather3A_208 = tpu.vector_load_idx %arg13[%get3A_205] : memref<10000xf32, #tpu.memory_space<vmem>>[vector<16xi32>], vector<16xf32>,
        %add3A_209 = arith.addf %gather3A_206, %gather3A_207 : vector<16xf32>
        %add3A_210 = arith.addf %add3A_209, %gather3A_208 : vector<16xf32>
        %add3A_211 = arith.addf %add3A_210, %add3A_210 : vector<16xf32>
        %exp3A_212 = math.exp %add3A_211 : vector<16xf32>
        %add3A_213 = arith.constant 1.000000e+00 : f32
        %add3A_214 = vector.broadcast %add3A_213 : f32 to vector<16xf32>
        %add3A_215 = arith.addf %exp3A_212, %add3A_214 : vector<16xf32>
        %div3A_216 = arith.constant 2.000000e+00 : f32
        %div3A_217 = vector.broadcast %div3A_216 : f32 to vector<16xf32>
        %div3A_218 = arith.divf %div3A_217, %add3A_215 : vector<16xf32>
        %sub3A_219 = arith.constant 1.000000e+00 : f32
        %sub3A_220 = vector.broadcast %sub3A_219 : f32 to vector<16xf32>
        %sub3A_221 = arith.subf %sub3A_220, %div3A_218 : vector<16xf32>
        %exp3A_222 = math.exp %sub3A_221 : vector<16xf32>
        %swap3A_223 = arith.constant 64 : index
        %swap3A_224 = tpu.vector_load %arg20[%swap3A_223] {strides = array<i32>} : memref<80xf32, #tpu.memory_space<vmem>>, vector<16xf32>,
        tpu.vector_store %arg20[%swap3A_223], %exp3A_222 {strides = array<i32>} : memref<80xf32, #tpu.memory_space<vmem>>, vector<16xf32>,
        %dma_wait3A = arith.constant 0 : i32
        %dma_wait3A_225 = arith.constant 0 : i32
        %dma_wait3A_226 = tpu.memref_slice %arg15[%scan3A_47, %dma_wait3A, %dma_wait3A_225] : memref<25x1x80xi32, #tpu.memory_space<vmem>> -> memref<1x1x80xi32, #tpu.memory_space<vmem>>
        %dma_wait3A_227 = tpu.memref_squeeze %dma_wait3A_226 : memref<1x1x80xi32, #tpu.memory_space<vmem>> -> memref<80xi32, #tpu.memory_space<vmem>>
        %dma_wait3A_228 = arith.constant 0 : i32
        %dma_wait3A_229 = arith.constant 0 : i32
        %dma_wait3A_230 = tpu.memref_slice %arg2[%dma_wait3A_228, %dma_wait3A_229] : memref<20000x64xf32, #tpu.memory_space<hbm>> -> memref<20000x64xf32, #tpu.memory_space<hbm>>
        tpu.wait_indirect_dma semaphore(%arg23 : memref<!tpu.dma_semaphore, #tpu.memory_space<semaphore_mem>>) src(%dma_wait3A_230 : memref<20000x64xf32, #tpu.memory_space<hbm>>) dst(%arg17 : memref<80x64xf32, #tpu.memory_space<vmem>>)
        %dma_wait3A_231 = arith.constant 0 : i32
        %dma_wait3A_232 = arith.constant 0 : i32
        %dma_wait3A_233 = tpu.memref_slice %arg16[%scan3A_47, %dma_wait3A_231, %dma_wait3A_232] : memref<25x1x80xi32, #tpu.memory_space<vmem>> -> memref<1x1x80xi32, #tpu.memory_space<vmem>>
        %dma_wait3A_234 = tpu.memref_squeeze %dma_wait3A_233 : memref<1x1x80xi32, #tpu.memory_space<vmem>> -> memref<80xi32, #tpu.memory_space<vmem>>
        %dma_wait3A_235 = arith.constant 0 : i32
        %dma_wait3A_236 = arith.constant 0 : i32
        %dma_wait3A_237 = tpu.memref_slice %arg3[%dma_wait3A_235, %dma_wait3A_236] : memref<20000x64xf32, #tpu.memory_space<hbm>> -> memref<20000x64xf32, #tpu.memory_space<hbm>>
        tpu.wait_indirect_dma semaphore(%arg24 : memref<!tpu.dma_semaphore, #tpu.memory_space<semaphore_mem>>) src(%dma_wait3A_237 : memref<20000x64xf32, #tpu.memory_space<hbm>>) dst(%arg18 : memref<80x64xf32, #tpu.memory_space<vmem>>)
        %scan3A_238 = arith.constant 0 : i32
        %scan3A_239 = arith.constant 0 : i32
        %scan3A_240 = arith.constant 5 : i32
        %scan3A_241 = arith.addi %scan3A_239, %scan3A_240 : i32
        %scan3A_242 = arith.constant 1 : i32
        scf.for %scan3A_245 = %scan3A_239 to %scan3A_241 step %scan3A_242  : i32 {
          %mul3A_246 = arith.constant 16 : i32
          %mul3A_247 = arith.muli %scan3A_245, %mul3A_246 : i32
          %get3A_248 = arith.index_cast %mul3A_247 : i32 to index
          %get3A_249 = tpu.vector_load %arg20[%get3A_248] {strides = array<i32>} : memref<80xf32, #tpu.memory_space<vmem>>, vector<16xf32>,
          %mul3A_250 = arith.constant 16 : i32
          %mul3A_251 = arith.muli %scan3A_245, %mul3A_250 : i32
          %add3A_252 = arith.constant 0 : i32
          %add3A_253 = arith.addi %mul3A_251, %add3A_252 : i32
          %slice3A = vector.extract_strided_slice %get3A_249 {offsets = [0], sizes = [1], strides = [1]} : vector<16xf32> to vector<1xf32>
          %squeeze3A = vector.extract %slice3A[0] : f32 from vector<1xf32>
          %broadcast_in_dim3A_254 = vector.broadcast %squeeze3A : f32 to vector<16xf32>
          %get3A_255 = arith.index_cast %add3A_253 : i32 to index
          %get3A_256 = arith.constant 0 : index
          %get3A_257 = tpu.vector_load %arg17[%get3A_255, %get3A_256] {strides = array<i32>} : memref<80x64xf32, #tpu.memory_space<vmem>>, vector<16xf32>,
          %get3A_258 = arith.index_cast %add3A_253 : i32 to index
          %get3A_259 = arith.constant 0 : index
          %get3A_260 = tpu.vector_load %arg18[%get3A_258, %get3A_259] {strides = array<i32>} : memref<80x64xf32, #tpu.memory_space<vmem>>, vector<16xf32>,
          %add3A_261 = arith.addf %get3A_257, %get3A_260 : vector<16xf32>
          %mul3A_262 = arith.mulf %broadcast_in_dim3A_254, %add3A_261 : vector<16xf32>
          %swap3A_263 = arith.index_cast %add3A_253 : i32 to index
          %swap3A_264 = arith.constant 0 : index
          %swap3A_265 = tpu.vector_load %arg19[%swap3A_263, %swap3A_264] {strides = array<i32>} : memref<80x80xf32, #tpu.memory_space<vmem>>, vector<16xf32>,
          tpu.vector_store %arg19[%swap3A_263, %swap3A_264], %mul3A_262 {strides = array<i32>} : memref<80x80xf32, #tpu.memory_space<vmem>>, vector<16xf32>,
          %get3A_266 = arith.index_cast %add3A_253 : i32 to index
          %get3A_267 = arith.constant 16 : index
          %get3A_268 = tpu.vector_load %arg17[%get3A_266, %get3A_267] {strides = array<i32>} : memref<80x64xf32, #tpu.memory_space<vmem>>, vector<16xf32>,
          %get3A_269 = arith.index_cast %add3A_253 : i32 to index
          %get3A_270 = arith.constant 16 : index
          %get3A_271 = tpu.vector_load %arg18[%get3A_269, %get3A_270] {strides = array<i32>} : memref<80x64xf32, #tpu.memory_space<vmem>>, vector<16xf32>,
          %add3A_272 = arith.addf %get3A_268, %get3A_271 : vector<16xf32>
          %mul3A_273 = arith.mulf %broadcast_in_dim3A_254, %add3A_272 : vector<16xf32>
          %swap3A_274 = arith.index_cast %add3A_253 : i32 to index
          %swap3A_275 = arith.constant 16 : index
          %swap3A_276 = tpu.vector_load %arg19[%swap3A_274, %swap3A_275] {strides = array<i32>} : memref<80x80xf32, #tpu.memory_space<vmem>>, vector<16xf32>,
          tpu.vector_store %arg19[%swap3A_274, %swap3A_275], %mul3A_273 {strides = array<i32>} : memref<80x80xf32, #tpu.memory_space<vmem>>, vector<16xf32>,
          %get3A_277 = arith.index_cast %add3A_253 : i32 to index
          %get3A_278 = arith.constant 32 : index
          %get3A_279 = tpu.vector_load %arg17[%get3A_277, %get3A_278] {strides = array<i32>} : memref<80x64xf32, #tpu.memory_space<vmem>>, vector<16xf32>,
          %get3A_280 = arith.index_cast %add3A_253 : i32 to index
          %get3A_281 = arith.constant 32 : index
          %get3A_282 = tpu.vector_load %arg18[%get3A_280, %get3A_281] {strides = array<i32>} : memref<80x64xf32, #tpu.memory_space<vmem>>, vector<16xf32>,
          %add3A_283 = arith.addf %get3A_279, %get3A_282 : vector<16xf32>
          %mul3A_284 = arith.mulf %broadcast_in_dim3A_254, %add3A_283 : vector<16xf32>
          %swap3A_285 = arith.index_cast %add3A_253 : i32 to index
          %swap3A_286 = arith.constant 32 : index
          %swap3A_287 = tpu.vector_load %arg19[%swap3A_285, %swap3A_286] {strides = array<i32>} : memref<80x80xf32, #tpu.memory_space<vmem>>, vector<16xf32>,
          tpu.vector_store %arg19[%swap3A_285, %swap3A_286], %mul3A_284 {strides = array<i32>} : memref<80x80xf32, #tpu.memory_space<vmem>>, vector<16xf32>,
          %get3A_288 = arith.index_cast %add3A_253 : i32 to index
          %get3A_289 = arith.constant 48 : index
          %get3A_290 = tpu.vector_load %arg17[%get3A_288, %get3A_289] {strides = array<i32>} : memref<80x64xf32, #tpu.memory_space<vmem>>, vector<16xf32>,
          %get3A_291 = arith.index_cast %add3A_253 : i32 to index
          %get3A_292 = arith.constant 48 : index
          %get3A_293 = tpu.vector_load %arg18[%get3A_291, %get3A_292] {strides = array<i32>} : memref<80x64xf32, #tpu.memory_space<vmem>>, vector<16xf32>,
          %add3A_294 = arith.addf %get3A_290, %get3A_293 : vector<16xf32>
          %mul3A_295 = arith.mulf %broadcast_in_dim3A_254, %add3A_294 : vector<16xf32>
          %swap3A_296 = arith.index_cast %add3A_253 : i32 to index
          %swap3A_297 = arith.constant 48 : index
          %swap3A_298 = tpu.vector_load %arg19[%swap3A_296, %swap3A_297] {strides = array<i32>} : memref<80x80xf32, #tpu.memory_space<vmem>>, vector<16xf32>,
          tpu.vector_store %arg19[%swap3A_296, %swap3A_297], %mul3A_295 {strides = array<i32>} : memref<80x80xf32, #tpu.memory_space<vmem>>, vector<16xf32>,
          %swap3A_299 = arith.index_cast %add3A_253 : i32 to index
          %swap3A_300 = arith.constant 64 : index
          %swap3A_301 = tpu.vector_load %arg19[%swap3A_299, %swap3A_300] {strides = array<i32>} : memref<80x80xf32, #tpu.memory_space<vmem>>, vector<16xf32>,
          tpu.vector_store %arg19[%swap3A_299, %swap3A_300], %broadcast_in_dim3A_254 {strides = array<i32>} : memref<80x80xf32, #tpu.memory_space<vmem>>, vector<16xf32>,
          %mul3A_302 = arith.constant 16 : i32
          %mul3A_303 = arith.muli %scan3A_245, %mul3A_302 : i32
          %add3A_304 = arith.constant 1 : i32
          %add3A_305 = arith.addi %mul3A_303, %add3A_304 : i32
          %slice3A_306 = vector.extract_strided_slice %get3A_249 {offsets = [1], sizes = [1], strides = [1]} : vector<16xf32> to vector<1xf32>
          %squeeze3A_307 = vector.extract %slice3A_306[0] : f32 from vector<1xf32>
          %broadcast_in_dim3A_308 = vector.broadcast %squeeze3A_307 : f32 to vector<16xf32>
          %get3A_309 = arith.index_cast %add3A_305 : i32 to index
          %get3A_310 = arith.constant 0 : index
          %get3A_311 = tpu.vector_load %arg17[%get3A_309, %get3A_310] {strides = array<i32>} : memref<80x64xf32, #tpu.memory_space<vmem>>, vector<16xf32>,
          %get3A_312 = arith.index_cast %add3A_305 : i32 to index
          %get3A_313 = arith.constant 0 : index
          %get3A_314 = tpu.vector_load %arg18[%get3A_312, %get3A_313] {strides = array<i32>} : memref<80x64xf32, #tpu.memory_space<vmem>>, vector<16xf32>,
          %add3A_315 = arith.addf %get3A_311, %get3A_314 : vector<16xf32>
          %mul3A_316 = arith.mulf %broadcast_in_dim3A_308, %add3A_315 : vector<16xf32>
          %swap3A_317 = arith.index_cast %add3A_305 : i32 to index
          %swap3A_318 = arith.constant 0 : index
          %swap3A_319 = tpu.vector_load %arg19[%swap3A_317, %swap3A_318] {strides = array<i32>} : memref<80x80xf32, #tpu.memory_space<vmem>>, vector<16xf32>,
          tpu.vector_store %arg19[%swap3A_317, %swap3A_318], %mul3A_316 {strides = array<i32>} : memref<80x80xf32, #tpu.memory_space<vmem>>, vector<16xf32>,
          %get3A_320 = arith.index_cast %add3A_305 : i32 to index
          %get3A_321 = arith.constant 16 : index
          %get3A_322 = tpu.vector_load %arg17[%get3A_320, %get3A_321] {strides = array<i32>} : memref<80x64xf32, #tpu.memory_space<vmem>>, vector<16xf32>,
          %get3A_323 = arith.index_cast %add3A_305 : i32 to index
          %get3A_324 = arith.constant 16 : index
          %get3A_325 = tpu.vector_load %arg18[%get3A_323, %get3A_324] {strides = array<i32>} : memref<80x64xf32, #tpu.memory_space<vmem>>, vector<16xf32>,
          %add3A_326 = arith.addf %get3A_322, %get3A_325 : vector<16xf32>
          %mul3A_327 = arith.mulf %broadcast_in_dim3A_308, %add3A_326 : vector<16xf32>
          %swap3A_328 = arith.index_cast %add3A_305 : i32 to index
          %swap3A_329 = arith.constant 16 : index
          %swap3A_330 = tpu.vector_load %arg19[%swap3A_328, %swap3A_329] {strides = array<i32>} : memref<80x80xf32, #tpu.memory_space<vmem>>, vector<16xf32>,
          tpu.vector_store %arg19[%swap3A_328, %swap3A_329], %mul3A_327 {strides = array<i32>} : memref<80x80xf32, #tpu.memory_space<vmem>>, vector<16xf32>,
          %get3A_331 = arith.index_cast %add3A_305 : i32 to index
          %get3A_332 = arith.constant 32 : index
          %get3A_333 = tpu.vector_load %arg17[%get3A_331, %get3A_332] {strides = array<i32>} : memref<80x64xf32, #tpu.memory_space<vmem>>, vector<16xf32>,
          %get3A_334 = arith.index_cast %add3A_305 : i32 to index
          %get3A_335 = arith.constant 32 : index
          %get3A_336 = tpu.vector_load %arg18[%get3A_334, %get3A_335] {strides = array<i32>} : memref<80x64xf32, #tpu.memory_space<vmem>>, vector<16xf32>,
          %add3A_337 = arith.addf %get3A_333, %get3A_336 : vector<16xf32>
          %mul3A_338 = arith.mulf %broadcast_in_dim3A_308, %add3A_337 : vector<16xf32>
          %swap3A_339 = arith.index_cast %add3A_305 : i32 to index
          %swap3A_340 = arith.constant 32 : index
          %swap3A_341 = tpu.vector_load %arg19[%swap3A_339, %swap3A_340] {strides = array<i32>} : memref<80x80xf32, #tpu.memory_space<vmem>>, vector<16xf32>,
          tpu.vector_store %arg19[%swap3A_339, %swap3A_340], %mul3A_338 {strides = array<i32>} : memref<80x80xf32, #tpu.memory_space<vmem>>, vector<16xf32>,
          %get3A_342 = arith.index_cast %add3A_305 : i32 to index
          %get3A_343 = arith.constant 48 : index
          %get3A_344 = tpu.vector_load %arg17[%get3A_342, %get3A_343] {strides = array<i32>} : memref<80x64xf32, #tpu.memory_space<vmem>>, vector<16xf32>,
          %get3A_345 = arith.index_cast %add3A_305 : i32 to index
          %get3A_346 = arith.constant 48 : index
          %get3A_347 = tpu.vector_load %arg18[%get3A_345, %get3A_346] {strides = array<i32>} : memref<80x64xf32, #tpu.memory_space<vmem>>, vector<16xf32>,
          %add3A_348 = arith.addf %get3A_344, %get3A_347 : vector<16xf32>
          %mul3A_349 = arith.mulf %broadcast_in_dim3A_308, %add3A_348 : vector<16xf32>
          %swap3A_350 = arith.index_cast %add3A_305 : i32 to index
          %swap3A_351 = arith.constant 48 : index
          %swap3A_352 = tpu.vector_load %arg19[%swap3A_350, %swap3A_351] {strides = array<i32>} : memref<80x80xf32, #tpu.memory_space<vmem>>, vector<16xf32>,
          tpu.vector_store %arg19[%swap3A_350, %swap3A_351], %mul3A_349 {strides = array<i32>} : memref<80x80xf32, #tpu.memory_space<vmem>>, vector<16xf32>,
          %swap3A_353 = arith.index_cast %add3A_305 : i32 to index
          %swap3A_354 = arith.constant 64 : index
          %swap3A_355 = tpu.vector_load %arg19[%swap3A_353, %swap3A_354] {strides = array<i32>} : memref<80x80xf32, #tpu.memory_space<vmem>>, vector<16xf32>,
          tpu.vector_store %arg19[%swap3A_353, %swap3A_354], %broadcast_in_dim3A_308 {strides = array<i32>} : memref<80x80xf32, #tpu.memory_space<vmem>>, vector<16xf32>,
          %mul3A_356 = arith.constant 16 : i32
          %mul3A_357 = arith.muli %scan3A_245, %mul3A_356 : i32
          %add3A_358 = arith.constant 2 : i32
          %add3A_359 = arith.addi %mul3A_357, %add3A_358 : i32
          %slice3A_360 = vector.extract_strided_slice %get3A_249 {offsets = [2], sizes = [1], strides = [1]} : vector<16xf32> to vector<1xf32>
          %squeeze3A_361 = vector.extract %slice3A_360[0] : f32 from vector<1xf32>
          %broadcast_in_dim3A_362 = vector.broadcast %squeeze3A_361 : f32 to vector<16xf32>
          %get3A_363 = arith.index_cast %add3A_359 : i32 to index
          %get3A_364 = arith.constant 0 : index
          %get3A_365 = tpu.vector_load %arg17[%get3A_363, %get3A_364] {strides = array<i32>} : memref<80x64xf32, #tpu.memory_space<vmem>>, vector<16xf32>,
          %get3A_366 = arith.index_cast %add3A_359 : i32 to index
          %get3A_367 = arith.constant 0 : index
          %get3A_368 = tpu.vector_load %arg18[%get3A_366, %get3A_367] {strides = array<i32>} : memref<80x64xf32, #tpu.memory_space<vmem>>, vector<16xf32>,
          %add3A_369 = arith.addf %get3A_365, %get3A_368 : vector<16xf32>
          %mul3A_370 = arith.mulf %broadcast_in_dim3A_362, %add3A_369 : vector<16xf32>
          %swap3A_371 = arith.index_cast %add3A_359 : i32 to index
          %swap3A_372 = arith.constant 0 : index
          %swap3A_373 = tpu.vector_load %arg19[%swap3A_371, %swap3A_372] {strides = array<i32>} : memref<80x80xf32, #tpu.memory_space<vmem>>, vector<16xf32>,
          tpu.vector_store %arg19[%swap3A_371, %swap3A_372], %mul3A_370 {strides = array<i32>} : memref<80x80xf32, #tpu.memory_space<vmem>>, vector<16xf32>,
          %get3A_374 = arith.index_cast %add3A_359 : i32 to index
          %get3A_375 = arith.constant 16 : index
          %get3A_376 = tpu.vector_load %arg17[%get3A_374, %get3A_375] {strides = array<i32>} : memref<80x64xf32, #tpu.memory_space<vmem>>, vector<16xf32>,
          %get3A_377 = arith.index_cast %add3A_359 : i32 to index
          %get3A_378 = arith.constant 16 : index
          %get3A_379 = tpu.vector_load %arg18[%get3A_377, %get3A_378] {strides = array<i32>} : memref<80x64xf32, #tpu.memory_space<vmem>>, vector<16xf32>,
          %add3A_380 = arith.addf %get3A_376, %get3A_379 : vector<16xf32>
          %mul3A_381 = arith.mulf %broadcast_in_dim3A_362, %add3A_380 : vector<16xf32>
          %swap3A_382 = arith.index_cast %add3A_359 : i32 to index
          %swap3A_383 = arith.constant 16 : index
          %swap3A_384 = tpu.vector_load %arg19[%swap3A_382, %swap3A_383] {strides = array<i32>} : memref<80x80xf32, #tpu.memory_space<vmem>>, vector<16xf32>,
          tpu.vector_store %arg19[%swap3A_382, %swap3A_383], %mul3A_381 {strides = array<i32>} : memref<80x80xf32, #tpu.memory_space<vmem>>, vector<16xf32>,
          %get3A_385 = arith.index_cast %add3A_359 : i32 to index
          %get3A_386 = arith.constant 32 : index
          %get3A_387 = tpu.vector_load %arg17[%get3A_385, %get3A_386] {strides = array<i32>} : memref<80x64xf32, #tpu.memory_space<vmem>>, vector<16xf32>,
          %get3A_388 = arith.index_cast %add3A_359 : i32 to index
          %get3A_389 = arith.constant 32 : index
          %get3A_390 = tpu.vector_load %arg18[%get3A_388, %get3A_389] {strides = array<i32>} : memref<80x64xf32, #tpu.memory_space<vmem>>, vector<16xf32>,
          %add3A_391 = arith.addf %get3A_387, %get3A_390 : vector<16xf32>
          %mul3A_392 = arith.mulf %broadcast_in_dim3A_362, %add3A_391 : vector<16xf32>
          %swap3A_393 = arith.index_cast %add3A_359 : i32 to index
          %swap3A_394 = arith.constant 32 : index
          %swap3A_395 = tpu.vector_load %arg19[%swap3A_393, %swap3A_394] {strides = array<i32>} : memref<80x80xf32, #tpu.memory_space<vmem>>, vector<16xf32>,
          tpu.vector_store %arg19[%swap3A_393, %swap3A_394], %mul3A_392 {strides = array<i32>} : memref<80x80xf32, #tpu.memory_space<vmem>>, vector<16xf32>,
          %get3A_396 = arith.index_cast %add3A_359 : i32 to index
          %get3A_397 = arith.constant 48 : index
          %get3A_398 = tpu.vector_load %arg17[%get3A_396, %get3A_397] {strides = array<i32>} : memref<80x64xf32, #tpu.memory_space<vmem>>, vector<16xf32>,
          %get3A_399 = arith.index_cast %add3A_359 : i32 to index
          %get3A_400 = arith.constant 48 : index
          %get3A_401 = tpu.vector_load %arg18[%get3A_399, %get3A_400] {strides = array<i32>} : memref<80x64xf32, #tpu.memory_space<vmem>>, vector<16xf32>,
          %add3A_402 = arith.addf %get3A_398, %get3A_401 : vector<16xf32>
          %mul3A_403 = arith.mulf %broadcast_in_dim3A_362, %add3A_402 : vector<16xf32>
          %swap3A_404 = arith.index_cast %add3A_359 : i32 to index
          %swap3A_405 = arith.constant 48 : index
          %swap3A_406 = tpu.vector_load %arg19[%swap3A_404, %swap3A_405] {strides = array<i32>} : memref<80x80xf32, #tpu.memory_space<vmem>>, vector<16xf32>,
          tpu.vector_store %arg19[%swap3A_404, %swap3A_405], %mul3A_403 {strides = array<i32>} : memref<80x80xf32, #tpu.memory_space<vmem>>, vector<16xf32>,
          %swap3A_407 = arith.index_cast %add3A_359 : i32 to index
          %swap3A_408 = arith.constant 64 : index
          %swap3A_409 = tpu.vector_load %arg19[%swap3A_407, %swap3A_408] {strides = array<i32>} : memref<80x80xf32, #tpu.memory_space<vmem>>, vector<16xf32>,
          tpu.vector_store %arg19[%swap3A_407, %swap3A_408], %broadcast_in_dim3A_362 {strides = array<i32>} : memref<80x80xf32, #tpu.memory_space<vmem>>, vector<16xf32>,
          %mul3A_410 = arith.constant 16 : i32
          %mul3A_411 = arith.muli %scan3A_245, %mul3A_410 : i32
          %add3A_412 = arith.constant 3 : i32
          %add3A_413 = arith.addi %mul3A_411, %add3A_412 : i32
          %slice3A_414 = vector.extract_strided_slice %get3A_249 {offsets = [3], sizes = [1], strides = [1]} : vector<16xf32> to vector<1xf32>
          %squeeze3A_415 = vector.extract %slice3A_414[0] : f32 from vector<1xf32>
          %broadcast_in_dim3A_416 = vector.broadcast %squeeze3A_415 : f32 to vector<16xf32>
          %get3A_417 = arith.index_cast %add3A_413 : i32 to index
          %get3A_418 = arith.constant 0 : index
          %get3A_419 = tpu.vector_load %arg17[%get3A_417, %get3A_418] {strides = array<i32>} : memref<80x64xf32, #tpu.memory_space<vmem>>, vector<16xf32>,
          %get3A_420 = arith.index_cast %add3A_413 : i32 to index
          %get3A_421 = arith.constant 0 : index
          %get3A_422 = tpu.vector_load %arg18[%get3A_420, %get3A_421] {strides = array<i32>} : memref<80x64xf32, #tpu.memory_space<vmem>>, vector<16xf32>,
          %add3A_423 = arith.addf %get3A_419, %get3A_422 : vector<16xf32>
          %mul3A_424 = arith.mulf %broadcast_in_dim3A_416, %add3A_423 : vector<16xf32>
          %swap3A_425 = arith.index_cast %add3A_413 : i32 to index
          %swap3A_426 = arith.constant 0 : index
          %swap3A_427 = tpu.vector_load %arg19[%swap3A_425, %swap3A_426] {strides = array<i32>} : memref<80x80xf32, #tpu.memory_space<vmem>>, vector<16xf32>,
          tpu.vector_store %arg19[%swap3A_425, %swap3A_426], %mul3A_424 {strides = array<i32>} : memref<80x80xf32, #tpu.memory_space<vmem>>, vector<16xf32>,
          %get3A_428 = arith.index_cast %add3A_413 : i32 to index
          %get3A_429 = arith.constant 16 : index
          %get3A_430 = tpu.vector_load %arg17[%get3A_428, %get3A_429] {strides = array<i32>} : memref<80x64xf32, #tpu.memory_space<vmem>>, vector<16xf32>,
          %get3A_431 = arith.index_cast %add3A_413 : i32 to index
          %get3A_432 = arith.constant 16 : index
          %get3A_433 = tpu.vector_load %arg18[%get3A_431, %get3A_432] {strides = array<i32>} : memref<80x64xf32, #tpu.memory_space<vmem>>, vector<16xf32>,
          %add3A_434 = arith.addf %get3A_430, %get3A_433 : vector<16xf32>
          %mul3A_435 = arith.mulf %broadcast_in_dim3A_416, %add3A_434 : vector<16xf32>
          %swap3A_436 = arith.index_cast %add3A_413 : i32 to index
          %swap3A_437 = arith.constant 16 : index
          %swap3A_438 = tpu.vector_load %arg19[%swap3A_436, %swap3A_437] {strides = array<i32>} : memref<80x80xf32, #tpu.memory_space<vmem>>, vector<16xf32>,
          tpu.vector_store %arg19[%swap3A_436, %swap3A_437], %mul3A_435 {strides = array<i32>} : memref<80x80xf32, #tpu.memory_space<vmem>>, vector<16xf32>,
          %get3A_439 = arith.index_cast %add3A_413 : i32 to index
          %get3A_440 = arith.constant 32 : index
          %get3A_441 = tpu.vector_load %arg17[%get3A_439, %get3A_440] {strides = array<i32>} : memref<80x64xf32, #tpu.memory_space<vmem>>, vector<16xf32>,
          %get3A_442 = arith.index_cast %add3A_413 : i32 to index
          %get3A_443 = arith.constant 32 : index
          %get3A_444 = tpu.vector_load %arg18[%get3A_442, %get3A_443] {strides = array<i32>} : memref<80x64xf32, #tpu.memory_space<vmem>>, vector<16xf32>,
          %add3A_445 = arith.addf %get3A_441, %get3A_444 : vector<16xf32>
          %mul3A_446 = arith.mulf %broadcast_in_dim3A_416, %add3A_445 : vector<16xf32>
          %swap3A_447 = arith.index_cast %add3A_413 : i32 to index
          %swap3A_448 = arith.constant 32 : index
          %swap3A_449 = tpu.vector_load %arg19[%swap3A_447, %swap3A_448] {strides = array<i32>} : memref<80x80xf32, #tpu.memory_space<vmem>>, vector<16xf32>,
          tpu.vector_store %arg19[%swap3A_447, %swap3A_448], %mul3A_446 {strides = array<i32>} : memref<80x80xf32, #tpu.memory_space<vmem>>, vector<16xf32>,
          %get3A_450 = arith.index_cast %add3A_413 : i32 to index
          %get3A_451 = arith.constant 48 : index
          %get3A_452 = tpu.vector_load %arg17[%get3A_450, %get3A_451] {strides = array<i32>} : memref<80x64xf32, #tpu.memory_space<vmem>>, vector<16xf32>,
          %get3A_453 = arith.index_cast %add3A_413 : i32 to index
          %get3A_454 = arith.constant 48 : index
          %get3A_455 = tpu.vector_load %arg18[%get3A_453, %get3A_454] {strides = array<i32>} : memref<80x64xf32, #tpu.memory_space<vmem>>, vector<16xf32>,
          %add3A_456 = arith.addf %get3A_452, %get3A_455 : vector<16xf32>
          %mul3A_457 = arith.mulf %broadcast_in_dim3A_416, %add3A_456 : vector<16xf32>
          %swap3A_458 = arith.index_cast %add3A_413 : i32 to index
          %swap3A_459 = arith.constant 48 : index
          %swap3A_460 = tpu.vector_load %arg19[%swap3A_458, %swap3A_459] {strides = array<i32>} : memref<80x80xf32, #tpu.memory_space<vmem>>, vector<16xf32>,
          tpu.vector_store %arg19[%swap3A_458, %swap3A_459], %mul3A_457 {strides = array<i32>} : memref<80x80xf32, #tpu.memory_space<vmem>>, vector<16xf32>,
          %swap3A_461 = arith.index_cast %add3A_413 : i32 to index
          %swap3A_462 = arith.constant 64 : index
          %swap3A_463 = tpu.vector_load %arg19[%swap3A_461, %swap3A_462] {strides = array<i32>} : memref<80x80xf32, #tpu.memory_space<vmem>>, vector<16xf32>,
          tpu.vector_store %arg19[%swap3A_461, %swap3A_462], %broadcast_in_dim3A_416 {strides = array<i32>} : memref<80x80xf32, #tpu.memory_space<vmem>>, vector<16xf32>,
          %mul3A_464 = arith.constant 16 : i32
          %mul3A_465 = arith.muli %scan3A_245, %mul3A_464 : i32
          %add3A_466 = arith.constant 4 : i32
          %add3A_467 = arith.addi %mul3A_465, %add3A_466 : i32
          %slice3A_468 = vector.extract_strided_slice %get3A_249 {offsets = [4], sizes = [1], strides = [1]} : vector<16xf32> to vector<1xf32>
          %squeeze3A_469 = vector.extract %slice3A_468[0] : f32 from vector<1xf32>
          %broadcast_in_dim3A_470 = vector.broadcast %squeeze3A_469 : f32 to vector<16xf32>
          %get3A_471 = arith.index_cast %add3A_467 : i32 to index
          %get3A_472 = arith.constant 0 : index
          %get3A_473 = tpu.vector_load %arg17[%get3A_471, %get3A_472] {strides = array<i32>} : memref<80x64xf32, #tpu.memory_space<vmem>>, vector<16xf32>,
          %get3A_474 = arith.index_cast %add3A_467 : i32 to index
          %get3A_475 = arith.constant 0 : index
          %get3A_476 = tpu.vector_load %arg18[%get3A_474, %get3A_475] {strides = array<i32>} : memref<80x64xf32, #tpu.memory_space<vmem>>, vector<16xf32>,
          %add3A_477 = arith.addf %get3A_473, %get3A_476 : vector<16xf32>
          %mul3A_478 = arith.mulf %broadcast_in_dim3A_470, %add3A_477 : vector<16xf32>
          %swap3A_479 = arith.index_cast %add3A_467 : i32 to index
          %swap3A_480 = arith.constant 0 : index
          %swap3A_481 = tpu.vector_load %arg19[%swap3A_479, %swap3A_480] {strides = array<i32>} : memref<80x80xf32, #tpu.memory_space<vmem>>, vector<16xf32>,
          tpu.vector_store %arg19[%swap3A_479, %swap3A_480], %mul3A_478 {strides = array<i32>} : memref<80x80xf32, #tpu.memory_space<vmem>>, vector<16xf32>,
          %get3A_482 = arith.index_cast %add3A_467 : i32 to index
          %get3A_483 = arith.constant 16 : index
          %get3A_484 = tpu.vector_load %arg17[%get3A_482, %get3A_483] {strides = array<i32>} : memref<80x64xf32, #tpu.memory_space<vmem>>, vector<16xf32>,
          %get3A_485 = arith.index_cast %add3A_467 : i32 to index
          %get3A_486 = arith.constant 16 : index
          %get3A_487 = tpu.vector_load %arg18[%get3A_485, %get3A_486] {strides = array<i32>} : memref<80x64xf32, #tpu.memory_space<vmem>>, vector<16xf32>,
          %add3A_488 = arith.addf %get3A_484, %get3A_487 : vector<16xf32>
          %mul3A_489 = arith.mulf %broadcast_in_dim3A_470, %add3A_488 : vector<16xf32>
          %swap3A_490 = arith.index_cast %add3A_467 : i32 to index
          %swap3A_491 = arith.constant 16 : index
          %swap3A_492 = tpu.vector_load %arg19[%swap3A_490, %swap3A_491] {strides = array<i32>} : memref<80x80xf32, #tpu.memory_space<vmem>>, vector<16xf32>,
          tpu.vector_store %arg19[%swap3A_490, %swap3A_491], %mul3A_489 {strides = array<i32>} : memref<80x80xf32, #tpu.memory_space<vmem>>, vector<16xf32>,
          %get3A_493 = arith.index_cast %add3A_467 : i32 to index
          %get3A_494 = arith.constant 32 : index
          %get3A_495 = tpu.vector_load %arg17[%get3A_493, %get3A_494] {strides = array<i32>} : memref<80x64xf32, #tpu.memory_space<vmem>>, vector<16xf32>,
          %get3A_496 = arith.index_cast %add3A_467 : i32 to index
          %get3A_497 = arith.constant 32 : index
          %get3A_498 = tpu.vector_load %arg18[%get3A_496, %get3A_497] {strides = array<i32>} : memref<80x64xf32, #tpu.memory_space<vmem>>, vector<16xf32>,
          %add3A_499 = arith.addf %get3A_495, %get3A_498 : vector<16xf32>
          %mul3A_500 = arith.mulf %broadcast_in_dim3A_470, %add3A_499 : vector<16xf32>
          %swap3A_501 = arith.index_cast %add3A_467 : i32 to index
          %swap3A_502 = arith.constant 32 : index
          %swap3A_503 = tpu.vector_load %arg19[%swap3A_501, %swap3A_502] {strides = array<i32>} : memref<80x80xf32, #tpu.memory_space<vmem>>, vector<16xf32>,
          tpu.vector_store %arg19[%swap3A_501, %swap3A_502], %mul3A_500 {strides = array<i32>} : memref<80x80xf32, #tpu.memory_space<vmem>>, vector<16xf32>,
          %get3A_504 = arith.index_cast %add3A_467 : i32 to index
          %get3A_505 = arith.constant 48 : index
          %get3A_506 = tpu.vector_load %arg17[%get3A_504, %get3A_505] {strides = array<i32>} : memref<80x64xf32, #tpu.memory_space<vmem>>, vector<16xf32>,
          %get3A_507 = arith.index_cast %add3A_467 : i32 to index
          %get3A_508 = arith.constant 48 : index
          %get3A_509 = tpu.vector_load %arg18[%get3A_507, %get3A_508] {strides = array<i32>} : memref<80x64xf32, #tpu.memory_space<vmem>>, vector<16xf32>,
          %add3A_510 = arith.addf %get3A_506, %get3A_509 : vector<16xf32>
          %mul3A_511 = arith.mulf %broadcast_in_dim3A_470, %add3A_510 : vector<16xf32>
          %swap3A_512 = arith.index_cast %add3A_467 : i32 to index
          %swap3A_513 = arith.constant 48 : index
          %swap3A_514 = tpu.vector_load %arg19[%swap3A_512, %swap3A_513] {strides = array<i32>} : memref<80x80xf32, #tpu.memory_space<vmem>>, vector<16xf32>,
          tpu.vector_store %arg19[%swap3A_512, %swap3A_513], %mul3A_511 {strides = array<i32>} : memref<80x80xf32, #tpu.memory_space<vmem>>, vector<16xf32>,
          %swap3A_515 = arith.index_cast %add3A_467 : i32 to index
          %swap3A_516 = arith.constant 64 : index
          %swap3A_517 = tpu.vector_load %arg19[%swap3A_515, %swap3A_516] {strides = array<i32>} : memref<80x80xf32, #tpu.memory_space<vmem>>, vector<16xf32>,
          tpu.vector_store %arg19[%swap3A_515, %swap3A_516], %broadcast_in_dim3A_470 {strides = array<i32>} : memref<80x80xf32, #tpu.memory_space<vmem>>, vector<16xf32>,
          %mul3A_518 = arith.constant 16 : i32
          %mul3A_519 = arith.muli %scan3A_245, %mul3A_518 : i32
          %add3A_520 = arith.constant 5 : i32
          %add3A_521 = arith.addi %mul3A_519, %add3A_520 : i32
          %slice3A_522 = vector.extract_strided_slice %get3A_249 {offsets = [5], sizes = [1], strides = [1]} : vector<16xf32> to vector<1xf32>
          %squeeze3A_523 = vector.extract %slice3A_522[0] : f32 from vector<1xf32>
          %broadcast_in_dim3A_524 = vector.broadcast %squeeze3A_523 : f32 to vector<16xf32>
          %get3A_525 = arith.index_cast %add3A_521 : i32 to index
          %get3A_526 = arith.constant 0 : index
          %get3A_527 = tpu.vector_load %arg17[%get3A_525, %get3A_526] {strides = array<i32>} : memref<80x64xf32, #tpu.memory_space<vmem>>, vector<16xf32>,
          %get3A_528 = arith.index_cast %add3A_521 : i32 to index
          %get3A_529 = arith.constant 0 : index
          %get3A_530 = tpu.vector_load %arg18[%get3A_528, %get3A_529] {strides = array<i32>} : memref<80x64xf32, #tpu.memory_space<vmem>>, vector<16xf32>,
          %add3A_531 = arith.addf %get3A_527, %get3A_530 : vector<16xf32>
          %mul3A_532 = arith.mulf %broadcast_in_dim3A_524, %add3A_531 : vector<16xf32>
          %swap3A_533 = arith.index_cast %add3A_521 : i32 to index
          %swap3A_534 = arith.constant 0 : index
          %swap3A_535 = tpu.vector_load %arg19[%swap3A_533, %swap3A_534] {strides = array<i32>} : memref<80x80xf32, #tpu.memory_space<vmem>>, vector<16xf32>,
          tpu.vector_store %arg19[%swap3A_533, %swap3A_534], %mul3A_532 {strides = array<i32>} : memref<80x80xf32, #tpu.memory_space<vmem>>, vector<16xf32>,
          %get3A_536 = arith.index_cast %add3A_521 : i32 to index
          %get3A_537 = arith.constant 16 : index
          %get3A_538 = tpu.vector_load %arg17[%get3A_536, %get3A_537] {strides = array<i32>} : memref<80x64xf32, #tpu.memory_space<vmem>>, vector<16xf32>,
          %get3A_539 = arith.index_cast %add3A_521 : i32 to index
          %get3A_540 = arith.constant 16 : index
          %get3A_541 = tpu.vector_load %arg18[%get3A_539, %get3A_540] {strides = array<i32>} : memref<80x64xf32, #tpu.memory_space<vmem>>, vector<16xf32>,
          %add3A_542 = arith.addf %get3A_538, %get3A_541 : vector<16xf32>
          %mul3A_543 = arith.mulf %broadcast_in_dim3A_524, %add3A_542 : vector<16xf32>
          %swap3A_544 = arith.index_cast %add3A_521 : i32 to index
          %swap3A_545 = arith.constant 16 : index
          %swap3A_546 = tpu.vector_load %arg19[%swap3A_544, %swap3A_545] {strides = array<i32>} : memref<80x80xf32, #tpu.memory_space<vmem>>, vector<16xf32>,
          tpu.vector_store %arg19[%swap3A_544, %swap3A_545], %mul3A_543 {strides = array<i32>} : memref<80x80xf32, #tpu.memory_space<vmem>>, vector<16xf32>,
          %get3A_547 = arith.index_cast %add3A_521 : i32 to index
          %get3A_548 = arith.constant 32 : index
          %get3A_549 = tpu.vector_load %arg17[%get3A_547, %get3A_548] {strides = array<i32>} : memref<80x64xf32, #tpu.memory_space<vmem>>, vector<16xf32>,
          %get3A_550 = arith.index_cast %add3A_521 : i32 to index
          %get3A_551 = arith.constant 32 : index
          %get3A_552 = tpu.vector_load %arg18[%get3A_550, %get3A_551] {strides = array<i32>} : memref<80x64xf32, #tpu.memory_space<vmem>>, vector<16xf32>,
          %add3A_553 = arith.addf %get3A_549, %get3A_552 : vector<16xf32>
          %mul3A_554 = arith.mulf %broadcast_in_dim3A_524, %add3A_553 : vector<16xf32>
          %swap3A_555 = arith.index_cast %add3A_521 : i32 to index
          %swap3A_556 = arith.constant 32 : index
          %swap3A_557 = tpu.vector_load %arg19[%swap3A_555, %swap3A_556] {strides = array<i32>} : memref<80x80xf32, #tpu.memory_space<vmem>>, vector<16xf32>,
          tpu.vector_store %arg19[%swap3A_555, %swap3A_556], %mul3A_554 {strides = array<i32>} : memref<80x80xf32, #tpu.memory_space<vmem>>, vector<16xf32>,
          %get3A_558 = arith.index_cast %add3A_521 : i32 to index
          %get3A_559 = arith.constant 48 : index
          %get3A_560 = tpu.vector_load %arg17[%get3A_558, %get3A_559] {strides = array<i32>} : memref<80x64xf32, #tpu.memory_space<vmem>>, vector<16xf32>,
          %get3A_561 = arith.index_cast %add3A_521 : i32 to index
          %get3A_562 = arith.constant 48 : index
          %get3A_563 = tpu.vector_load %arg18[%get3A_561, %get3A_562] {strides = array<i32>} : memref<80x64xf32, #tpu.memory_space<vmem>>, vector<16xf32>,
          %add3A_564 = arith.addf %get3A_560, %get3A_563 : vector<16xf32>
          %mul3A_565 = arith.mulf %broadcast_in_dim3A_524, %add3A_564 : vector<16xf32>
          %swap3A_566 = arith.index_cast %add3A_521 : i32 to index
          %swap3A_567 = arith.constant 48 : index
          %swap3A_568 = tpu.vector_load %arg19[%swap3A_566, %swap3A_567] {strides = array<i32>} : memref<80x80xf32, #tpu.memory_space<vmem>>, vector<16xf32>,
          tpu.vector_store %arg19[%swap3A_566, %swap3A_567], %mul3A_565 {strides = array<i32>} : memref<80x80xf32, #tpu.memory_space<vmem>>, vector<16xf32>,
          %swap3A_569 = arith.index_cast %add3A_521 : i32 to index
          %swap3A_570 = arith.constant 64 : index
          %swap3A_571 = tpu.vector_load %arg19[%swap3A_569, %swap3A_570] {strides = array<i32>} : memref<80x80xf32, #tpu.memory_space<vmem>>, vector<16xf32>,
          tpu.vector_store %arg19[%swap3A_569, %swap3A_570], %broadcast_in_dim3A_524 {strides = array<i32>} : memref<80x80xf32, #tpu.memory_space<vmem>>, vector<16xf32>,
          %mul3A_572 = arith.constant 16 : i32
          %mul3A_573 = arith.muli %scan3A_245, %mul3A_572 : i32
          %add3A_574 = arith.constant 6 : i32
          %add3A_575 = arith.addi %mul3A_573, %add3A_574 : i32
          %slice3A_576 = vector.extract_strided_slice %get3A_249 {offsets = [6], sizes = [1], strides = [1]} : vector<16xf32> to vector<1xf32>
          %squeeze3A_577 = vector.extract %slice3A_576[0] : f32 from vector<1xf32>
          %broadcast_in_dim3A_578 = vector.broadcast %squeeze3A_577 : f32 to vector<16xf32>
          %get3A_579 = arith.index_cast %add3A_575 : i32 to index
          %get3A_580 = arith.constant 0 : index
          %get3A_581 = tpu.vector_load %arg17[%get3A_579, %get3A_580] {strides = array<i32>} : memref<80x64xf32, #tpu.memory_space<vmem>>, vector<16xf32>,
          %get3A_582 = arith.index_cast %add3A_575 : i32 to index
          %get3A_583 = arith.constant 0 : index
          %get3A_584 = tpu.vector_load %arg18[%get3A_582, %get3A_583] {strides = array<i32>} : memref<80x64xf32, #tpu.memory_space<vmem>>, vector<16xf32>,
          %add3A_585 = arith.addf %get3A_581, %get3A_584 : vector<16xf32>
          %mul3A_586 = arith.mulf %broadcast_in_dim3A_578, %add3A_585 : vector<16xf32>
          %swap3A_587 = arith.index_cast %add3A_575 : i32 to index
          %swap3A_588 = arith.constant 0 : index
          %swap3A_589 = tpu.vector_load %arg19[%swap3A_587, %swap3A_588] {strides = array<i32>} : memref<80x80xf32, #tpu.memory_space<vmem>>, vector<16xf32>,
          tpu.vector_store %arg19[%swap3A_587, %swap3A_588], %mul3A_586 {strides = array<i32>} : memref<80x80xf32, #tpu.memory_space<vmem>>, vector<16xf32>,
          %get3A_590 = arith.index_cast %add3A_575 : i32 to index
          %get3A_591 = arith.constant 16 : index
          %get3A_592 = tpu.vector_load %arg17[%get3A_590, %get3A_591] {strides = array<i32>} : memref<80x64xf32, #tpu.memory_space<vmem>>, vector<16xf32>,
          %get3A_593 = arith.index_cast %add3A_575 : i32 to index
          %get3A_594 = arith.constant 16 : index
          %get3A_595 = tpu.vector_load %arg18[%get3A_593, %get3A_594] {strides = array<i32>} : memref<80x64xf32, #tpu.memory_space<vmem>>, vector<16xf32>,
          %add3A_596 = arith.addf %get3A_592, %get3A_595 : vector<16xf32>
          %mul3A_597 = arith.mulf %broadcast_in_dim3A_578, %add3A_596 : vector<16xf32>
          %swap3A_598 = arith.index_cast %add3A_575 : i32 to index
          %swap3A_599 = arith.constant 16 : index
          %swap3A_600 = tpu.vector_load %arg19[%swap3A_598, %swap3A_599] {strides = array<i32>} : memref<80x80xf32, #tpu.memory_space<vmem>>, vector<16xf32>,
          tpu.vector_store %arg19[%swap3A_598, %swap3A_599], %mul3A_597 {strides = array<i32>} : memref<80x80xf32, #tpu.memory_space<vmem>>, vector<16xf32>,
          %get3A_601 = arith.index_cast %add3A_575 : i32 to index
          %get3A_602 = arith.constant 32 : index
          %get3A_603 = tpu.vector_load %arg17[%get3A_601, %get3A_602] {strides = array<i32>} : memref<80x64xf32, #tpu.memory_space<vmem>>, vector<16xf32>,
          %get3A_604 = arith.index_cast %add3A_575 : i32 to index
          %get3A_605 = arith.constant 32 : index
          %get3A_606 = tpu.vector_load %arg18[%get3A_604, %get3A_605] {strides = array<i32>} : memref<80x64xf32, #tpu.memory_space<vmem>>, vector<16xf32>,
          %add3A_607 = arith.addf %get3A_603, %get3A_606 : vector<16xf32>
          %mul3A_608 = arith.mulf %broadcast_in_dim3A_578, %add3A_607 : vector<16xf32>
          %swap3A_609 = arith.index_cast %add3A_575 : i32 to index
          %swap3A_610 = arith.constant 32 : index
          %swap3A_611 = tpu.vector_load %arg19[%swap3A_609, %swap3A_610] {strides = array<i32>} : memref<80x80xf32, #tpu.memory_space<vmem>>, vector<16xf32>,
          tpu.vector_store %arg19[%swap3A_609, %swap3A_610], %mul3A_608 {strides = array<i32>} : memref<80x80xf32, #tpu.memory_space<vmem>>, vector<16xf32>,
          %get3A_612 = arith.index_cast %add3A_575 : i32 to index
          %get3A_613 = arith.constant 48 : index
          %get3A_614 = tpu.vector_load %arg17[%get3A_612, %get3A_613] {strides = array<i32>} : memref<80x64xf32, #tpu.memory_space<vmem>>, vector<16xf32>,
          %get3A_615 = arith.index_cast %add3A_575 : i32 to index
          %get3A_616 = arith.constant 48 : index
          %get3A_617 = tpu.vector_load %arg18[%get3A_615, %get3A_616] {strides = array<i32>} : memref<80x64xf32, #tpu.memory_space<vmem>>, vector<16xf32>,
          %add3A_618 = arith.addf %get3A_614, %get3A_617 : vector<16xf32>
          %mul3A_619 = arith.mulf %broadcast_in_dim3A_578, %add3A_618 : vector<16xf32>
          %swap3A_620 = arith.index_cast %add3A_575 : i32 to index
          %swap3A_621 = arith.constant 48 : index
          %swap3A_622 = tpu.vector_load %arg19[%swap3A_620, %swap3A_621] {strides = array<i32>} : memref<80x80xf32, #tpu.memory_space<vmem>>, vector<16xf32>,
          tpu.vector_store %arg19[%swap3A_620, %swap3A_621], %mul3A_619 {strides = array<i32>} : memref<80x80xf32, #tpu.memory_space<vmem>>, vector<16xf32>,
          %swap3A_623 = arith.index_cast %add3A_575 : i32 to index
          %swap3A_624 = arith.constant 64 : index
          %swap3A_625 = tpu.vector_load %arg19[%swap3A_623, %swap3A_624] {strides = array<i32>} : memref<80x80xf32, #tpu.memory_space<vmem>>, vector<16xf32>,
          tpu.vector_store %arg19[%swap3A_623, %swap3A_624], %broadcast_in_dim3A_578 {strides = array<i32>} : memref<80x80xf32, #tpu.memory_space<vmem>>, vector<16xf32>,
          %mul3A_626 = arith.constant 16 : i32
          %mul3A_627 = arith.muli %scan3A_245, %mul3A_626 : i32
          %add3A_628 = arith.constant 7 : i32
          %add3A_629 = arith.addi %mul3A_627, %add3A_628 : i32
          %slice3A_630 = vector.extract_strided_slice %get3A_249 {offsets = [7], sizes = [1], strides = [1]} : vector<16xf32> to vector<1xf32>
          %squeeze3A_631 = vector.extract %slice3A_630[0] : f32 from vector<1xf32>
          %broadcast_in_dim3A_632 = vector.broadcast %squeeze3A_631 : f32 to vector<16xf32>
          %get3A_633 = arith.index_cast %add3A_629 : i32 to index
          %get3A_634 = arith.constant 0 : index
          %get3A_635 = tpu.vector_load %arg17[%get3A_633, %get3A_634] {strides = array<i32>} : memref<80x64xf32, #tpu.memory_space<vmem>>, vector<16xf32>,
          %get3A_636 = arith.index_cast %add3A_629 : i32 to index
          %get3A_637 = arith.constant 0 : index
          %get3A_638 = tpu.vector_load %arg18[%get3A_636, %get3A_637] {strides = array<i32>} : memref<80x64xf32, #tpu.memory_space<vmem>>, vector<16xf32>,
          %add3A_639 = arith.addf %get3A_635, %get3A_638 : vector<16xf32>
          %mul3A_640 = arith.mulf %broadcast_in_dim3A_632, %add3A_639 : vector<16xf32>
          %swap3A_641 = arith.index_cast %add3A_629 : i32 to index
          %swap3A_642 = arith.constant 0 : index
          %swap3A_643 = tpu.vector_load %arg19[%swap3A_641, %swap3A_642] {strides = array<i32>} : memref<80x80xf32, #tpu.memory_space<vmem>>, vector<16xf32>,
          tpu.vector_store %arg19[%swap3A_641, %swap3A_642], %mul3A_640 {strides = array<i32>} : memref<80x80xf32, #tpu.memory_space<vmem>>, vector<16xf32>,
          %get3A_644 = arith.index_cast %add3A_629 : i32 to index
          %get3A_645 = arith.constant 16 : index
          %get3A_646 = tpu.vector_load %arg17[%get3A_644, %get3A_645] {strides = array<i32>} : memref<80x64xf32, #tpu.memory_space<vmem>>, vector<16xf32>,
          %get3A_647 = arith.index_cast %add3A_629 : i32 to index
          %get3A_648 = arith.constant 16 : index
          %get3A_649 = tpu.vector_load %arg18[%get3A_647, %get3A_648] {strides = array<i32>} : memref<80x64xf32, #tpu.memory_space<vmem>>, vector<16xf32>,
          %add3A_650 = arith.addf %get3A_646, %get3A_649 : vector<16xf32>
          %mul3A_651 = arith.mulf %broadcast_in_dim3A_632, %add3A_650 : vector<16xf32>
          %swap3A_652 = arith.index_cast %add3A_629 : i32 to index
          %swap3A_653 = arith.constant 16 : index
          %swap3A_654 = tpu.vector_load %arg19[%swap3A_652, %swap3A_653] {strides = array<i32>} : memref<80x80xf32, #tpu.memory_space<vmem>>, vector<16xf32>,
          tpu.vector_store %arg19[%swap3A_652, %swap3A_653], %mul3A_651 {strides = array<i32>} : memref<80x80xf32, #tpu.memory_space<vmem>>, vector<16xf32>,
          %get3A_655 = arith.index_cast %add3A_629 : i32 to index
          %get3A_656 = arith.constant 32 : index
          %get3A_657 = tpu.vector_load %arg17[%get3A_655, %get3A_656] {strides = array<i32>} : memref<80x64xf32, #tpu.memory_space<vmem>>, vector<16xf32>,
          %get3A_658 = arith.index_cast %add3A_629 : i32 to index
          %get3A_659 = arith.constant 32 : index
          %get3A_660 = tpu.vector_load %arg18[%get3A_658, %get3A_659] {strides = array<i32>} : memref<80x64xf32, #tpu.memory_space<vmem>>, vector<16xf32>,
          %add3A_661 = arith.addf %get3A_657, %get3A_660 : vector<16xf32>
          %mul3A_662 = arith.mulf %broadcast_in_dim3A_632, %add3A_661 : vector<16xf32>
          %swap3A_663 = arith.index_cast %add3A_629 : i32 to index
          %swap3A_664 = arith.constant 32 : index
          %swap3A_665 = tpu.vector_load %arg19[%swap3A_663, %swap3A_664] {strides = array<i32>} : memref<80x80xf32, #tpu.memory_space<vmem>>, vector<16xf32>,
          tpu.vector_store %arg19[%swap3A_663, %swap3A_664], %mul3A_662 {strides = array<i32>} : memref<80x80xf32, #tpu.memory_space<vmem>>, vector<16xf32>,
          %get3A_666 = arith.index_cast %add3A_629 : i32 to index
          %get3A_667 = arith.constant 48 : index
          %get3A_668 = tpu.vector_load %arg17[%get3A_666, %get3A_667] {strides = array<i32>} : memref<80x64xf32, #tpu.memory_space<vmem>>, vector<16xf32>,
          %get3A_669 = arith.index_cast %add3A_629 : i32 to index
          %get3A_670 = arith.constant 48 : index
          %get3A_671 = tpu.vector_load %arg18[%get3A_669, %get3A_670] {strides = array<i32>} : memref<80x64xf32, #tpu.memory_space<vmem>>, vector<16xf32>,
          %add3A_672 = arith.addf %get3A_668, %get3A_671 : vector<16xf32>
          %mul3A_673 = arith.mulf %broadcast_in_dim3A_632, %add3A_672 : vector<16xf32>
          %swap3A_674 = arith.index_cast %add3A_629 : i32 to index
          %swap3A_675 = arith.constant 48 : index
          %swap3A_676 = tpu.vector_load %arg19[%swap3A_674, %swap3A_675] {strides = array<i32>} : memref<80x80xf32, #tpu.memory_space<vmem>>, vector<16xf32>,
          tpu.vector_store %arg19[%swap3A_674, %swap3A_675], %mul3A_673 {strides = array<i32>} : memref<80x80xf32, #tpu.memory_space<vmem>>, vector<16xf32>,
          %swap3A_677 = arith.index_cast %add3A_629 : i32 to index
          %swap3A_678 = arith.constant 64 : index
          %swap3A_679 = tpu.vector_load %arg19[%swap3A_677, %swap3A_678] {strides = array<i32>} : memref<80x80xf32, #tpu.memory_space<vmem>>, vector<16xf32>,
          tpu.vector_store %arg19[%swap3A_677, %swap3A_678], %broadcast_in_dim3A_632 {strides = array<i32>} : memref<80x80xf32, #tpu.memory_space<vmem>>, vector<16xf32>,
          %mul3A_680 = arith.constant 16 : i32
          %mul3A_681 = arith.muli %scan3A_245, %mul3A_680 : i32
          %add3A_682 = arith.constant 8 : i32
          %add3A_683 = arith.addi %mul3A_681, %add3A_682 : i32
          %slice3A_684 = vector.extract_strided_slice %get3A_249 {offsets = [8], sizes = [1], strides = [1]} : vector<16xf32> to vector<1xf32>
          %squeeze3A_685 = vector.extract %slice3A_684[0] : f32 from vector<1xf32>
          %broadcast_in_dim3A_686 = vector.broadcast %squeeze3A_685 : f32 to vector<16xf32>
          %get3A_687 = arith.index_cast %add3A_683 : i32 to index
          %get3A_688 = arith.constant 0 : index
          %get3A_689 = tpu.vector_load %arg17[%get3A_687, %get3A_688] {strides = array<i32>} : memref<80x64xf32, #tpu.memory_space<vmem>>, vector<16xf32>,
          %get3A_690 = arith.index_cast %add3A_683 : i32 to index
          %get3A_691 = arith.constant 0 : index
          %get3A_692 = tpu.vector_load %arg18[%get3A_690, %get3A_691] {strides = array<i32>} : memref<80x64xf32, #tpu.memory_space<vmem>>, vector<16xf32>,
          %add3A_693 = arith.addf %get3A_689, %get3A_692 : vector<16xf32>
          %mul3A_694 = arith.mulf %broadcast_in_dim3A_686, %add3A_693 : vector<16xf32>
          %swap3A_695 = arith.index_cast %add3A_683 : i32 to index
          %swap3A_696 = arith.constant 0 : index
          %swap3A_697 = tpu.vector_load %arg19[%swap3A_695, %swap3A_696] {strides = array<i32>} : memref<80x80xf32, #tpu.memory_space<vmem>>, vector<16xf32>,
          tpu.vector_store %arg19[%swap3A_695, %swap3A_696], %mul3A_694 {strides = array<i32>} : memref<80x80xf32, #tpu.memory_space<vmem>>, vector<16xf32>,
          %get3A_698 = arith.index_cast %add3A_683 : i32 to index
          %get3A_699 = arith.constant 16 : index
          %get3A_700 = tpu.vector_load %arg17[%get3A_698, %get3A_699] {strides = array<i32>} : memref<80x64xf32, #tpu.memory_space<vmem>>, vector<16xf32>,
          %get3A_701 = arith.index_cast %add3A_683 : i32 to index
          %get3A_702 = arith.constant 16 : index
          %get3A_703 = tpu.vector_load %arg18[%get3A_701, %get3A_702] {strides = array<i32>} : memref<80x64xf32, #tpu.memory_space<vmem>>, vector<16xf32>,
          %add3A_704 = arith.addf %get3A_700, %get3A_703 : vector<16xf32>
          %mul3A_705 = arith.mulf %broadcast_in_dim3A_686, %add3A_704 : vector<16xf32>
          %swap3A_706 = arith.index_cast %add3A_683 : i32 to index
          %swap3A_707 = arith.constant 16 : index
          %swap3A_708 = tpu.vector_load %arg19[%swap3A_706, %swap3A_707] {strides = array<i32>} : memref<80x80xf32, #tpu.memory_space<vmem>>, vector<16xf32>,
          tpu.vector_store %arg19[%swap3A_706, %swap3A_707], %mul3A_705 {strides = array<i32>} : memref<80x80xf32, #tpu.memory_space<vmem>>, vector<16xf32>,
          %get3A_709 = arith.index_cast %add3A_683 : i32 to index
          %get3A_710 = arith.constant 32 : index
          %get3A_711 = tpu.vector_load %arg17[%get3A_709, %get3A_710] {strides = array<i32>} : memref<80x64xf32, #tpu.memory_space<vmem>>, vector<16xf32>,
          %get3A_712 = arith.index_cast %add3A_683 : i32 to index
          %get3A_713 = arith.constant 32 : index
          %get3A_714 = tpu.vector_load %arg18[%get3A_712, %get3A_713] {strides = array<i32>} : memref<80x64xf32, #tpu.memory_space<vmem>>, vector<16xf32>,
          %add3A_715 = arith.addf %get3A_711, %get3A_714 : vector<16xf32>
          %mul3A_716 = arith.mulf %broadcast_in_dim3A_686, %add3A_715 : vector<16xf32>
          %swap3A_717 = arith.index_cast %add3A_683 : i32 to index
          %swap3A_718 = arith.constant 32 : index
          %swap3A_719 = tpu.vector_load %arg19[%swap3A_717, %swap3A_718] {strides = array<i32>} : memref<80x80xf32, #tpu.memory_space<vmem>>, vector<16xf32>,
          tpu.vector_store %arg19[%swap3A_717, %swap3A_718], %mul3A_716 {strides = array<i32>} : memref<80x80xf32, #tpu.memory_space<vmem>>, vector<16xf32>,
          %get3A_720 = arith.index_cast %add3A_683 : i32 to index
          %get3A_721 = arith.constant 48 : index
          %get3A_722 = tpu.vector_load %arg17[%get3A_720, %get3A_721] {strides = array<i32>} : memref<80x64xf32, #tpu.memory_space<vmem>>, vector<16xf32>,
          %get3A_723 = arith.index_cast %add3A_683 : i32 to index
          %get3A_724 = arith.constant 48 : index
          %get3A_725 = tpu.vector_load %arg18[%get3A_723, %get3A_724] {strides = array<i32>} : memref<80x64xf32, #tpu.memory_space<vmem>>, vector<16xf32>,
          %add3A_726 = arith.addf %get3A_722, %get3A_725 : vector<16xf32>
          %mul3A_727 = arith.mulf %broadcast_in_dim3A_686, %add3A_726 : vector<16xf32>
          %swap3A_728 = arith.index_cast %add3A_683 : i32 to index
          %swap3A_729 = arith.constant 48 : index
          %swap3A_730 = tpu.vector_load %arg19[%swap3A_728, %swap3A_729] {strides = array<i32>} : memref<80x80xf32, #tpu.memory_space<vmem>>, vector<16xf32>,
          tpu.vector_store %arg19[%swap3A_728, %swap3A_729], %mul3A_727 {strides = array<i32>} : memref<80x80xf32, #tpu.memory_space<vmem>>, vector<16xf32>,
          %swap3A_731 = arith.index_cast %add3A_683 : i32 to index
          %swap3A_732 = arith.constant 64 : index
          %swap3A_733 = tpu.vector_load %arg19[%swap3A_731, %swap3A_732] {strides = array<i32>} : memref<80x80xf32, #tpu.memory_space<vmem>>, vector<16xf32>,
          tpu.vector_store %arg19[%swap3A_731, %swap3A_732], %broadcast_in_dim3A_686 {strides = array<i32>} : memref<80x80xf32, #tpu.memory_space<vmem>>, vector<16xf32>,
          %mul3A_734 = arith.constant 16 : i32
          %mul3A_735 = arith.muli %scan3A_245, %mul3A_734 : i32
          %add3A_736 = arith.constant 9 : i32
          %add3A_737 = arith.addi %mul3A_735, %add3A_736 : i32
          %slice3A_738 = vector.extract_strided_slice %get3A_249 {offsets = [9], sizes = [1], strides = [1]} : vector<16xf32> to vector<1xf32>
          %squeeze3A_739 = vector.extract %slice3A_738[0] : f32 from vector<1xf32>
          %broadcast_in_dim3A_740 = vector.broadcast %squeeze3A_739 : f32 to vector<16xf32>
          %get3A_741 = arith.index_cast %add3A_737 : i32 to index
          %get3A_742 = arith.constant 0 : index
          %get3A_743 = tpu.vector_load %arg17[%get3A_741, %get3A_742] {strides = array<i32>} : memref<80x64xf32, #tpu.memory_space<vmem>>, vector<16xf32>,
          %get3A_744 = arith.index_cast %add3A_737 : i32 to index
          %get3A_745 = arith.constant 0 : index
          %get3A_746 = tpu.vector_load %arg18[%get3A_744, %get3A_745] {strides = array<i32>} : memref<80x64xf32, #tpu.memory_space<vmem>>, vector<16xf32>,
          %add3A_747 = arith.addf %get3A_743, %get3A_746 : vector<16xf32>
          %mul3A_748 = arith.mulf %broadcast_in_dim3A_740, %add3A_747 : vector<16xf32>
          %swap3A_749 = arith.index_cast %add3A_737 : i32 to index
          %swap3A_750 = arith.constant 0 : index
          %swap3A_751 = tpu.vector_load %arg19[%swap3A_749, %swap3A_750] {strides = array<i32>} : memref<80x80xf32, #tpu.memory_space<vmem>>, vector<16xf32>,
          tpu.vector_store %arg19[%swap3A_749, %swap3A_750], %mul3A_748 {strides = array<i32>} : memref<80x80xf32, #tpu.memory_space<vmem>>, vector<16xf32>,
          %get3A_752 = arith.index_cast %add3A_737 : i32 to index
          %get3A_753 = arith.constant 16 : index
          %get3A_754 = tpu.vector_load %arg17[%get3A_752, %get3A_753] {strides = array<i32>} : memref<80x64xf32, #tpu.memory_space<vmem>>, vector<16xf32>,
          %get3A_755 = arith.index_cast %add3A_737 : i32 to index
          %get3A_756 = arith.constant 16 : index
          %get3A_757 = tpu.vector_load %arg18[%get3A_755, %get3A_756] {strides = array<i32>} : memref<80x64xf32, #tpu.memory_space<vmem>>, vector<16xf32>,
          %add3A_758 = arith.addf %get3A_754, %get3A_757 : vector<16xf32>
          %mul3A_759 = arith.mulf %broadcast_in_dim3A_740, %add3A_758 : vector<16xf32>
          %swap3A_760 = arith.index_cast %add3A_737 : i32 to index
          %swap3A_761 = arith.constant 16 : index
          %swap3A_762 = tpu.vector_load %arg19[%swap3A_760, %swap3A_761] {strides = array<i32>} : memref<80x80xf32, #tpu.memory_space<vmem>>, vector<16xf32>,
          tpu.vector_store %arg19[%swap3A_760, %swap3A_761], %mul3A_759 {strides = array<i32>} : memref<80x80xf32, #tpu.memory_space<vmem>>, vector<16xf32>,
          %get3A_763 = arith.index_cast %add3A_737 : i32 to index
          %get3A_764 = arith.constant 32 : index
          %get3A_765 = tpu.vector_load %arg17[%get3A_763, %get3A_764] {strides = array<i32>} : memref<80x64xf32, #tpu.memory_space<vmem>>, vector<16xf32>,
          %get3A_766 = arith.index_cast %add3A_737 : i32 to index
          %get3A_767 = arith.constant 32 : index
          %get3A_768 = tpu.vector_load %arg18[%get3A_766, %get3A_767] {strides = array<i32>} : memref<80x64xf32, #tpu.memory_space<vmem>>, vector<16xf32>,
          %add3A_769 = arith.addf %get3A_765, %get3A_768 : vector<16xf32>
          %mul3A_770 = arith.mulf %broadcast_in_dim3A_740, %add3A_769 : vector<16xf32>
          %swap3A_771 = arith.index_cast %add3A_737 : i32 to index
          %swap3A_772 = arith.constant 32 : index
          %swap3A_773 = tpu.vector_load %arg19[%swap3A_771, %swap3A_772] {strides = array<i32>} : memref<80x80xf32, #tpu.memory_space<vmem>>, vector<16xf32>,
          tpu.vector_store %arg19[%swap3A_771, %swap3A_772], %mul3A_770 {strides = array<i32>} : memref<80x80xf32, #tpu.memory_space<vmem>>, vector<16xf32>,
          %get3A_774 = arith.index_cast %add3A_737 : i32 to index
          %get3A_775 = arith.constant 48 : index
          %get3A_776 = tpu.vector_load %arg17[%get3A_774, %get3A_775] {strides = array<i32>} : memref<80x64xf32, #tpu.memory_space<vmem>>, vector<16xf32>,
          %get3A_777 = arith.index_cast %add3A_737 : i32 to index
          %get3A_778 = arith.constant 48 : index
          %get3A_779 = tpu.vector_load %arg18[%get3A_777, %get3A_778] {strides = array<i32>} : memref<80x64xf32, #tpu.memory_space<vmem>>, vector<16xf32>,
          %add3A_780 = arith.addf %get3A_776, %get3A_779 : vector<16xf32>
          %mul3A_781 = arith.mulf %broadcast_in_dim3A_740, %add3A_780 : vector<16xf32>
          %swap3A_782 = arith.index_cast %add3A_737 : i32 to index
          %swap3A_783 = arith.constant 48 : index
          %swap3A_784 = tpu.vector_load %arg19[%swap3A_782, %swap3A_783] {strides = array<i32>} : memref<80x80xf32, #tpu.memory_space<vmem>>, vector<16xf32>,
          tpu.vector_store %arg19[%swap3A_782, %swap3A_783], %mul3A_781 {strides = array<i32>} : memref<80x80xf32, #tpu.memory_space<vmem>>, vector<16xf32>,
          %swap3A_785 = arith.index_cast %add3A_737 : i32 to index
          %swap3A_786 = arith.constant 64 : index
          %swap3A_787 = tpu.vector_load %arg19[%swap3A_785, %swap3A_786] {strides = array<i32>} : memref<80x80xf32, #tpu.memory_space<vmem>>, vector<16xf32>,
          tpu.vector_store %arg19[%swap3A_785, %swap3A_786], %broadcast_in_dim3A_740 {strides = array<i32>} : memref<80x80xf32, #tpu.memory_space<vmem>>, vector<16xf32>,
          %mul3A_788 = arith.constant 16 : i32
          %mul3A_789 = arith.muli %scan3A_245, %mul3A_788 : i32
          %add3A_790 = arith.constant 10 : i32
          %add3A_791 = arith.addi %mul3A_789, %add3A_790 : i32
          %slice3A_792 = vector.extract_strided_slice %get3A_249 {offsets = [10], sizes = [1], strides = [1]} : vector<16xf32> to vector<1xf32>
          %squeeze3A_793 = vector.extract %slice3A_792[0] : f32 from vector<1xf32>
          %broadcast_in_dim3A_794 = vector.broadcast %squeeze3A_793 : f32 to vector<16xf32>
          %get3A_795 = arith.index_cast %add3A_791 : i32 to index
          %get3A_796 = arith.constant 0 : index
          %get3A_797 = tpu.vector_load %arg17[%get3A_795, %get3A_796] {strides = array<i32>} : memref<80x64xf32, #tpu.memory_space<vmem>>, vector<16xf32>,
          %get3A_798 = arith.index_cast %add3A_791 : i32 to index
          %get3A_799 = arith.constant 0 : index
          %get3A_800 = tpu.vector_load %arg18[%get3A_798, %get3A_799] {strides = array<i32>} : memref<80x64xf32, #tpu.memory_space<vmem>>, vector<16xf32>,
          %add3A_801 = arith.addf %get3A_797, %get3A_800 : vector<16xf32>
          %mul3A_802 = arith.mulf %broadcast_in_dim3A_794, %add3A_801 : vector<16xf32>
          %swap3A_803 = arith.index_cast %add3A_791 : i32 to index
          %swap3A_804 = arith.constant 0 : index
          %swap3A_805 = tpu.vector_load %arg19[%swap3A_803, %swap3A_804] {strides = array<i32>} : memref<80x80xf32, #tpu.memory_space<vmem>>, vector<16xf32>,
          tpu.vector_store %arg19[%swap3A_803, %swap3A_804], %mul3A_802 {strides = array<i32>} : memref<80x80xf32, #tpu.memory_space<vmem>>, vector<16xf32>,
          %get3A_806 = arith.index_cast %add3A_791 : i32 to index
          %get3A_807 = arith.constant 16 : index
          %get3A_808 = tpu.vector_load %arg17[%get3A_806, %get3A_807] {strides = array<i32>} : memref<80x64xf32, #tpu.memory_space<vmem>>, vector<16xf32>,
          %get3A_809 = arith.index_cast %add3A_791 : i32 to index
          %get3A_810 = arith.constant 16 : index
          %get3A_811 = tpu.vector_load %arg18[%get3A_809, %get3A_810] {strides = array<i32>} : memref<80x64xf32, #tpu.memory_space<vmem>>, vector<16xf32>,
          %add3A_812 = arith.addf %get3A_808, %get3A_811 : vector<16xf32>
          %mul3A_813 = arith.mulf %broadcast_in_dim3A_794, %add3A_812 : vector<16xf32>
          %swap3A_814 = arith.index_cast %add3A_791 : i32 to index
          %swap3A_815 = arith.constant 16 : index
          %swap3A_816 = tpu.vector_load %arg19[%swap3A_814, %swap3A_815] {strides = array<i32>} : memref<80x80xf32, #tpu.memory_space<vmem>>, vector<16xf32>,
          tpu.vector_store %arg19[%swap3A_814, %swap3A_815], %mul3A_813 {strides = array<i32>} : memref<80x80xf32, #tpu.memory_space<vmem>>, vector<16xf32>,
          %get3A_817 = arith.index_cast %add3A_791 : i32 to index
          %get3A_818 = arith.constant 32 : index
          %get3A_819 = tpu.vector_load %arg17[%get3A_817, %get3A_818] {strides = array<i32>} : memref<80x64xf32, #tpu.memory_space<vmem>>, vector<16xf32>,
          %get3A_820 = arith.index_cast %add3A_791 : i32 to index
          %get3A_821 = arith.constant 32 : index
          %get3A_822 = tpu.vector_load %arg18[%get3A_820, %get3A_821] {strides = array<i32>} : memref<80x64xf32, #tpu.memory_space<vmem>>, vector<16xf32>,
          %add3A_823 = arith.addf %get3A_819, %get3A_822 : vector<16xf32>
          %mul3A_824 = arith.mulf %broadcast_in_dim3A_794, %add3A_823 : vector<16xf32>
          %swap3A_825 = arith.index_cast %add3A_791 : i32 to index
          %swap3A_826 = arith.constant 32 : index
          %swap3A_827 = tpu.vector_load %arg19[%swap3A_825, %swap3A_826] {strides = array<i32>} : memref<80x80xf32, #tpu.memory_space<vmem>>, vector<16xf32>,
          tpu.vector_store %arg19[%swap3A_825, %swap3A_826], %mul3A_824 {strides = array<i32>} : memref<80x80xf32, #tpu.memory_space<vmem>>, vector<16xf32>,
          %get3A_828 = arith.index_cast %add3A_791 : i32 to index
          %get3A_829 = arith.constant 48 : index
          %get3A_830 = tpu.vector_load %arg17[%get3A_828, %get3A_829] {strides = array<i32>} : memref<80x64xf32, #tpu.memory_space<vmem>>, vector<16xf32>,
          %get3A_831 = arith.index_cast %add3A_791 : i32 to index
          %get3A_832 = arith.constant 48 : index
          %get3A_833 = tpu.vector_load %arg18[%get3A_831, %get3A_832] {strides = array<i32>} : memref<80x64xf32, #tpu.memory_space<vmem>>, vector<16xf32>,
          %add3A_834 = arith.addf %get3A_830, %get3A_833 : vector<16xf32>
          %mul3A_835 = arith.mulf %broadcast_in_dim3A_794, %add3A_834 : vector<16xf32>
          %swap3A_836 = arith.index_cast %add3A_791 : i32 to index
          %swap3A_837 = arith.constant 48 : index
          %swap3A_838 = tpu.vector_load %arg19[%swap3A_836, %swap3A_837] {strides = array<i32>} : memref<80x80xf32, #tpu.memory_space<vmem>>, vector<16xf32>,
          tpu.vector_store %arg19[%swap3A_836, %swap3A_837], %mul3A_835 {strides = array<i32>} : memref<80x80xf32, #tpu.memory_space<vmem>>, vector<16xf32>,
          %swap3A_839 = arith.index_cast %add3A_791 : i32 to index
          %swap3A_840 = arith.constant 64 : index
          %swap3A_841 = tpu.vector_load %arg19[%swap3A_839, %swap3A_840] {strides = array<i32>} : memref<80x80xf32, #tpu.memory_space<vmem>>, vector<16xf32>,
          tpu.vector_store %arg19[%swap3A_839, %swap3A_840], %broadcast_in_dim3A_794 {strides = array<i32>} : memref<80x80xf32, #tpu.memory_space<vmem>>, vector<16xf32>,
          %mul3A_842 = arith.constant 16 : i32
          %mul3A_843 = arith.muli %scan3A_245, %mul3A_842 : i32
          %add3A_844 = arith.constant 11 : i32
          %add3A_845 = arith.addi %mul3A_843, %add3A_844 : i32
          %slice3A_846 = vector.extract_strided_slice %get3A_249 {offsets = [11], sizes = [1], strides = [1]} : vector<16xf32> to vector<1xf32>
          %squeeze3A_847 = vector.extract %slice3A_846[0] : f32 from vector<1xf32>
          %broadcast_in_dim3A_848 = vector.broadcast %squeeze3A_847 : f32 to vector<16xf32>
          %get3A_849 = arith.index_cast %add3A_845 : i32 to index
          %get3A_850 = arith.constant 0 : index
          %get3A_851 = tpu.vector_load %arg17[%get3A_849, %get3A_850] {strides = array<i32>} : memref<80x64xf32, #tpu.memory_space<vmem>>, vector<16xf32>,
          %get3A_852 = arith.index_cast %add3A_845 : i32 to index
          %get3A_853 = arith.constant 0 : index
          %get3A_854 = tpu.vector_load %arg18[%get3A_852, %get3A_853] {strides = array<i32>} : memref<80x64xf32, #tpu.memory_space<vmem>>, vector<16xf32>,
          %add3A_855 = arith.addf %get3A_851, %get3A_854 : vector<16xf32>
          %mul3A_856 = arith.mulf %broadcast_in_dim3A_848, %add3A_855 : vector<16xf32>
          %swap3A_857 = arith.index_cast %add3A_845 : i32 to index
          %swap3A_858 = arith.constant 0 : index
          %swap3A_859 = tpu.vector_load %arg19[%swap3A_857, %swap3A_858] {strides = array<i32>} : memref<80x80xf32, #tpu.memory_space<vmem>>, vector<16xf32>,
          tpu.vector_store %arg19[%swap3A_857, %swap3A_858], %mul3A_856 {strides = array<i32>} : memref<80x80xf32, #tpu.memory_space<vmem>>, vector<16xf32>,
          %get3A_860 = arith.index_cast %add3A_845 : i32 to index
          %get3A_861 = arith.constant 16 : index
          %get3A_862 = tpu.vector_load %arg17[%get3A_860, %get3A_861] {strides = array<i32>} : memref<80x64xf32, #tpu.memory_space<vmem>>, vector<16xf32>,
          %get3A_863 = arith.index_cast %add3A_845 : i32 to index
          %get3A_864 = arith.constant 16 : index
          %get3A_865 = tpu.vector_load %arg18[%get3A_863, %get3A_864] {strides = array<i32>} : memref<80x64xf32, #tpu.memory_space<vmem>>, vector<16xf32>,
          %add3A_866 = arith.addf %get3A_862, %get3A_865 : vector<16xf32>
          %mul3A_867 = arith.mulf %broadcast_in_dim3A_848, %add3A_866 : vector<16xf32>
          %swap3A_868 = arith.index_cast %add3A_845 : i32 to index
          %swap3A_869 = arith.constant 16 : index
          %swap3A_870 = tpu.vector_load %arg19[%swap3A_868, %swap3A_869] {strides = array<i32>} : memref<80x80xf32, #tpu.memory_space<vmem>>, vector<16xf32>,
          tpu.vector_store %arg19[%swap3A_868, %swap3A_869], %mul3A_867 {strides = array<i32>} : memref<80x80xf32, #tpu.memory_space<vmem>>, vector<16xf32>,
          %get3A_871 = arith.index_cast %add3A_845 : i32 to index
          %get3A_872 = arith.constant 32 : index
          %get3A_873 = tpu.vector_load %arg17[%get3A_871, %get3A_872] {strides = array<i32>} : memref<80x64xf32, #tpu.memory_space<vmem>>, vector<16xf32>,
          %get3A_874 = arith.index_cast %add3A_845 : i32 to index
          %get3A_875 = arith.constant 32 : index
          %get3A_876 = tpu.vector_load %arg18[%get3A_874, %get3A_875] {strides = array<i32>} : memref<80x64xf32, #tpu.memory_space<vmem>>, vector<16xf32>,
          %add3A_877 = arith.addf %get3A_873, %get3A_876 : vector<16xf32>
          %mul3A_878 = arith.mulf %broadcast_in_dim3A_848, %add3A_877 : vector<16xf32>
          %swap3A_879 = arith.index_cast %add3A_845 : i32 to index
          %swap3A_880 = arith.constant 32 : index
          %swap3A_881 = tpu.vector_load %arg19[%swap3A_879, %swap3A_880] {strides = array<i32>} : memref<80x80xf32, #tpu.memory_space<vmem>>, vector<16xf32>,
          tpu.vector_store %arg19[%swap3A_879, %swap3A_880], %mul3A_878 {strides = array<i32>} : memref<80x80xf32, #tpu.memory_space<vmem>>, vector<16xf32>,
          %get3A_882 = arith.index_cast %add3A_845 : i32 to index
          %get3A_883 = arith.constant 48 : index
          %get3A_884 = tpu.vector_load %arg17[%get3A_882, %get3A_883] {strides = array<i32>} : memref<80x64xf32, #tpu.memory_space<vmem>>, vector<16xf32>,
          %get3A_885 = arith.index_cast %add3A_845 : i32 to index
          %get3A_886 = arith.constant 48 : index
          %get3A_887 = tpu.vector_load %arg18[%get3A_885, %get3A_886] {strides = array<i32>} : memref<80x64xf32, #tpu.memory_space<vmem>>, vector<16xf32>,
          %add3A_888 = arith.addf %get3A_884, %get3A_887 : vector<16xf32>
          %mul3A_889 = arith.mulf %broadcast_in_dim3A_848, %add3A_888 : vector<16xf32>
          %swap3A_890 = arith.index_cast %add3A_845 : i32 to index
          %swap3A_891 = arith.constant 48 : index
          %swap3A_892 = tpu.vector_load %arg19[%swap3A_890, %swap3A_891] {strides = array<i32>} : memref<80x80xf32, #tpu.memory_space<vmem>>, vector<16xf32>,
          tpu.vector_store %arg19[%swap3A_890, %swap3A_891], %mul3A_889 {strides = array<i32>} : memref<80x80xf32, #tpu.memory_space<vmem>>, vector<16xf32>,
          %swap3A_893 = arith.index_cast %add3A_845 : i32 to index
          %swap3A_894 = arith.constant 64 : index
          %swap3A_895 = tpu.vector_load %arg19[%swap3A_893, %swap3A_894] {strides = array<i32>} : memref<80x80xf32, #tpu.memory_space<vmem>>, vector<16xf32>,
          tpu.vector_store %arg19[%swap3A_893, %swap3A_894], %broadcast_in_dim3A_848 {strides = array<i32>} : memref<80x80xf32, #tpu.memory_space<vmem>>, vector<16xf32>,
          %mul3A_896 = arith.constant 16 : i32
          %mul3A_897 = arith.muli %scan3A_245, %mul3A_896 : i32
          %add3A_898 = arith.constant 12 : i32
          %add3A_899 = arith.addi %mul3A_897, %add3A_898 : i32
          %slice3A_900 = vector.extract_strided_slice %get3A_249 {offsets = [12], sizes = [1], strides = [1]} : vector<16xf32> to vector<1xf32>
          %squeeze3A_901 = vector.extract %slice3A_900[0] : f32 from vector<1xf32>
          %broadcast_in_dim3A_902 = vector.broadcast %squeeze3A_901 : f32 to vector<16xf32>
          %get3A_903 = arith.index_cast %add3A_899 : i32 to index
          %get3A_904 = arith.constant 0 : index
          %get3A_905 = tpu.vector_load %arg17[%get3A_903, %get3A_904] {strides = array<i32>} : memref<80x64xf32, #tpu.memory_space<vmem>>, vector<16xf32>,
          %get3A_906 = arith.index_cast %add3A_899 : i32 to index
          %get3A_907 = arith.constant 0 : index
          %get3A_908 = tpu.vector_load %arg18[%get3A_906, %get3A_907] {strides = array<i32>} : memref<80x64xf32, #tpu.memory_space<vmem>>, vector<16xf32>,
          %add3A_909 = arith.addf %get3A_905, %get3A_908 : vector<16xf32>
          %mul3A_910 = arith.mulf %broadcast_in_dim3A_902, %add3A_909 : vector<16xf32>
          %swap3A_911 = arith.index_cast %add3A_899 : i32 to index
          %swap3A_912 = arith.constant 0 : index
          %swap3A_913 = tpu.vector_load %arg19[%swap3A_911, %swap3A_912] {strides = array<i32>} : memref<80x80xf32, #tpu.memory_space<vmem>>, vector<16xf32>,
          tpu.vector_store %arg19[%swap3A_911, %swap3A_912], %mul3A_910 {strides = array<i32>} : memref<80x80xf32, #tpu.memory_space<vmem>>, vector<16xf32>,
          %get3A_914 = arith.index_cast %add3A_899 : i32 to index
          %get3A_915 = arith.constant 16 : index
          %get3A_916 = tpu.vector_load %arg17[%get3A_914, %get3A_915] {strides = array<i32>} : memref<80x64xf32, #tpu.memory_space<vmem>>, vector<16xf32>,
          %get3A_917 = arith.index_cast %add3A_899 : i32 to index
          %get3A_918 = arith.constant 16 : index
          %get3A_919 = tpu.vector_load %arg18[%get3A_917, %get3A_918] {strides = array<i32>} : memref<80x64xf32, #tpu.memory_space<vmem>>, vector<16xf32>,
          %add3A_920 = arith.addf %get3A_916, %get3A_919 : vector<16xf32>
          %mul3A_921 = arith.mulf %broadcast_in_dim3A_902, %add3A_920 : vector<16xf32>
          %swap3A_922 = arith.index_cast %add3A_899 : i32 to index
          %swap3A_923 = arith.constant 16 : index
          %swap3A_924 = tpu.vector_load %arg19[%swap3A_922, %swap3A_923] {strides = array<i32>} : memref<80x80xf32, #tpu.memory_space<vmem>>, vector<16xf32>,
          tpu.vector_store %arg19[%swap3A_922, %swap3A_923], %mul3A_921 {strides = array<i32>} : memref<80x80xf32, #tpu.memory_space<vmem>>, vector<16xf32>,
          %get3A_925 = arith.index_cast %add3A_899 : i32 to index
          %get3A_926 = arith.constant 32 : index
          %get3A_927 = tpu.vector_load %arg17[%get3A_925, %get3A_926] {strides = array<i32>} : memref<80x64xf32, #tpu.memory_space<vmem>>, vector<16xf32>,
          %get3A_928 = arith.index_cast %add3A_899 : i32 to index
          %get3A_929 = arith.constant 32 : index
          %get3A_930 = tpu.vector_load %arg18[%get3A_928, %get3A_929] {strides = array<i32>} : memref<80x64xf32, #tpu.memory_space<vmem>>, vector<16xf32>,
          %add3A_931 = arith.addf %get3A_927, %get3A_930 : vector<16xf32>
          %mul3A_932 = arith.mulf %broadcast_in_dim3A_902, %add3A_931 : vector<16xf32>
          %swap3A_933 = arith.index_cast %add3A_899 : i32 to index
          %swap3A_934 = arith.constant 32 : index
          %swap3A_935 = tpu.vector_load %arg19[%swap3A_933, %swap3A_934] {strides = array<i32>} : memref<80x80xf32, #tpu.memory_space<vmem>>, vector<16xf32>,
          tpu.vector_store %arg19[%swap3A_933, %swap3A_934], %mul3A_932 {strides = array<i32>} : memref<80x80xf32, #tpu.memory_space<vmem>>, vector<16xf32>,
          %get3A_936 = arith.index_cast %add3A_899 : i32 to index
          %get3A_937 = arith.constant 48 : index
          %get3A_938 = tpu.vector_load %arg17[%get3A_936, %get3A_937] {strides = array<i32>} : memref<80x64xf32, #tpu.memory_space<vmem>>, vector<16xf32>,
          %get3A_939 = arith.index_cast %add3A_899 : i32 to index
          %get3A_940 = arith.constant 48 : index
          %get3A_941 = tpu.vector_load %arg18[%get3A_939, %get3A_940] {strides = array<i32>} : memref<80x64xf32, #tpu.memory_space<vmem>>, vector<16xf32>,
          %add3A_942 = arith.addf %get3A_938, %get3A_941 : vector<16xf32>
          %mul3A_943 = arith.mulf %broadcast_in_dim3A_902, %add3A_942 : vector<16xf32>
          %swap3A_944 = arith.index_cast %add3A_899 : i32 to index
          %swap3A_945 = arith.constant 48 : index
          %swap3A_946 = tpu.vector_load %arg19[%swap3A_944, %swap3A_945] {strides = array<i32>} : memref<80x80xf32, #tpu.memory_space<vmem>>, vector<16xf32>,
          tpu.vector_store %arg19[%swap3A_944, %swap3A_945], %mul3A_943 {strides = array<i32>} : memref<80x80xf32, #tpu.memory_space<vmem>>, vector<16xf32>,
          %swap3A_947 = arith.index_cast %add3A_899 : i32 to index
          %swap3A_948 = arith.constant 64 : index
          %swap3A_949 = tpu.vector_load %arg19[%swap3A_947, %swap3A_948] {strides = array<i32>} : memref<80x80xf32, #tpu.memory_space<vmem>>, vector<16xf32>,
          tpu.vector_store %arg19[%swap3A_947, %swap3A_948], %broadcast_in_dim3A_902 {strides = array<i32>} : memref<80x80xf32, #tpu.memory_space<vmem>>, vector<16xf32>,
          %mul3A_950 = arith.constant 16 : i32
          %mul3A_951 = arith.muli %scan3A_245, %mul3A_950 : i32
          %add3A_952 = arith.constant 13 : i32
          %add3A_953 = arith.addi %mul3A_951, %add3A_952 : i32
          %slice3A_954 = vector.extract_strided_slice %get3A_249 {offsets = [13], sizes = [1], strides = [1]} : vector<16xf32> to vector<1xf32>
          %squeeze3A_955 = vector.extract %slice3A_954[0] : f32 from vector<1xf32>
          %broadcast_in_dim3A_956 = vector.broadcast %squeeze3A_955 : f32 to vector<16xf32>
          %get3A_957 = arith.index_cast %add3A_953 : i32 to index
          %get3A_958 = arith.constant 0 : index
          %get3A_959 = tpu.vector_load %arg17[%get3A_957, %get3A_958] {strides = array<i32>} : memref<80x64xf32, #tpu.memory_space<vmem>>, vector<16xf32>,
          %get3A_960 = arith.index_cast %add3A_953 : i32 to index
          %get3A_961 = arith.constant 0 : index
          %get3A_962 = tpu.vector_load %arg18[%get3A_960, %get3A_961] {strides = array<i32>} : memref<80x64xf32, #tpu.memory_space<vmem>>, vector<16xf32>,
          %add3A_963 = arith.addf %get3A_959, %get3A_962 : vector<16xf32>
          %mul3A_964 = arith.mulf %broadcast_in_dim3A_956, %add3A_963 : vector<16xf32>
          %swap3A_965 = arith.index_cast %add3A_953 : i32 to index
          %swap3A_966 = arith.constant 0 : index
          %swap3A_967 = tpu.vector_load %arg19[%swap3A_965, %swap3A_966] {strides = array<i32>} : memref<80x80xf32, #tpu.memory_space<vmem>>, vector<16xf32>,
          tpu.vector_store %arg19[%swap3A_965, %swap3A_966], %mul3A_964 {strides = array<i32>} : memref<80x80xf32, #tpu.memory_space<vmem>>, vector<16xf32>,
          %get3A_968 = arith.index_cast %add3A_953 : i32 to index
          %get3A_969 = arith.constant 16 : index
          %get3A_970 = tpu.vector_load %arg17[%get3A_968, %get3A_969] {strides = array<i32>} : memref<80x64xf32, #tpu.memory_space<vmem>>, vector<16xf32>,
          %get3A_971 = arith.index_cast %add3A_953 : i32 to index
          %get3A_972 = arith.constant 16 : index
          %get3A_973 = tpu.vector_load %arg18[%get3A_971, %get3A_972] {strides = array<i32>} : memref<80x64xf32, #tpu.memory_space<vmem>>, vector<16xf32>,
          %add3A_974 = arith.addf %get3A_970, %get3A_973 : vector<16xf32>
          %mul3A_975 = arith.mulf %broadcast_in_dim3A_956, %add3A_974 : vector<16xf32>
          %swap3A_976 = arith.index_cast %add3A_953 : i32 to index
          %swap3A_977 = arith.constant 16 : index
          %swap3A_978 = tpu.vector_load %arg19[%swap3A_976, %swap3A_977] {strides = array<i32>} : memref<80x80xf32, #tpu.memory_space<vmem>>, vector<16xf32>,
          tpu.vector_store %arg19[%swap3A_976, %swap3A_977], %mul3A_975 {strides = array<i32>} : memref<80x80xf32, #tpu.memory_space<vmem>>, vector<16xf32>,
          %get3A_979 = arith.index_cast %add3A_953 : i32 to index
          %get3A_980 = arith.constant 32 : index
          %get3A_981 = tpu.vector_load %arg17[%get3A_979, %get3A_980] {strides = array<i32>} : memref<80x64xf32, #tpu.memory_space<vmem>>, vector<16xf32>,
          %get3A_982 = arith.index_cast %add3A_953 : i32 to index
          %get3A_983 = arith.constant 32 : index
          %get3A_984 = tpu.vector_load %arg18[%get3A_982, %get3A_983] {strides = array<i32>} : memref<80x64xf32, #tpu.memory_space<vmem>>, vector<16xf32>,
          %add3A_985 = arith.addf %get3A_981, %get3A_984 : vector<16xf32>
          %mul3A_986 = arith.mulf %broadcast_in_dim3A_956, %add3A_985 : vector<16xf32>
          %swap3A_987 = arith.index_cast %add3A_953 : i32 to index
          %swap3A_988 = arith.constant 32 : index
          %swap3A_989 = tpu.vector_load %arg19[%swap3A_987, %swap3A_988] {strides = array<i32>} : memref<80x80xf32, #tpu.memory_space<vmem>>, vector<16xf32>,
          tpu.vector_store %arg19[%swap3A_987, %swap3A_988], %mul3A_986 {strides = array<i32>} : memref<80x80xf32, #tpu.memory_space<vmem>>, vector<16xf32>,
          %get3A_990 = arith.index_cast %add3A_953 : i32 to index
          %get3A_991 = arith.constant 48 : index
          %get3A_992 = tpu.vector_load %arg17[%get3A_990, %get3A_991] {strides = array<i32>} : memref<80x64xf32, #tpu.memory_space<vmem>>, vector<16xf32>,
          %get3A_993 = arith.index_cast %add3A_953 : i32 to index
          %get3A_994 = arith.constant 48 : index
          %get3A_995 = tpu.vector_load %arg18[%get3A_993, %get3A_994] {strides = array<i32>} : memref<80x64xf32, #tpu.memory_space<vmem>>, vector<16xf32>,
          %add3A_996 = arith.addf %get3A_992, %get3A_995 : vector<16xf32>
          %mul3A_997 = arith.mulf %broadcast_in_dim3A_956, %add3A_996 : vector<16xf32>
          %swap3A_998 = arith.index_cast %add3A_953 : i32 to index
          %swap3A_999 = arith.constant 48 : index
          %swap3A_1000 = tpu.vector_load %arg19[%swap3A_998, %swap3A_999] {strides = array<i32>} : memref<80x80xf32, #tpu.memory_space<vmem>>, vector<16xf32>,
          tpu.vector_store %arg19[%swap3A_998, %swap3A_999], %mul3A_997 {strides = array<i32>} : memref<80x80xf32, #tpu.memory_space<vmem>>, vector<16xf32>,
          %swap3A_1001 = arith.index_cast %add3A_953 : i32 to index
          %swap3A_1002 = arith.constant 64 : index
          %swap3A_1003 = tpu.vector_load %arg19[%swap3A_1001, %swap3A_1002] {strides = array<i32>} : memref<80x80xf32, #tpu.memory_space<vmem>>, vector<16xf32>,
          tpu.vector_store %arg19[%swap3A_1001, %swap3A_1002], %broadcast_in_dim3A_956 {strides = array<i32>} : memref<80x80xf32, #tpu.memory_space<vmem>>, vector<16xf32>,
          %mul3A_1004 = arith.constant 16 : i32
          %mul3A_1005 = arith.muli %scan3A_245, %mul3A_1004 : i32
          %add3A_1006 = arith.constant 14 : i32
          %add3A_1007 = arith.addi %mul3A_1005, %add3A_1006 : i32
          %slice3A_1008 = vector.extract_strided_slice %get3A_249 {offsets = [14], sizes = [1], strides = [1]} : vector<16xf32> to vector<1xf32>
          %squeeze3A_1009 = vector.extract %slice3A_1008[0] : f32 from vector<1xf32>
          %broadcast_in_dim3A_1010 = vector.broadcast %squeeze3A_1009 : f32 to vector<16xf32>
          %get3A_1011 = arith.index_cast %add3A_1007 : i32 to index
          %get3A_1012 = arith.constant 0 : index
          %get3A_1013 = tpu.vector_load %arg17[%get3A_1011, %get3A_1012] {strides = array<i32>} : memref<80x64xf32, #tpu.memory_space<vmem>>, vector<16xf32>,
          %get3A_1014 = arith.index_cast %add3A_1007 : i32 to index
          %get3A_1015 = arith.constant 0 : index
          %get3A_1016 = tpu.vector_load %arg18[%get3A_1014, %get3A_1015] {strides = array<i32>} : memref<80x64xf32, #tpu.memory_space<vmem>>, vector<16xf32>,
          %add3A_1017 = arith.addf %get3A_1013, %get3A_1016 : vector<16xf32>
          %mul3A_1018 = arith.mulf %broadcast_in_dim3A_1010, %add3A_1017 : vector<16xf32>
          %swap3A_1019 = arith.index_cast %add3A_1007 : i32 to index
          %swap3A_1020 = arith.constant 0 : index
          %swap3A_1021 = tpu.vector_load %arg19[%swap3A_1019, %swap3A_1020] {strides = array<i32>} : memref<80x80xf32, #tpu.memory_space<vmem>>, vector<16xf32>,
          tpu.vector_store %arg19[%swap3A_1019, %swap3A_1020], %mul3A_1018 {strides = array<i32>} : memref<80x80xf32, #tpu.memory_space<vmem>>, vector<16xf32>,
          %get3A_1022 = arith.index_cast %add3A_1007 : i32 to index
          %get3A_1023 = arith.constant 16 : index
          %get3A_1024 = tpu.vector_load %arg17[%get3A_1022, %get3A_1023] {strides = array<i32>} : memref<80x64xf32, #tpu.memory_space<vmem>>, vector<16xf32>,
          %get3A_1025 = arith.index_cast %add3A_1007 : i32 to index
          %get3A_1026 = arith.constant 16 : index
          %get3A_1027 = tpu.vector_load %arg18[%get3A_1025, %get3A_1026] {strides = array<i32>} : memref<80x64xf32, #tpu.memory_space<vmem>>, vector<16xf32>,
          %add3A_1028 = arith.addf %get3A_1024, %get3A_1027 : vector<16xf32>
          %mul3A_1029 = arith.mulf %broadcast_in_dim3A_1010, %add3A_1028 : vector<16xf32>
          %swap3A_1030 = arith.index_cast %add3A_1007 : i32 to index
          %swap3A_1031 = arith.constant 16 : index
          %swap3A_1032 = tpu.vector_load %arg19[%swap3A_1030, %swap3A_1031] {strides = array<i32>} : memref<80x80xf32, #tpu.memory_space<vmem>>, vector<16xf32>,
          tpu.vector_store %arg19[%swap3A_1030, %swap3A_1031], %mul3A_1029 {strides = array<i32>} : memref<80x80xf32, #tpu.memory_space<vmem>>, vector<16xf32>,
          %get3A_1033 = arith.index_cast %add3A_1007 : i32 to index
          %get3A_1034 = arith.constant 32 : index
          %get3A_1035 = tpu.vector_load %arg17[%get3A_1033, %get3A_1034] {strides = array<i32>} : memref<80x64xf32, #tpu.memory_space<vmem>>, vector<16xf32>,
          %get3A_1036 = arith.index_cast %add3A_1007 : i32 to index
          %get3A_1037 = arith.constant 32 : index
          %get3A_1038 = tpu.vector_load %arg18[%get3A_1036, %get3A_1037] {strides = array<i32>} : memref<80x64xf32, #tpu.memory_space<vmem>>, vector<16xf32>,
          %add3A_1039 = arith.addf %get3A_1035, %get3A_1038 : vector<16xf32>
          %mul3A_1040 = arith.mulf %broadcast_in_dim3A_1010, %add3A_1039 : vector<16xf32>
          %swap3A_1041 = arith.index_cast %add3A_1007 : i32 to index
          %swap3A_1042 = arith.constant 32 : index
          %swap3A_1043 = tpu.vector_load %arg19[%swap3A_1041, %swap3A_1042] {strides = array<i32>} : memref<80x80xf32, #tpu.memory_space<vmem>>, vector<16xf32>,
          tpu.vector_store %arg19[%swap3A_1041, %swap3A_1042], %mul3A_1040 {strides = array<i32>} : memref<80x80xf32, #tpu.memory_space<vmem>>, vector<16xf32>,
          %get3A_1044 = arith.index_cast %add3A_1007 : i32 to index
          %get3A_1045 = arith.constant 48 : index
          %get3A_1046 = tpu.vector_load %arg17[%get3A_1044, %get3A_1045] {strides = array<i32>} : memref<80x64xf32, #tpu.memory_space<vmem>>, vector<16xf32>,
          %get3A_1047 = arith.index_cast %add3A_1007 : i32 to index
          %get3A_1048 = arith.constant 48 : index
          %get3A_1049 = tpu.vector_load %arg18[%get3A_1047, %get3A_1048] {strides = array<i32>} : memref<80x64xf32, #tpu.memory_space<vmem>>, vector<16xf32>,
          %add3A_1050 = arith.addf %get3A_1046, %get3A_1049 : vector<16xf32>
          %mul3A_1051 = arith.mulf %broadcast_in_dim3A_1010, %add3A_1050 : vector<16xf32>
          %swap3A_1052 = arith.index_cast %add3A_1007 : i32 to index
          %swap3A_1053 = arith.constant 48 : index
          %swap3A_1054 = tpu.vector_load %arg19[%swap3A_1052, %swap3A_1053] {strides = array<i32>} : memref<80x80xf32, #tpu.memory_space<vmem>>, vector<16xf32>,
          tpu.vector_store %arg19[%swap3A_1052, %swap3A_1053], %mul3A_1051 {strides = array<i32>} : memref<80x80xf32, #tpu.memory_space<vmem>>, vector<16xf32>,
          %swap3A_1055 = arith.index_cast %add3A_1007 : i32 to index
          %swap3A_1056 = arith.constant 64 : index
          %swap3A_1057 = tpu.vector_load %arg19[%swap3A_1055, %swap3A_1056] {strides = array<i32>} : memref<80x80xf32, #tpu.memory_space<vmem>>, vector<16xf32>,
          tpu.vector_store %arg19[%swap3A_1055, %swap3A_1056], %broadcast_in_dim3A_1010 {strides = array<i32>} : memref<80x80xf32, #tpu.memory_space<vmem>>, vector<16xf32>,
          %mul3A_1058 = arith.constant 16 : i32
          %mul3A_1059 = arith.muli %scan3A_245, %mul3A_1058 : i32
          %add3A_1060 = arith.constant 15 : i32
          %add3A_1061 = arith.addi %mul3A_1059, %add3A_1060 : i32
          %slice3A_1062 = vector.extract_strided_slice %get3A_249 {offsets = [15], sizes = [1], strides = [1]} : vector<16xf32> to vector<1xf32>
          %squeeze3A_1063 = vector.extract %slice3A_1062[0] : f32 from vector<1xf32>
          %broadcast_in_dim3A_1064 = vector.broadcast %squeeze3A_1063 : f32 to vector<16xf32>
          %get3A_1065 = arith.index_cast %add3A_1061 : i32 to index
          %get3A_1066 = arith.constant 0 : index
          %get3A_1067 = tpu.vector_load %arg17[%get3A_1065, %get3A_1066] {strides = array<i32>} : memref<80x64xf32, #tpu.memory_space<vmem>>, vector<16xf32>,
          %get3A_1068 = arith.index_cast %add3A_1061 : i32 to index
          %get3A_1069 = arith.constant 0 : index
          %get3A_1070 = tpu.vector_load %arg18[%get3A_1068, %get3A_1069] {strides = array<i32>} : memref<80x64xf32, #tpu.memory_space<vmem>>, vector<16xf32>,
          %add3A_1071 = arith.addf %get3A_1067, %get3A_1070 : vector<16xf32>
          %mul3A_1072 = arith.mulf %broadcast_in_dim3A_1064, %add3A_1071 : vector<16xf32>
          %swap3A_1073 = arith.index_cast %add3A_1061 : i32 to index
          %swap3A_1074 = arith.constant 0 : index
          %swap3A_1075 = tpu.vector_load %arg19[%swap3A_1073, %swap3A_1074] {strides = array<i32>} : memref<80x80xf32, #tpu.memory_space<vmem>>, vector<16xf32>,
          tpu.vector_store %arg19[%swap3A_1073, %swap3A_1074], %mul3A_1072 {strides = array<i32>} : memref<80x80xf32, #tpu.memory_space<vmem>>, vector<16xf32>,
          %get3A_1076 = arith.index_cast %add3A_1061 : i32 to index
          %get3A_1077 = arith.constant 16 : index
          %get3A_1078 = tpu.vector_load %arg17[%get3A_1076, %get3A_1077] {strides = array<i32>} : memref<80x64xf32, #tpu.memory_space<vmem>>, vector<16xf32>,
          %get3A_1079 = arith.index_cast %add3A_1061 : i32 to index
          %get3A_1080 = arith.constant 16 : index
          %get3A_1081 = tpu.vector_load %arg18[%get3A_1079, %get3A_1080] {strides = array<i32>} : memref<80x64xf32, #tpu.memory_space<vmem>>, vector<16xf32>,
          %add3A_1082 = arith.addf %get3A_1078, %get3A_1081 : vector<16xf32>
          %mul3A_1083 = arith.mulf %broadcast_in_dim3A_1064, %add3A_1082 : vector<16xf32>
          %swap3A_1084 = arith.index_cast %add3A_1061 : i32 to index
          %swap3A_1085 = arith.constant 16 : index
          %swap3A_1086 = tpu.vector_load %arg19[%swap3A_1084, %swap3A_1085] {strides = array<i32>} : memref<80x80xf32, #tpu.memory_space<vmem>>, vector<16xf32>,
          tpu.vector_store %arg19[%swap3A_1084, %swap3A_1085], %mul3A_1083 {strides = array<i32>} : memref<80x80xf32, #tpu.memory_space<vmem>>, vector<16xf32>,
          %get3A_1087 = arith.index_cast %add3A_1061 : i32 to index
          %get3A_1088 = arith.constant 32 : index
          %get3A_1089 = tpu.vector_load %arg17[%get3A_1087, %get3A_1088] {strides = array<i32>} : memref<80x64xf32, #tpu.memory_space<vmem>>, vector<16xf32>,
          %get3A_1090 = arith.index_cast %add3A_1061 : i32 to index
          %get3A_1091 = arith.constant 32 : index
          %get3A_1092 = tpu.vector_load %arg18[%get3A_1090, %get3A_1091] {strides = array<i32>} : memref<80x64xf32, #tpu.memory_space<vmem>>, vector<16xf32>,
          %add3A_1093 = arith.addf %get3A_1089, %get3A_1092 : vector<16xf32>
          %mul3A_1094 = arith.mulf %broadcast_in_dim3A_1064, %add3A_1093 : vector<16xf32>
          %swap3A_1095 = arith.index_cast %add3A_1061 : i32 to index
          %swap3A_1096 = arith.constant 32 : index
          %swap3A_1097 = tpu.vector_load %arg19[%swap3A_1095, %swap3A_1096] {strides = array<i32>} : memref<80x80xf32, #tpu.memory_space<vmem>>, vector<16xf32>,
          tpu.vector_store %arg19[%swap3A_1095, %swap3A_1096], %mul3A_1094 {strides = array<i32>} : memref<80x80xf32, #tpu.memory_space<vmem>>, vector<16xf32>,
          %get3A_1098 = arith.index_cast %add3A_1061 : i32 to index
          %get3A_1099 = arith.constant 48 : index
          %get3A_1100 = tpu.vector_load %arg17[%get3A_1098, %get3A_1099] {strides = array<i32>} : memref<80x64xf32, #tpu.memory_space<vmem>>, vector<16xf32>,
          %get3A_1101 = arith.index_cast %add3A_1061 : i32 to index
          %get3A_1102 = arith.constant 48 : index
          %get3A_1103 = tpu.vector_load %arg18[%get3A_1101, %get3A_1102] {strides = array<i32>} : memref<80x64xf32, #tpu.memory_space<vmem>>, vector<16xf32>,
          %add3A_1104 = arith.addf %get3A_1100, %get3A_1103 : vector<16xf32>
          %mul3A_1105 = arith.mulf %broadcast_in_dim3A_1064, %add3A_1104 : vector<16xf32>
          %swap3A_1106 = arith.index_cast %add3A_1061 : i32 to index
          %swap3A_1107 = arith.constant 48 : index
          %swap3A_1108 = tpu.vector_load %arg19[%swap3A_1106, %swap3A_1107] {strides = array<i32>} : memref<80x80xf32, #tpu.memory_space<vmem>>, vector<16xf32>,
          tpu.vector_store %arg19[%swap3A_1106, %swap3A_1107], %mul3A_1105 {strides = array<i32>} : memref<80x80xf32, #tpu.memory_space<vmem>>, vector<16xf32>,
          %swap3A_1109 = arith.index_cast %add3A_1061 : i32 to index
          %swap3A_1110 = arith.constant 64 : index
          %swap3A_1111 = tpu.vector_load %arg19[%swap3A_1109, %swap3A_1110] {strides = array<i32>} : memref<80x80xf32, #tpu.memory_space<vmem>>, vector<16xf32>,
          tpu.vector_store %arg19[%swap3A_1109, %swap3A_1110], %broadcast_in_dim3A_1064 {strides = array<i32>} : memref<80x80xf32, #tpu.memory_space<vmem>>, vector<16xf32>,
        }
        %scan3A_243 = arith.constant 5 : i32
        %run_scoped3A_244 = arith.constant 0 : i32
        "tpu.region"() ({
          %run_scoped3A_245 = tpu.sem_alloc : memref<!tpu.dma_semaphore, #tpu.memory_space<semaphore_mem>>
          %dma_start3A_246 = arith.constant 0 : i32
          %dma_start3A_247 = tpu.memref_slice %arg14[%scan3A_47, %run_scoped3A_244, %dma_start3A_246] : memref<25x1x80xi32, #tpu.memory_space<vmem>> -> memref<1x1x80xi32, #tpu.memory_space<vmem>>
          %dma_start3A_248 = tpu.memref_squeeze %dma_start3A_247 : memref<1x1x80xi32, #tpu.memory_space<vmem>> -> memref<80xi32, #tpu.memory_space<vmem>>
          %dma_start3A_249 = arith.constant 0 : i32
          %dma_start3A_250 = arith.constant 0 : i32
          %dma_start3A_251 = tpu.memref_slice %arg22[%dma_start3A_249, %dma_start3A_250] : memref<10240x80xf32, #tpu.memory_space<vmem_shared>> -> memref<10240x80xf32, #tpu.memory_space<vmem_shared>>
          tpu.enqueue_indirect_dma source(%arg19 : memref<80x80xf32, #tpu.memory_space<vmem>>) target(%dma_start3A_251 : memref<10240x80xf32, #tpu.memory_space<vmem_shared>>) offsets(%dma_start3A_248 : memref<80xi32, #tpu.memory_space<vmem>>) semaphore(%run_scoped3A_245 : memref<!tpu.dma_semaphore, #tpu.memory_space<semaphore_mem>>) {add = true}
          %dma_wait3A_252 = arith.constant 0 : i32
          %dma_wait3A_253 = tpu.memref_slice %arg14[%scan3A_47, %run_scoped3A_244, %dma_wait3A_252] : memref<25x1x80xi32, #tpu.memory_space<vmem>> -> memref<1x1x80xi32, #tpu.memory_space<vmem>>
          %dma_wait3A_254 = tpu.memref_squeeze %dma_wait3A_253 : memref<1x1x80xi32, #tpu.memory_space<vmem>> -> memref<80xi32, #tpu.memory_space<vmem>>
          %dma_wait3A_255 = arith.constant 0 : i32
          %dma_wait3A_256 = arith.constant 0 : i32
          %dma_wait3A_257 = tpu.memref_slice %arg22[%dma_wait3A_255, %dma_wait3A_256] : memref<10240x80xf32, #tpu.memory_space<vmem_shared>> -> memref<10240x80xf32, #tpu.memory_space<vmem_shared>>
          tpu.wait_indirect_dma semaphore(%run_scoped3A_245 : memref<!tpu.dma_semaphore, #tpu.memory_space<semaphore_mem>>) src(%arg19 : memref<80x80xf32, #tpu.memory_space<vmem>>) dst(%dma_wait3A_257 : memref<10240x80xf32, #tpu.memory_space<vmem_shared>>)
          tpu.yield
        }) : () -> ()
      }
      %scan3A_46 = arith.constant 25 : i32
    }
    %scan3A_31 = arith.constant 10 : i32
    %barrier3A_32 = arith.constant 0 : index
    tpu.barrier barrier_id(%barrier3A_32)
    %mul3A_33 = arith.constant 640 : i32
    %mul3A_34 = arith.muli %arg1, %mul3A_33 : i32
    "tpu.region"() ({
      %run_scoped3A_35 = tpu.sem_alloc : memref<!tpu.dma_semaphore, #tpu.memory_space<semaphore_mem>>
      %dma_start3A = arith.constant 0 : i32
      %dma_start3A_36 = arith.constant 0 : i32
      %dma_start3A_37 = tpu.memref_slice %arg10[%arg0, %arg1, %dma_start3A, %dma_start3A_36] : memref<2x16x640x80xf32, #tpu.memory_space<hbm>> -> memref<1x1x640x80xf32, #tpu.memory_space<hbm>>
      %dma_start3A_38 = tpu.memref_squeeze %dma_start3A_37 : memref<1x1x640x80xf32, #tpu.memory_space<hbm>> -> memref<640x80xf32, #tpu.memory_space<hbm>>
      %dma_start3A_39 = arith.constant 0 : i32
      %dma_start3A_40 = tpu.memref_slice %arg22[%mul3A_34, %dma_start3A_39] : memref<10240x80xf32, #tpu.memory_space<vmem_shared>> -> memref<640x80xf32, #tpu.memory_space<vmem_shared>>
      tpu.enqueue_dma source(%dma_start3A_40 : memref<640x80xf32, #tpu.memory_space<vmem_shared>>) target(%dma_start3A_38 : memref<640x80xf32, #tpu.memory_space<hbm>>) target_semaphore(%run_scoped3A_35 : memref<!tpu.dma_semaphore, #tpu.memory_space<semaphore_mem>>)
      %dma_wait3A = arith.constant 0 : i32
      %dma_wait3A_41 = arith.constant 0 : i32
      %dma_wait3A_42 = tpu.memref_slice %arg10[%arg0, %arg1, %dma_wait3A, %dma_wait3A_41] : memref<2x16x640x80xf32, #tpu.memory_space<hbm>> -> memref<1x1x640x80xf32, #tpu.memory_space<hbm>>
      %dma_wait3A_43 = tpu.memref_squeeze %dma_wait3A_42 : memref<1x1x640x80xf32, #tpu.memory_space<hbm>> -> memref<640x80xf32, #tpu.memory_space<hbm>>
      %dma_wait3A_44 = arith.constant 0 : i32
      %dma_wait3A_45 = tpu.memref_slice %arg22[%mul3A_34, %dma_wait3A_44] : memref<10240x80xf32, #tpu.memory_space<vmem_shared>> -> memref<640x80xf32, #tpu.memory_space<vmem_shared>>
      tpu.wait_dma2 semaphore(%run_scoped3A_35 : memref<!tpu.dma_semaphore, #tpu.memory_space<semaphore_mem>>) src(%dma_wait3A_45 : memref<640x80xf32, #tpu.memory_space<vmem_shared>>) dst(%dma_wait3A_43 : memref<640x80xf32, #tpu.memory_space<hbm>>)
      tpu.yield
    }) : () -> ()
    return
  }
}

module attributes {stable_mosaic.version = 14 : i64} {
  func.func @_prologue_body(%arg0: i32, %arg1: memref<5x400x128xf32, #tpu.memory_space<vmem>>, %arg2: memref<7x128x64xf32, #tpu.memory_space<vmem>>, %arg3: memref<7x64xf32, #tpu.memory_space<vmem>>, %arg4: memref<6x128xf32, #tpu.memory_space<vmem>>, %arg5: memref<1x8xf32, #tpu.memory_space<vmem>>, %arg6: memref<400x64xf32, #tpu.memory_space<vmem>>, %arg7: memref<2x400x64xf32, #tpu.memory_space<vmem>>, %arg8: memref<2x400x64xf32, #tpu.memory_space<vmem>>, %arg9: memref<2x400x64xf32, #tpu.memory_space<vmem>>, %arg10: memref<400x8xf32, #tpu.memory_space<vmem>>) attributes {dimension_semantics = [#tpu.dimension_semantics<arbitrary>], iteration_bounds = array<i64: 25>, scalar_prefetch = 0 : i64, scratch_operands = 0 : i64, tpu.core_type = #tpu.core_type<tc>, window_params = [{transform_indices = @transform_0, window_bounds = array<i64: 5, 400, 128>}, {pipeline_mode = #tpu.pipeline_mode<synchronous>, transform_indices = @transform_1, window_bounds = array<i64: 7, 128, 64>}, {pipeline_mode = #tpu.pipeline_mode<synchronous>, transform_indices = @transform_2, window_bounds = array<i64: 7, 64>}, {pipeline_mode = #tpu.pipeline_mode<synchronous>, transform_indices = @transform_3, window_bounds = array<i64: 6, 128>}, {pipeline_mode = #tpu.pipeline_mode<synchronous>, transform_indices = @transform_4, window_bounds = array<i64: 1, 8>}, {transform_indices = @transform_5, window_bounds = array<i64: 400, 64>}, {transform_indices = @transform_6, window_bounds = array<i64: 2, 400, 64>}, {transform_indices = @transform_7, window_bounds = array<i64: 2, 400, 64>}, {transform_indices = @transform_8, window_bounds = array<i64: 2, 400, 64>}, {transform_indices = @transform_9, window_bounds = array<i64: 400, 8>}]} {
    %get3A = arith.constant 0 : index
    %get3A_0 = arith.constant 0 : index
    %get3A_1 = arith.constant 0 : index
    %get3A_2 = vector.load %arg1[%get3A, %get3A_0, %get3A_1] : memref<5x400x128xf32, #tpu.memory_space<vmem>>, vector<1x400x128xf32>
    %get3A_3 = vector.shape_cast %get3A_2 : vector<1x400x128xf32> to vector<400x128xf32>
    %get3A_4 = arith.constant 0 : index
    %get3A_5 = arith.constant 0 : index
    %get3A_6 = arith.constant 0 : index
    %get3A_7 = vector.load %arg2[%get3A_4, %get3A_5, %get3A_6] : memref<7x128x64xf32, #tpu.memory_space<vmem>>, vector<1x128x64xf32>
    %get3A_8 = vector.shape_cast %get3A_7 : vector<1x128x64xf32> to vector<128x64xf32>
    %dot_general3A = arith.constant dense<0.000000e+00> : vector<400x64xf32>
    %dot_general3A_9 = tpu.matmul %get3A_3, %get3A_8, %dot_general3A {dimension_numbers = #tpu.dot_dimension_numbers<[1], [0], [0], [1], [0, 0, 1, 1], [], []>, transpose_lhs_hint = false} : vector<400x128xf32>, vector<128x64xf32>, vector<400x64xf32> -> vector<400x64xf32>
    %get3A_10 = arith.constant 0 : index
    %get3A_11 = arith.constant 0 : index
    %get3A_12 = vector.load %arg3[%get3A_10, %get3A_11] : memref<7x64xf32, #tpu.memory_space<vmem>>, vector<1x64xf32>
    %get3A_13 = vector.shape_cast %get3A_12 : vector<1x64xf32> to vector<64xf32>
    %broadcast_in_dim3A = vector.shape_cast %get3A_13 : vector<64xf32> to vector<1x64xf32>
    %add3A = vector.broadcast %broadcast_in_dim3A : vector<1x64xf32> to vector<400x64xf32>
    %add3A_14 = arith.addf %dot_general3A_9, %add3A : vector<400x64xf32>
    %get3A_15 = arith.constant 0 : index
    %get3A_16 = arith.constant 0 : index
    %get3A_17 = arith.constant 0 : index
    %get3A_18 = vector.load %arg1[%get3A_15, %get3A_16, %get3A_17] : memref<5x400x128xf32, #tpu.memory_space<vmem>>, vector<1x400x128xf32>
    %get3A_19 = vector.shape_cast %get3A_18 : vector<1x400x128xf32> to vector<400x128xf32>
    %get3A_20 = arith.constant 1 : index
    %get3A_21 = arith.constant 0 : index
    %get3A_22 = arith.constant 0 : index
    %get3A_23 = vector.load %arg2[%get3A_20, %get3A_21, %get3A_22] : memref<7x128x64xf32, #tpu.memory_space<vmem>>, vector<1x128x64xf32>
    %get3A_24 = vector.shape_cast %get3A_23 : vector<1x128x64xf32> to vector<128x64xf32>
    %dot_general3A_25 = arith.constant dense<0.000000e+00> : vector<400x64xf32>
    %dot_general3A_26 = tpu.matmul %get3A_19, %get3A_24, %dot_general3A_25 {dimension_numbers = #tpu.dot_dimension_numbers<[1], [0], [0], [1], [0, 0, 1, 1], [], []>, transpose_lhs_hint = false} : vector<400x128xf32>, vector<128x64xf32>, vector<400x64xf32> -> vector<400x64xf32>
    %get3A_27 = arith.constant 1 : index
    %get3A_28 = arith.constant 0 : index
    %get3A_29 = vector.load %arg3[%get3A_27, %get3A_28] : memref<7x64xf32, #tpu.memory_space<vmem>>, vector<1x64xf32>
    %get3A_30 = vector.shape_cast %get3A_29 : vector<1x64xf32> to vector<64xf32>
    %broadcast_in_dim3A_31 = vector.shape_cast %get3A_30 : vector<64xf32> to vector<1x64xf32>
    %add3A_32 = vector.broadcast %broadcast_in_dim3A_31 : vector<1x64xf32> to vector<400x64xf32>
    %add3A_33 = arith.addf %dot_general3A_26, %add3A_32 : vector<400x64xf32>
    %get3A_34 = arith.constant 1 : index
    %get3A_35 = arith.constant 0 : index
    %get3A_36 = arith.constant 0 : index
    %get3A_37 = vector.load %arg1[%get3A_34, %get3A_35, %get3A_36] : memref<5x400x128xf32, #tpu.memory_space<vmem>>, vector<1x400x128xf32>
    %get3A_38 = vector.shape_cast %get3A_37 : vector<1x400x128xf32> to vector<400x128xf32>
    %get3A_39 = arith.constant 2 : index
    %get3A_40 = arith.constant 0 : index
    %get3A_41 = arith.constant 0 : index
    %get3A_42 = vector.load %arg2[%get3A_39, %get3A_40, %get3A_41] : memref<7x128x64xf32, #tpu.memory_space<vmem>>, vector<1x128x64xf32>
    %get3A_43 = vector.shape_cast %get3A_42 : vector<1x128x64xf32> to vector<128x64xf32>
    %dot_general3A_44 = arith.constant dense<0.000000e+00> : vector<400x64xf32>
    %dot_general3A_45 = tpu.matmul %get3A_38, %get3A_43, %dot_general3A_44 {dimension_numbers = #tpu.dot_dimension_numbers<[1], [0], [0], [1], [0, 0, 1, 1], [], []>, transpose_lhs_hint = false} : vector<400x128xf32>, vector<128x64xf32>, vector<400x64xf32> -> vector<400x64xf32>
    %get3A_46 = arith.constant 2 : index
    %get3A_47 = arith.constant 0 : index
    %get3A_48 = vector.load %arg3[%get3A_46, %get3A_47] : memref<7x64xf32, #tpu.memory_space<vmem>>, vector<1x64xf32>
    %get3A_49 = vector.shape_cast %get3A_48 : vector<1x64xf32> to vector<64xf32>
    %broadcast_in_dim3A_50 = vector.shape_cast %get3A_49 : vector<64xf32> to vector<1x64xf32>
    %add3A_51 = vector.broadcast %broadcast_in_dim3A_50 : vector<1x64xf32> to vector<400x64xf32>
    %add3A_52 = arith.addf %dot_general3A_45, %add3A_51 : vector<400x64xf32>
    %get3A_53 = arith.constant 2 : index
    %get3A_54 = arith.constant 0 : index
    %get3A_55 = arith.constant 0 : index
    %get3A_56 = vector.load %arg1[%get3A_53, %get3A_54, %get3A_55] : memref<5x400x128xf32, #tpu.memory_space<vmem>>, vector<1x400x128xf32>
    %get3A_57 = vector.shape_cast %get3A_56 : vector<1x400x128xf32> to vector<400x128xf32>
    %get3A_58 = arith.constant 3 : index
    %get3A_59 = arith.constant 0 : index
    %get3A_60 = arith.constant 0 : index
    %get3A_61 = vector.load %arg2[%get3A_58, %get3A_59, %get3A_60] : memref<7x128x64xf32, #tpu.memory_space<vmem>>, vector<1x128x64xf32>
    %get3A_62 = vector.shape_cast %get3A_61 : vector<1x128x64xf32> to vector<128x64xf32>
    %dot_general3A_63 = arith.constant dense<0.000000e+00> : vector<400x64xf32>
    %dot_general3A_64 = tpu.matmul %get3A_57, %get3A_62, %dot_general3A_63 {dimension_numbers = #tpu.dot_dimension_numbers<[1], [0], [0], [1], [0, 0, 1, 1], [], []>, transpose_lhs_hint = false} : vector<400x128xf32>, vector<128x64xf32>, vector<400x64xf32> -> vector<400x64xf32>
    %get3A_65 = arith.constant 3 : index
    %get3A_66 = arith.constant 0 : index
    %get3A_67 = vector.load %arg3[%get3A_65, %get3A_66] : memref<7x64xf32, #tpu.memory_space<vmem>>, vector<1x64xf32>
    %get3A_68 = vector.shape_cast %get3A_67 : vector<1x64xf32> to vector<64xf32>
    %broadcast_in_dim3A_69 = vector.shape_cast %get3A_68 : vector<64xf32> to vector<1x64xf32>
    %add3A_70 = vector.broadcast %broadcast_in_dim3A_69 : vector<1x64xf32> to vector<400x64xf32>
    %add3A_71 = arith.addf %dot_general3A_64, %add3A_70 : vector<400x64xf32>
    %get3A_72 = arith.constant 0 : index
    %get3A_73 = arith.constant 0 : index
    %get3A_74 = arith.constant 0 : index
    %get3A_75 = vector.load %arg1[%get3A_72, %get3A_73, %get3A_74] : memref<5x400x128xf32, #tpu.memory_space<vmem>>, vector<1x400x128xf32>
    %get3A_76 = vector.shape_cast %get3A_75 : vector<1x400x128xf32> to vector<400x128xf32>
    %get3A_77 = arith.constant 4 : index
    %get3A_78 = arith.constant 0 : index
    %get3A_79 = arith.constant 0 : index
    %get3A_80 = vector.load %arg2[%get3A_77, %get3A_78, %get3A_79] : memref<7x128x64xf32, #tpu.memory_space<vmem>>, vector<1x128x64xf32>
    %get3A_81 = vector.shape_cast %get3A_80 : vector<1x128x64xf32> to vector<128x64xf32>
    %dot_general3A_82 = arith.constant dense<0.000000e+00> : vector<400x64xf32>
    %dot_general3A_83 = tpu.matmul %get3A_76, %get3A_81, %dot_general3A_82 {dimension_numbers = #tpu.dot_dimension_numbers<[1], [0], [0], [1], [0, 0, 1, 1], [], []>, transpose_lhs_hint = false} : vector<400x128xf32>, vector<128x64xf32>, vector<400x64xf32> -> vector<400x64xf32>
    %get3A_84 = arith.constant 4 : index
    %get3A_85 = arith.constant 0 : index
    %get3A_86 = vector.load %arg3[%get3A_84, %get3A_85] : memref<7x64xf32, #tpu.memory_space<vmem>>, vector<1x64xf32>
    %get3A_87 = vector.shape_cast %get3A_86 : vector<1x64xf32> to vector<64xf32>
    %broadcast_in_dim3A_88 = vector.shape_cast %get3A_87 : vector<64xf32> to vector<1x64xf32>
    %add3A_89 = vector.broadcast %broadcast_in_dim3A_88 : vector<1x64xf32> to vector<400x64xf32>
    %add3A_90 = arith.addf %dot_general3A_83, %add3A_89 : vector<400x64xf32>
    %get3A_91 = arith.constant 3 : index
    %get3A_92 = arith.constant 0 : index
    %get3A_93 = arith.constant 0 : index
    %get3A_94 = vector.load %arg1[%get3A_91, %get3A_92, %get3A_93] : memref<5x400x128xf32, #tpu.memory_space<vmem>>, vector<1x400x128xf32>
    %get3A_95 = vector.shape_cast %get3A_94 : vector<1x400x128xf32> to vector<400x128xf32>
    %get3A_96 = arith.constant 5 : index
    %get3A_97 = arith.constant 0 : index
    %get3A_98 = arith.constant 0 : index
    %get3A_99 = vector.load %arg2[%get3A_96, %get3A_97, %get3A_98] : memref<7x128x64xf32, #tpu.memory_space<vmem>>, vector<1x128x64xf32>
    %get3A_100 = vector.shape_cast %get3A_99 : vector<1x128x64xf32> to vector<128x64xf32>
    %dot_general3A_101 = arith.constant dense<0.000000e+00> : vector<400x64xf32>
    %dot_general3A_102 = tpu.matmul %get3A_95, %get3A_100, %dot_general3A_101 {dimension_numbers = #tpu.dot_dimension_numbers<[1], [0], [0], [1], [0, 0, 1, 1], [], []>, transpose_lhs_hint = false} : vector<400x128xf32>, vector<128x64xf32>, vector<400x64xf32> -> vector<400x64xf32>
    %get3A_103 = arith.constant 5 : index
    %get3A_104 = arith.constant 0 : index
    %get3A_105 = vector.load %arg3[%get3A_103, %get3A_104] : memref<7x64xf32, #tpu.memory_space<vmem>>, vector<1x64xf32>
    %get3A_106 = vector.shape_cast %get3A_105 : vector<1x64xf32> to vector<64xf32>
    %broadcast_in_dim3A_107 = vector.shape_cast %get3A_106 : vector<64xf32> to vector<1x64xf32>
    %add3A_108 = vector.broadcast %broadcast_in_dim3A_107 : vector<1x64xf32> to vector<400x64xf32>
    %add3A_109 = arith.addf %dot_general3A_102, %add3A_108 : vector<400x64xf32>
    %get3A_110 = arith.constant 4 : index
    %get3A_111 = arith.constant 0 : index
    %get3A_112 = arith.constant 0 : index
    %get3A_113 = vector.load %arg1[%get3A_110, %get3A_111, %get3A_112] : memref<5x400x128xf32, #tpu.memory_space<vmem>>, vector<1x400x128xf32>
    %get3A_114 = vector.shape_cast %get3A_113 : vector<1x400x128xf32> to vector<400x128xf32>
    %get3A_115 = arith.constant 6 : index
    %get3A_116 = arith.constant 0 : index
    %get3A_117 = arith.constant 0 : index
    %get3A_118 = vector.load %arg2[%get3A_115, %get3A_116, %get3A_117] : memref<7x128x64xf32, #tpu.memory_space<vmem>>, vector<1x128x64xf32>
    %get3A_119 = vector.shape_cast %get3A_118 : vector<1x128x64xf32> to vector<128x64xf32>
    %dot_general3A_120 = arith.constant dense<0.000000e+00> : vector<400x64xf32>
    %dot_general3A_121 = tpu.matmul %get3A_114, %get3A_119, %dot_general3A_120 {dimension_numbers = #tpu.dot_dimension_numbers<[1], [0], [0], [1], [0, 0, 1, 1], [], []>, transpose_lhs_hint = false} : vector<400x128xf32>, vector<128x64xf32>, vector<400x64xf32> -> vector<400x64xf32>
    %get3A_122 = arith.constant 6 : index
    %get3A_123 = arith.constant 0 : index
    %get3A_124 = vector.load %arg3[%get3A_122, %get3A_123] : memref<7x64xf32, #tpu.memory_space<vmem>>, vector<1x64xf32>
    %get3A_125 = vector.shape_cast %get3A_124 : vector<1x64xf32> to vector<64xf32>
    %broadcast_in_dim3A_126 = vector.shape_cast %get3A_125 : vector<64xf32> to vector<1x64xf32>
    %add3A_127 = vector.broadcast %broadcast_in_dim3A_126 : vector<1x64xf32> to vector<400x64xf32>
    %add3A_128 = arith.addf %dot_general3A_121, %add3A_127 : vector<400x64xf32>
    %swap3A = arith.constant 0 : index
    %swap3A_129 = arith.constant 0 : index
    %swap3A_130 = vector.load %arg6[%swap3A, %swap3A_129] : memref<400x64xf32, #tpu.memory_space<vmem>>, vector<400x64xf32>
    tpu.vector_store %arg6[%swap3A, %swap3A_129], %add3A_14 {strides = array<i32>} : memref<400x64xf32, #tpu.memory_space<vmem>>, vector<400x64xf32>,
    %swap3A_131 = arith.constant 0 : index
    %swap3A_132 = arith.constant 0 : index
    %swap3A_133 = arith.constant 0 : index
    %swap3A_134 = vector.load %arg7[%swap3A_131, %swap3A_132, %swap3A_133] : memref<2x400x64xf32, #tpu.memory_space<vmem>>, vector<1x400x64xf32>
    %swap3A_135 = vector.shape_cast %swap3A_134 : vector<1x400x64xf32> to vector<400x64xf32>
    %swap3A_136 = vector.shape_cast %add3A_33 : vector<400x64xf32> to vector<1x400x64xf32>
    tpu.vector_store %arg7[%swap3A_131, %swap3A_132, %swap3A_133], %swap3A_136 {strides = array<i32>} : memref<2x400x64xf32, #tpu.memory_space<vmem>>, vector<1x400x64xf32>,
    %swap3A_137 = arith.constant 1 : index
    %swap3A_138 = arith.constant 0 : index
    %swap3A_139 = arith.constant 0 : index
    %swap3A_140 = vector.load %arg7[%swap3A_137, %swap3A_138, %swap3A_139] : memref<2x400x64xf32, #tpu.memory_space<vmem>>, vector<1x400x64xf32>
    %swap3A_141 = vector.shape_cast %swap3A_140 : vector<1x400x64xf32> to vector<400x64xf32>
    %swap3A_142 = vector.shape_cast %add3A_90 : vector<400x64xf32> to vector<1x400x64xf32>
    tpu.vector_store %arg7[%swap3A_137, %swap3A_138, %swap3A_139], %swap3A_142 {strides = array<i32>} : memref<2x400x64xf32, #tpu.memory_space<vmem>>, vector<1x400x64xf32>,
    %swap3A_143 = arith.constant 0 : index
    %swap3A_144 = arith.constant 0 : index
    %swap3A_145 = arith.constant 0 : index
    %swap3A_146 = vector.load %arg8[%swap3A_143, %swap3A_144, %swap3A_145] : memref<2x400x64xf32, #tpu.memory_space<vmem>>, vector<1x400x64xf32>
    %swap3A_147 = vector.shape_cast %swap3A_146 : vector<1x400x64xf32> to vector<400x64xf32>
    %swap3A_148 = vector.shape_cast %add3A_52 : vector<400x64xf32> to vector<1x400x64xf32>
    tpu.vector_store %arg8[%swap3A_143, %swap3A_144, %swap3A_145], %swap3A_148 {strides = array<i32>} : memref<2x400x64xf32, #tpu.memory_space<vmem>>, vector<1x400x64xf32>,
    %swap3A_149 = arith.constant 1 : index
    %swap3A_150 = arith.constant 0 : index
    %swap3A_151 = arith.constant 0 : index
    %swap3A_152 = vector.load %arg8[%swap3A_149, %swap3A_150, %swap3A_151] : memref<2x400x64xf32, #tpu.memory_space<vmem>>, vector<1x400x64xf32>
    %swap3A_153 = vector.shape_cast %swap3A_152 : vector<1x400x64xf32> to vector<400x64xf32>
    %swap3A_154 = vector.shape_cast %add3A_109 : vector<400x64xf32> to vector<1x400x64xf32>
    tpu.vector_store %arg8[%swap3A_149, %swap3A_150, %swap3A_151], %swap3A_154 {strides = array<i32>} : memref<2x400x64xf32, #tpu.memory_space<vmem>>, vector<1x400x64xf32>,
    %swap3A_155 = arith.constant 0 : index
    %swap3A_156 = arith.constant 0 : index
    %swap3A_157 = arith.constant 0 : index
    %swap3A_158 = vector.load %arg9[%swap3A_155, %swap3A_156, %swap3A_157] : memref<2x400x64xf32, #tpu.memory_space<vmem>>, vector<1x400x64xf32>
    %swap3A_159 = vector.shape_cast %swap3A_158 : vector<1x400x64xf32> to vector<400x64xf32>
    %swap3A_160 = vector.shape_cast %add3A_71 : vector<400x64xf32> to vector<1x400x64xf32>
    tpu.vector_store %arg9[%swap3A_155, %swap3A_156, %swap3A_157], %swap3A_160 {strides = array<i32>} : memref<2x400x64xf32, #tpu.memory_space<vmem>>, vector<1x400x64xf32>,
    %swap3A_161 = arith.constant 1 : index
    %swap3A_162 = arith.constant 0 : index
    %swap3A_163 = arith.constant 0 : index
    %swap3A_164 = vector.load %arg9[%swap3A_161, %swap3A_162, %swap3A_163] : memref<2x400x64xf32, #tpu.memory_space<vmem>>, vector<1x400x64xf32>
    %swap3A_165 = vector.shape_cast %swap3A_164 : vector<1x400x64xf32> to vector<400x64xf32>
    %swap3A_166 = vector.shape_cast %add3A_128 : vector<400x64xf32> to vector<1x400x64xf32>
    tpu.vector_store %arg9[%swap3A_161, %swap3A_162, %swap3A_163], %swap3A_166 {strides = array<i32>} : memref<2x400x64xf32, #tpu.memory_space<vmem>>, vector<1x400x64xf32>,
    %get3A_167 = arith.constant 0 : index
    %get3A_168 = arith.constant 0 : index
    %get3A_169 = arith.constant 0 : index
    %get3A_170 = vector.load %arg1[%get3A_167, %get3A_168, %get3A_169] : memref<5x400x128xf32, #tpu.memory_space<vmem>>, vector<1x400x128xf32>
    %get3A_171 = vector.shape_cast %get3A_170 : vector<1x400x128xf32> to vector<400x128xf32>
    %get3A_172 = arith.constant 0 : index
    %get3A_173 = arith.constant 0 : index
    %get3A_174 = vector.load %arg4[%get3A_172, %get3A_173] : memref<6x128xf32, #tpu.memory_space<vmem>>, vector<1x128xf32>
    %get3A_175 = vector.shape_cast %get3A_174 : vector<1x128xf32> to vector<128xf32>
    %broadcast_in_dim3A_176 = vector.shape_cast %get3A_175 : vector<128xf32> to vector<1x128xf32>
    %mul3A = vector.broadcast %broadcast_in_dim3A_176 : vector<1x128xf32> to vector<400x128xf32>
    %mul3A_177 = arith.mulf %get3A_171, %mul3A : vector<400x128xf32>
    %reduce_sum3A = arith.constant dense<0.000000e+00> : vector<400xf32>
    %reduce_sum3A_178 = vector.multi_reduction <add>, %mul3A_177, %reduce_sum3A [1] : vector<400x128xf32> to vector<400xf32>
    %get3A_179 = arith.constant 0 : index
    %get3A_180 = arith.constant 0 : index
    %get3A_181 = vector.load %arg5[%get3A_179, %get3A_180] : memref<1x8xf32, #tpu.memory_space<vmem>>, vector<1x1xf32>
    %get3A_182 = vector.extract %get3A_181[0, 0] : f32 from vector<1x1xf32>
    %add3A_183 = vector.broadcast %get3A_182 : f32 to vector<400xf32>
    %add3A_184 = arith.addf %reduce_sum3A_178, %add3A_183 : vector<400xf32>
    %get3A_185 = arith.constant 1 : index
    %get3A_186 = arith.constant 0 : index
    %get3A_187 = arith.constant 0 : index
    %get3A_188 = vector.load %arg1[%get3A_185, %get3A_186, %get3A_187] : memref<5x400x128xf32, #tpu.memory_space<vmem>>, vector<1x400x128xf32>
    %get3A_189 = vector.shape_cast %get3A_188 : vector<1x400x128xf32> to vector<400x128xf32>
    %get3A_190 = arith.constant 1 : index
    %get3A_191 = arith.constant 0 : index
    %get3A_192 = vector.load %arg4[%get3A_190, %get3A_191] : memref<6x128xf32, #tpu.memory_space<vmem>>, vector<1x128xf32>
    %get3A_193 = vector.shape_cast %get3A_192 : vector<1x128xf32> to vector<128xf32>
    %broadcast_in_dim3A_194 = vector.shape_cast %get3A_193 : vector<128xf32> to vector<1x128xf32>
    %mul3A_195 = vector.broadcast %broadcast_in_dim3A_194 : vector<1x128xf32> to vector<400x128xf32>
    %mul3A_196 = arith.mulf %get3A_189, %mul3A_195 : vector<400x128xf32>
    %reduce_sum3A_197 = arith.constant dense<0.000000e+00> : vector<400xf32>
    %reduce_sum3A_198 = vector.multi_reduction <add>, %mul3A_196, %reduce_sum3A_197 [1] : vector<400x128xf32> to vector<400xf32>
    %get3A_199 = arith.constant 0 : index
    %get3A_200 = arith.constant 1 : index
    %get3A_201 = vector.load %arg5[%get3A_199, %get3A_200] : memref<1x8xf32, #tpu.memory_space<vmem>>, vector<1x1xf32>
    %get3A_202 = vector.extract %get3A_201[0, 0] : f32 from vector<1x1xf32>
    %add3A_203 = vector.broadcast %get3A_202 : f32 to vector<400xf32>
    %add3A_204 = arith.addf %reduce_sum3A_198, %add3A_203 : vector<400xf32>
    %get3A_205 = arith.constant 2 : index
    %get3A_206 = arith.constant 0 : index
    %get3A_207 = arith.constant 0 : index
    %get3A_208 = vector.load %arg1[%get3A_205, %get3A_206, %get3A_207] : memref<5x400x128xf32, #tpu.memory_space<vmem>>, vector<1x400x128xf32>
    %get3A_209 = vector.shape_cast %get3A_208 : vector<1x400x128xf32> to vector<400x128xf32>
    %get3A_210 = arith.constant 2 : index
    %get3A_211 = arith.constant 0 : index
    %get3A_212 = vector.load %arg4[%get3A_210, %get3A_211] : memref<6x128xf32, #tpu.memory_space<vmem>>, vector<1x128xf32>
    %get3A_213 = vector.shape_cast %get3A_212 : vector<1x128xf32> to vector<128xf32>
    %broadcast_in_dim3A_214 = vector.shape_cast %get3A_213 : vector<128xf32> to vector<1x128xf32>
    %mul3A_215 = vector.broadcast %broadcast_in_dim3A_214 : vector<1x128xf32> to vector<400x128xf32>
    %mul3A_216 = arith.mulf %get3A_209, %mul3A_215 : vector<400x128xf32>
    %reduce_sum3A_217 = arith.constant dense<0.000000e+00> : vector<400xf32>
    %reduce_sum3A_218 = vector.multi_reduction <add>, %mul3A_216, %reduce_sum3A_217 [1] : vector<400x128xf32> to vector<400xf32>
    %get3A_219 = arith.constant 0 : index
    %get3A_220 = arith.constant 2 : index
    %get3A_221 = vector.load %arg5[%get3A_219, %get3A_220] : memref<1x8xf32, #tpu.memory_space<vmem>>, vector<1x1xf32>
    %get3A_222 = vector.extract %get3A_221[0, 0] : f32 from vector<1x1xf32>
    %add3A_223 = vector.broadcast %get3A_222 : f32 to vector<400xf32>
    %add3A_224 = arith.addf %reduce_sum3A_218, %add3A_223 : vector<400xf32>
    %get3A_225 = arith.constant 0 : index
    %get3A_226 = arith.constant 0 : index
    %get3A_227 = arith.constant 0 : index
    %get3A_228 = vector.load %arg1[%get3A_225, %get3A_226, %get3A_227] : memref<5x400x128xf32, #tpu.memory_space<vmem>>, vector<1x400x128xf32>
    %get3A_229 = vector.shape_cast %get3A_228 : vector<1x400x128xf32> to vector<400x128xf32>
    %get3A_230 = arith.constant 3 : index
    %get3A_231 = arith.constant 0 : index
    %get3A_232 = vector.load %arg4[%get3A_230, %get3A_231] : memref<6x128xf32, #tpu.memory_space<vmem>>, vector<1x128xf32>
    %get3A_233 = vector.shape_cast %get3A_232 : vector<1x128xf32> to vector<128xf32>
    %broadcast_in_dim3A_234 = vector.shape_cast %get3A_233 : vector<128xf32> to vector<1x128xf32>
    %mul3A_235 = vector.broadcast %broadcast_in_dim3A_234 : vector<1x128xf32> to vector<400x128xf32>
    %mul3A_236 = arith.mulf %get3A_229, %mul3A_235 : vector<400x128xf32>
    %reduce_sum3A_237 = arith.constant dense<0.000000e+00> : vector<400xf32>
    %reduce_sum3A_238 = vector.multi_reduction <add>, %mul3A_236, %reduce_sum3A_237 [1] : vector<400x128xf32> to vector<400xf32>
    %get3A_239 = arith.constant 0 : index
    %get3A_240 = arith.constant 3 : index
    %get3A_241 = vector.load %arg5[%get3A_239, %get3A_240] : memref<1x8xf32, #tpu.memory_space<vmem>>, vector<1x1xf32>
    %get3A_242 = vector.extract %get3A_241[0, 0] : f32 from vector<1x1xf32>
    %add3A_243 = vector.broadcast %get3A_242 : f32 to vector<400xf32>
    %add3A_244 = arith.addf %reduce_sum3A_238, %add3A_243 : vector<400xf32>
    %get3A_245 = arith.constant 3 : index
    %get3A_246 = arith.constant 0 : index
    %get3A_247 = arith.constant 0 : index
    %get3A_248 = vector.load %arg1[%get3A_245, %get3A_246, %get3A_247] : memref<5x400x128xf32, #tpu.memory_space<vmem>>, vector<1x400x128xf32>
    %get3A_249 = vector.shape_cast %get3A_248 : vector<1x400x128xf32> to vector<400x128xf32>
    %get3A_250 = arith.constant 4 : index
    %get3A_251 = arith.constant 0 : index
    %get3A_252 = vector.load %arg4[%get3A_250, %get3A_251] : memref<6x128xf32, #tpu.memory_space<vmem>>, vector<1x128xf32>
    %get3A_253 = vector.shape_cast %get3A_252 : vector<1x128xf32> to vector<128xf32>
    %broadcast_in_dim3A_254 = vector.shape_cast %get3A_253 : vector<128xf32> to vector<1x128xf32>
    %mul3A_255 = vector.broadcast %broadcast_in_dim3A_254 : vector<1x128xf32> to vector<400x128xf32>
    %mul3A_256 = arith.mulf %get3A_249, %mul3A_255 : vector<400x128xf32>
    %reduce_sum3A_257 = arith.constant dense<0.000000e+00> : vector<400xf32>
    %reduce_sum3A_258 = vector.multi_reduction <add>, %mul3A_256, %reduce_sum3A_257 [1] : vector<400x128xf32> to vector<400xf32>
    %get3A_259 = arith.constant 0 : index
    %get3A_260 = arith.constant 4 : index
    %get3A_261 = vector.load %arg5[%get3A_259, %get3A_260] : memref<1x8xf32, #tpu.memory_space<vmem>>, vector<1x1xf32>
    %get3A_262 = vector.extract %get3A_261[0, 0] : f32 from vector<1x1xf32>
    %add3A_263 = vector.broadcast %get3A_262 : f32 to vector<400xf32>
    %add3A_264 = arith.addf %reduce_sum3A_258, %add3A_263 : vector<400xf32>
    %get3A_265 = arith.constant 4 : index
    %get3A_266 = arith.constant 0 : index
    %get3A_267 = arith.constant 0 : index
    %get3A_268 = vector.load %arg1[%get3A_265, %get3A_266, %get3A_267] : memref<5x400x128xf32, #tpu.memory_space<vmem>>, vector<1x400x128xf32>
    %get3A_269 = vector.shape_cast %get3A_268 : vector<1x400x128xf32> to vector<400x128xf32>
    %get3A_270 = arith.constant 5 : index
    %get3A_271 = arith.constant 0 : index
    %get3A_272 = vector.load %arg4[%get3A_270, %get3A_271] : memref<6x128xf32, #tpu.memory_space<vmem>>, vector<1x128xf32>
    %get3A_273 = vector.shape_cast %get3A_272 : vector<1x128xf32> to vector<128xf32>
    %broadcast_in_dim3A_274 = vector.shape_cast %get3A_273 : vector<128xf32> to vector<1x128xf32>
    %mul3A_275 = vector.broadcast %broadcast_in_dim3A_274 : vector<1x128xf32> to vector<400x128xf32>
    %mul3A_276 = arith.mulf %get3A_269, %mul3A_275 : vector<400x128xf32>
    %reduce_sum3A_277 = arith.constant dense<0.000000e+00> : vector<400xf32>
    %reduce_sum3A_278 = vector.multi_reduction <add>, %mul3A_276, %reduce_sum3A_277 [1] : vector<400x128xf32> to vector<400xf32>
    %get3A_279 = arith.constant 0 : index
    %get3A_280 = arith.constant 5 : index
    %get3A_281 = vector.load %arg5[%get3A_279, %get3A_280] : memref<1x8xf32, #tpu.memory_space<vmem>>, vector<1x1xf32>
    %get3A_282 = vector.extract %get3A_281[0, 0] : f32 from vector<1x1xf32>
    %add3A_283 = vector.broadcast %get3A_282 : f32 to vector<400xf32>
    %add3A_284 = arith.addf %reduce_sum3A_278, %add3A_283 : vector<400xf32>
    %broadcast_in_dim3A_285 = arith.constant 0.000000e+00 : f32
    %broadcast_in_dim3A_286 = vector.broadcast %broadcast_in_dim3A_285 : f32 to vector<400xf32>
    %stack3A = vector.shape_cast %add3A_184 : vector<400xf32> to vector<400x1xf32>
    %stack3A_287 = vector.shape_cast %add3A_204 : vector<400xf32> to vector<400x1xf32>
    %stack3A_288 = vector.shape_cast %add3A_224 : vector<400xf32> to vector<400x1xf32>
    %stack3A_289 = vector.shape_cast %add3A_244 : vector<400xf32> to vector<400x1xf32>
    %stack3A_290 = vector.shape_cast %add3A_264 : vector<400xf32> to vector<400x1xf32>
    %stack3A_291 = vector.shape_cast %add3A_284 : vector<400xf32> to vector<400x1xf32>
    %stack3A_292 = vector.shape_cast %broadcast_in_dim3A_286 : vector<400xf32> to vector<400x1xf32>
    %stack3A_293 = vector.shape_cast %broadcast_in_dim3A_286 : vector<400xf32> to vector<400x1xf32>
    %stack3A_294 = tpu.concatenate %stack3A, %stack3A_287, %stack3A_288, %stack3A_289, %stack3A_290, %stack3A_291, %stack3A_292, %stack3A_293 in 1 : vector<400x1xf32>, vector<400x1xf32>, vector<400x1xf32>, vector<400x1xf32>, vector<400x1xf32>, vector<400x1xf32>, vector<400x1xf32>, vector<400x1xf32> -> vector<400x8xf32>
    %swap3A_295 = arith.constant 0 : index
    %swap3A_296 = arith.constant 0 : index
    %swap3A_297 = vector.load %arg10[%swap3A_295, %swap3A_296] : memref<400x8xf32, #tpu.memory_space<vmem>>, vector<400x8xf32>
    tpu.vector_store %arg10[%swap3A_295, %swap3A_296], %stack3A_294 {strides = array<i32>} : memref<400x8xf32, #tpu.memory_space<vmem>>, vector<400x8xf32>,
    return
  }
  func.func @transform_0(%arg0: i32) -> (i32, i32, i32) {
    %c0_i32 = arith.constant 0 : i32
    %c0_i32_0 = arith.constant 0 : i32
    %c0_i32_1 = arith.constant 0 : i32
    return %c0_i32, %arg0, %c0_i32_0 : i32, i32, i32
  }
  func.func @transform_1(%arg0: i32) -> (i32, i32, i32) {
    %c0_i32 = arith.constant 0 : i32
    %c0_i32_0 = arith.constant 0 : i32
    %c0_i32_1 = arith.constant 0 : i32
    %c0_i32_2 = arith.constant 0 : i32
    return %c0_i32, %c0_i32_0, %c0_i32_1 : i32, i32, i32
  }
  func.func @transform_2(%arg0: i32) -> (i32, i32) {
    %c0_i32 = arith.constant 0 : i32
    %c0_i32_0 = arith.constant 0 : i32
    %c0_i32_1 = arith.constant 0 : i32
    return %c0_i32, %c0_i32_0 : i32, i32
  }
  func.func @transform_3(%arg0: i32) -> (i32, i32) {
    %c0_i32 = arith.constant 0 : i32
    %c0_i32_0 = arith.constant 0 : i32
    %c0_i32_1 = arith.constant 0 : i32
    return %c0_i32, %c0_i32_0 : i32, i32
  }
  func.func @transform_4(%arg0: i32) -> (i32, i32) {
    %c0_i32 = arith.constant 0 : i32
    %c0_i32_0 = arith.constant 0 : i32
    %c0_i32_1 = arith.constant 0 : i32
    return %c0_i32, %c0_i32_0 : i32, i32
  }
  func.func @transform_5(%arg0: i32) -> (i32, i32) {
    %c0_i32 = arith.constant 0 : i32
    %c0_i32_0 = arith.constant 0 : i32
    return %arg0, %c0_i32 : i32, i32
  }
  func.func @transform_6(%arg0: i32) -> (i32, i32, i32) {
    %c0_i32 = arith.constant 0 : i32
    %c0_i32_0 = arith.constant 0 : i32
    %c0_i32_1 = arith.constant 0 : i32
    return %c0_i32, %arg0, %c0_i32_0 : i32, i32, i32
  }
  func.func @transform_7(%arg0: i32) -> (i32, i32, i32) {
    %c0_i32 = arith.constant 0 : i32
    %c0_i32_0 = arith.constant 0 : i32
    %c0_i32_1 = arith.constant 0 : i32
    return %c0_i32, %arg0, %c0_i32_0 : i32, i32, i32
  }
  func.func @transform_8(%arg0: i32) -> (i32, i32, i32) {
    %c0_i32 = arith.constant 0 : i32
    %c0_i32_0 = arith.constant 0 : i32
    %c0_i32_1 = arith.constant 0 : i32
    return %c0_i32, %arg0, %c0_i32_0 : i32, i32, i32
  }
  func.func @transform_9(%arg0: i32) -> (i32, i32) {
    %c0_i32 = arith.constant 0 : i32
    %c0_i32_0 = arith.constant 0 : i32
    return %arg0, %c0_i32 : i32, i32
  }
}

module attributes {stable_mosaic.version = 14 : i64} {
  func.func @_epilogue_body(%arg0: i32, %arg1: memref<400x64xf32, #tpu.memory_space<vmem>>, %arg2: memref<2x400x64xf32, #tpu.memory_space<vmem>>, %arg3: memref<2x400x80xf32, #tpu.memory_space<vmem>>, %arg4: memref<2x64xf32, #tpu.memory_space<vmem>>, %arg5: memref<1x64xf32, #tpu.memory_space<vmem>>, %arg6: memref<64x64xf32, #tpu.memory_space<vmem>>, %arg7: memref<1x64xf32, #tpu.memory_space<vmem>>, %arg8: memref<4x64x64xf32, #tpu.memory_space<vmem>>, %arg9: memref<4x64xf32, #tpu.memory_space<vmem>>, %arg10: memref<1x64xf32, #tpu.memory_space<vmem>>, %arg11: memref<1x8xf32, #tpu.memory_space<vmem>>, %arg12: memref<400x1xf32, #tpu.memory_space<vmem>>) attributes {dimension_semantics = [#tpu.dimension_semantics<arbitrary>], iteration_bounds = array<i64: 25>, scalar_prefetch = 0 : i64, scratch_operands = 0 : i64, tpu.core_type = #tpu.core_type<tc>, window_params = [{transform_indices = @transform_0, window_bounds = array<i64: 400, 64>}, {transform_indices = @transform_1, window_bounds = array<i64: 2, 400, 64>}, {transform_indices = @transform_2, window_bounds = array<i64: 2, 400, 80>}, {pipeline_mode = #tpu.pipeline_mode<synchronous>, transform_indices = @transform_3, window_bounds = array<i64: 2, 64>}, {pipeline_mode = #tpu.pipeline_mode<synchronous>, transform_indices = @transform_4, window_bounds = array<i64: 1, 64>}, {pipeline_mode = #tpu.pipeline_mode<synchronous>, transform_indices = @transform_5, window_bounds = array<i64: 64, 64>}, {pipeline_mode = #tpu.pipeline_mode<synchronous>, transform_indices = @transform_6, window_bounds = array<i64: 1, 64>}, {pipeline_mode = #tpu.pipeline_mode<synchronous>, transform_indices = @transform_7, window_bounds = array<i64: 4, 64, 64>}, {pipeline_mode = #tpu.pipeline_mode<synchronous>, transform_indices = @transform_8, window_bounds = array<i64: 4, 64>}, {pipeline_mode = #tpu.pipeline_mode<synchronous>, transform_indices = @transform_9, window_bounds = array<i64: 1, 64>}, {pipeline_mode = #tpu.pipeline_mode<synchronous>, transform_indices = @transform_10, window_bounds = array<i64: 1, 8>}, {transform_indices = @transform_11, window_bounds = array<i64: 400, 1>}]} {
    %get3A = arith.constant 0 : index
    %get3A_0 = arith.constant 0 : index
    %get3A_1 = vector.load %arg1[%get3A, %get3A_0] : memref<400x64xf32, #tpu.memory_space<vmem>>, vector<400x64xf32>
    %get3A_2 = arith.constant 0 : index
    %get3A_3 = arith.constant 0 : index
    %get3A_4 = arith.constant 0 : index
    %get3A_5 = vector.load %arg3[%get3A_2, %get3A_3, %get3A_4] : memref<2x400x80xf32, #tpu.memory_space<vmem>>, vector<1x400x80xf32>
    %get3A_6 = vector.shape_cast %get3A_5 : vector<1x400x80xf32> to vector<400x80xf32>
    %slice3A = vector.extract_strided_slice %get3A_6 {offsets = [0, 64], sizes = [400, 1], strides = [1, 1]} : vector<400x80xf32> to vector<400x1xf32>
    %gt3A = arith.constant 0.000000e+00 : f32
    %gt3A_7 = vector.broadcast %gt3A : f32 to vector<400x1xf32>
    %gt3A_8 = arith.cmpf ogt, %slice3A, %gt3A_7 : vector<400x1xf32>
    %convert_element_type3A = arith.extui %gt3A_8 : vector<400x1xi1> to vector<400x1xi32>
    %convert_element_type3A_9 = arith.sitofp %convert_element_type3A : vector<400x1xi32> to vector<400x1xf32>
    %get3A_10 = arith.constant 0 : index
    %get3A_11 = arith.constant 0 : index
    %get3A_12 = arith.constant 0 : index
    %get3A_13 = vector.load %arg2[%get3A_10, %get3A_11, %get3A_12] : memref<2x400x64xf32, #tpu.memory_space<vmem>>, vector<1x400x64xf32>
    %get3A_14 = vector.shape_cast %get3A_13 : vector<1x400x64xf32> to vector<400x64xf32>
    %mul3A = vector.broadcast %convert_element_type3A_9 : vector<400x1xf32> to vector<400x64xf32>
    %mul3A_15 = arith.mulf %get3A_14, %mul3A : vector<400x64xf32>
    %slice3A_16 = vector.extract_strided_slice %get3A_6 {offsets = [0, 0], sizes = [400, 64], strides = [1, 1]} : vector<400x80xf32> to vector<400x64xf32>
    %max3A = arith.constant 1.000000e-30 : f32
    %max3A_17 = vector.broadcast %max3A : f32 to vector<400x1xf32>
    %max3A_18 = arith.maximumf %slice3A, %max3A_17 : vector<400x1xf32>
    %div3A = vector.broadcast %max3A_18 : vector<400x1xf32> to vector<400x64xf32>
    %div3A_19 = arith.divf %slice3A_16, %div3A : vector<400x64xf32>
    %add3A = arith.addf %mul3A_15, %div3A_19 : vector<400x64xf32>
    %div3A_20 = arith.constant 3.000000e+00 : f32
    %div3A_21 = vector.broadcast %div3A_20 : f32 to vector<400x64xf32>
    %div3A_22 = arith.divf %add3A, %div3A_21 : vector<400x64xf32>
    %get3A_23 = arith.constant 0 : index
    %get3A_24 = arith.constant 0 : index
    %get3A_25 = vector.load %arg4[%get3A_23, %get3A_24] : memref<2x64xf32, #tpu.memory_space<vmem>>, vector<1x64xf32>
    %get3A_26 = vector.shape_cast %get3A_25 : vector<1x64xf32> to vector<64xf32>
    %broadcast_in_dim3A = vector.shape_cast %get3A_26 : vector<64xf32> to vector<1x64xf32>
    %add3A_27 = vector.broadcast %broadcast_in_dim3A : vector<1x64xf32> to vector<400x64xf32>
    %add3A_28 = arith.addf %div3A_22, %add3A_27 : vector<400x64xf32>
    %get3A_29 = arith.constant 1 : index
    %get3A_30 = arith.constant 0 : index
    %get3A_31 = arith.constant 0 : index
    %get3A_32 = vector.load %arg3[%get3A_29, %get3A_30, %get3A_31] : memref<2x400x80xf32, #tpu.memory_space<vmem>>, vector<1x400x80xf32>
    %get3A_33 = vector.shape_cast %get3A_32 : vector<1x400x80xf32> to vector<400x80xf32>
    %slice3A_34 = vector.extract_strided_slice %get3A_33 {offsets = [0, 64], sizes = [400, 1], strides = [1, 1]} : vector<400x80xf32> to vector<400x1xf32>
    %gt3A_35 = arith.constant 0.000000e+00 : f32
    %gt3A_36 = vector.broadcast %gt3A_35 : f32 to vector<400x1xf32>
    %gt3A_37 = arith.cmpf ogt, %slice3A_34, %gt3A_36 : vector<400x1xf32>
    %convert_element_type3A_38 = arith.extui %gt3A_37 : vector<400x1xi1> to vector<400x1xi32>
    %convert_element_type3A_39 = arith.sitofp %convert_element_type3A_38 : vector<400x1xi32> to vector<400x1xf32>
    %get3A_40 = arith.constant 1 : index
    %get3A_41 = arith.constant 0 : index
    %get3A_42 = arith.constant 0 : index
    %get3A_43 = vector.load %arg2[%get3A_40, %get3A_41, %get3A_42] : memref<2x400x64xf32, #tpu.memory_space<vmem>>, vector<1x400x64xf32>
    %get3A_44 = vector.shape_cast %get3A_43 : vector<1x400x64xf32> to vector<400x64xf32>
    %mul3A_45 = vector.broadcast %convert_element_type3A_39 : vector<400x1xf32> to vector<400x64xf32>
    %mul3A_46 = arith.mulf %get3A_44, %mul3A_45 : vector<400x64xf32>
    %slice3A_47 = vector.extract_strided_slice %get3A_33 {offsets = [0, 0], sizes = [400, 64], strides = [1, 1]} : vector<400x80xf32> to vector<400x64xf32>
    %max3A_48 = arith.constant 1.000000e-30 : f32
    %max3A_49 = vector.broadcast %max3A_48 : f32 to vector<400x1xf32>
    %max3A_50 = arith.maximumf %slice3A_34, %max3A_49 : vector<400x1xf32>
    %div3A_51 = vector.broadcast %max3A_50 : vector<400x1xf32> to vector<400x64xf32>
    %div3A_52 = arith.divf %slice3A_47, %div3A_51 : vector<400x64xf32>
    %add3A_53 = arith.addf %mul3A_46, %div3A_52 : vector<400x64xf32>
    %div3A_54 = arith.constant 3.000000e+00 : f32
    %div3A_55 = vector.broadcast %div3A_54 : f32 to vector<400x64xf32>
    %div3A_56 = arith.divf %add3A_53, %div3A_55 : vector<400x64xf32>
    %get3A_57 = arith.constant 1 : index
    %get3A_58 = arith.constant 0 : index
    %get3A_59 = vector.load %arg4[%get3A_57, %get3A_58] : memref<2x64xf32, #tpu.memory_space<vmem>>, vector<1x64xf32>
    %get3A_60 = vector.shape_cast %get3A_59 : vector<1x64xf32> to vector<64xf32>
    %broadcast_in_dim3A_61 = vector.shape_cast %get3A_60 : vector<64xf32> to vector<1x64xf32>
    %add3A_62 = vector.broadcast %broadcast_in_dim3A_61 : vector<1x64xf32> to vector<400x64xf32>
    %add3A_63 = arith.addf %div3A_56, %add3A_62 : vector<400x64xf32>
    %get3A_64 = arith.constant 0 : index
    %get3A_65 = arith.constant 0 : index
    %get3A_66 = vector.load %arg11[%get3A_64, %get3A_65] : memref<1x8xf32, #tpu.memory_space<vmem>>, vector<1x1xf32>
    %get3A_67 = vector.extract %get3A_66[0, 0] : f32 from vector<1x1xf32>
    %get3A_68 = arith.constant 0 : index
    %get3A_69 = arith.constant 0 : index
    %get3A_70 = vector.load %arg5[%get3A_68, %get3A_69] : memref<1x64xf32, #tpu.memory_space<vmem>>, vector<1x64xf32>
    %get3A_71 = vector.shape_cast %get3A_70 : vector<1x64xf32> to vector<64xf32>
    %broadcast_in_dim3A_72 = vector.shape_cast %get3A_71 : vector<64xf32> to vector<1x64xf32>
    %mul3A_73 = vector.broadcast %broadcast_in_dim3A_72 : vector<1x64xf32> to vector<400x64xf32>
    %mul3A_74 = arith.mulf %get3A_1, %mul3A_73 : vector<400x64xf32>
    %reduce_sum3A = arith.constant dense<0.000000e+00> : vector<400xf32>
    %reduce_sum3A_75 = vector.multi_reduction <add>, %mul3A_74, %reduce_sum3A [1] : vector<400x64xf32> to vector<400xf32>
    %broadcast_in_dim3A_76 = vector.shape_cast %reduce_sum3A_75 : vector<400xf32> to vector<400x1xf32>
    %add3A_77 = vector.broadcast %get3A_67 : f32 to vector<400x1xf32>
    %add3A_78 = arith.addf %broadcast_in_dim3A_76, %add3A_77 : vector<400x1xf32>
    %get3A_79 = arith.constant 0 : index
    %get3A_80 = arith.constant 0 : index
    %get3A_81 = vector.load %arg5[%get3A_79, %get3A_80] : memref<1x64xf32, #tpu.memory_space<vmem>>, vector<1x64xf32>
    %get3A_82 = vector.shape_cast %get3A_81 : vector<1x64xf32> to vector<64xf32>
    %broadcast_in_dim3A_83 = vector.shape_cast %get3A_82 : vector<64xf32> to vector<1x64xf32>
    %mul3A_84 = vector.broadcast %broadcast_in_dim3A_83 : vector<1x64xf32> to vector<400x64xf32>
    %mul3A_85 = arith.mulf %add3A_28, %mul3A_84 : vector<400x64xf32>
    %reduce_sum3A_86 = arith.constant dense<0.000000e+00> : vector<400xf32>
    %reduce_sum3A_87 = vector.multi_reduction <add>, %mul3A_85, %reduce_sum3A_86 [1] : vector<400x64xf32> to vector<400xf32>
    %broadcast_in_dim3A_88 = vector.shape_cast %reduce_sum3A_87 : vector<400xf32> to vector<400x1xf32>
    %add3A_89 = vector.broadcast %get3A_67 : f32 to vector<400x1xf32>
    %add3A_90 = arith.addf %broadcast_in_dim3A_88, %add3A_89 : vector<400x1xf32>
    %get3A_91 = arith.constant 0 : index
    %get3A_92 = arith.constant 0 : index
    %get3A_93 = vector.load %arg5[%get3A_91, %get3A_92] : memref<1x64xf32, #tpu.memory_space<vmem>>, vector<1x64xf32>
    %get3A_94 = vector.shape_cast %get3A_93 : vector<1x64xf32> to vector<64xf32>
    %broadcast_in_dim3A_95 = vector.shape_cast %get3A_94 : vector<64xf32> to vector<1x64xf32>
    %mul3A_96 = vector.broadcast %broadcast_in_dim3A_95 : vector<1x64xf32> to vector<400x64xf32>
    %mul3A_97 = arith.mulf %add3A_63, %mul3A_96 : vector<400x64xf32>
    %reduce_sum3A_98 = arith.constant dense<0.000000e+00> : vector<400xf32>
    %reduce_sum3A_99 = vector.multi_reduction <add>, %mul3A_97, %reduce_sum3A_98 [1] : vector<400x64xf32> to vector<400xf32>
    %broadcast_in_dim3A_100 = vector.shape_cast %reduce_sum3A_99 : vector<400xf32> to vector<400x1xf32>
    %add3A_101 = vector.broadcast %get3A_67 : f32 to vector<400x1xf32>
    %add3A_102 = arith.addf %broadcast_in_dim3A_100, %add3A_101 : vector<400x1xf32>
    %concatenate3A = tpu.concatenate %add3A_78, %add3A_90, %add3A_102 in 1 : vector<400x1xf32>, vector<400x1xf32>, vector<400x1xf32> -> vector<400x3xf32>
    %gt3A_103 = arith.constant 0.000000e+00 : f32
    %gt3A_104 = vector.broadcast %gt3A_103 : f32 to vector<400x3xf32>
    %gt3A_105 = arith.cmpf ogt, %concatenate3A, %gt3A_104 : vector<400x3xf32>
    %mul3A_106 = arith.constant 0.00999999977 : f32
    %mul3A_107 = vector.broadcast %mul3A_106 : f32 to vector<400x3xf32>
    %mul3A_108 = arith.mulf %mul3A_107, %concatenate3A : vector<400x3xf32>
    %select_n3A = arith.select %gt3A_105, %concatenate3A, %mul3A_108 : vector<400x3xi1>, vector<400x3xf32>
    %reduce_max3A = arith.constant dense<0xFF800000> : vector<400xf32>
    %reduce_max3A_109 = vector.multi_reduction <maximumf>, %select_n3A, %reduce_max3A [1] : vector<400x3xf32> to vector<400xf32>
    %broadcast_in_dim3A_110 = vector.shape_cast %reduce_max3A_109 : vector<400xf32> to vector<400x1xf32>
    %sub3A = vector.broadcast %broadcast_in_dim3A_110 : vector<400x1xf32> to vector<400x3xf32>
    %sub3A_111 = arith.subf %select_n3A, %sub3A : vector<400x3xf32>
    %exp3A = math.exp %sub3A_111 : vector<400x3xf32>
    %reduce_sum3A_112 = arith.constant dense<0.000000e+00> : vector<400xf32>
    %reduce_sum3A_113 = vector.multi_reduction <add>, %exp3A, %reduce_sum3A_112 [1] : vector<400x3xf32> to vector<400xf32>
    %broadcast_in_dim3A_114 = vector.shape_cast %reduce_sum3A_113 : vector<400xf32> to vector<400x1xf32>
    %div3A_115 = vector.broadcast %broadcast_in_dim3A_114 : vector<400x1xf32> to vector<400x3xf32>
    %div3A_116 = arith.divf %exp3A, %div3A_115 : vector<400x3xf32>
    %slice3A_117 = vector.extract_strided_slice %div3A_116 {offsets = [0, 0], sizes = [400, 1], strides = [1, 1]} : vector<400x3xf32> to vector<400x1xf32>
    %mul3A_118 = vector.broadcast %slice3A_117 : vector<400x1xf32> to vector<400x64xf32>
    %mul3A_119 = arith.mulf %mul3A_118, %get3A_1 : vector<400x64xf32>
    %slice3A_120 = vector.extract_strided_slice %div3A_116 {offsets = [0, 1], sizes = [400, 1], strides = [1, 1]} : vector<400x3xf32> to vector<400x1xf32>
    %mul3A_121 = vector.broadcast %slice3A_120 : vector<400x1xf32> to vector<400x64xf32>
    %mul3A_122 = arith.mulf %mul3A_121, %add3A_28 : vector<400x64xf32>
    %add3A_123 = arith.addf %mul3A_119, %mul3A_122 : vector<400x64xf32>
    %slice3A_124 = vector.extract_strided_slice %div3A_116 {offsets = [0, 2], sizes = [400, 1], strides = [1, 1]} : vector<400x3xf32> to vector<400x1xf32>
    %mul3A_125 = vector.broadcast %slice3A_124 : vector<400x1xf32> to vector<400x64xf32>
    %mul3A_126 = arith.mulf %mul3A_125, %add3A_63 : vector<400x64xf32>
    %add3A_127 = arith.addf %add3A_123, %mul3A_126 : vector<400x64xf32>
    %get3A_128 = arith.constant 0 : index
    %get3A_129 = arith.constant 0 : index
    %get3A_130 = vector.load %arg6[%get3A_128, %get3A_129] : memref<64x64xf32, #tpu.memory_space<vmem>>, vector<64x64xf32>
    %dot_general3A = arith.constant dense<0.000000e+00> : vector<400x64xf32>
    %dot_general3A_131 = tpu.matmul %add3A_127, %get3A_130, %dot_general3A {dimension_numbers = #tpu.dot_dimension_numbers<[1], [0], [0], [1], [0, 0, 1, 1], [], []>, transpose_lhs_hint = false} : vector<400x64xf32>, vector<64x64xf32>, vector<400x64xf32> -> vector<400x64xf32>
    %get3A_132 = arith.constant 0 : index
    %get3A_133 = arith.constant 0 : index
    %get3A_134 = vector.load %arg7[%get3A_132, %get3A_133] : memref<1x64xf32, #tpu.memory_space<vmem>>, vector<1x64xf32>
    %get3A_135 = vector.shape_cast %get3A_134 : vector<1x64xf32> to vector<64xf32>
    %broadcast_in_dim3A_136 = vector.shape_cast %get3A_135 : vector<64xf32> to vector<1x64xf32>
    %add3A_137 = vector.broadcast %broadcast_in_dim3A_136 : vector<1x64xf32> to vector<400x64xf32>
    %add3A_138 = arith.addf %dot_general3A_131, %add3A_137 : vector<400x64xf32>
    %max3A_139 = arith.constant 0.000000e+00 : f32
    %max3A_140 = vector.broadcast %max3A_139 : f32 to vector<400x64xf32>
    %max3A_141 = arith.maximumf %add3A_138, %max3A_140 : vector<400x64xf32>
    %get3A_142 = arith.constant 0 : index
    %get3A_143 = arith.constant 0 : index
    %get3A_144 = arith.constant 0 : index
    %get3A_145 = vector.load %arg8[%get3A_142, %get3A_143, %get3A_144] : memref<4x64x64xf32, #tpu.memory_space<vmem>>, vector<1x64x64xf32>
    %get3A_146 = vector.shape_cast %get3A_145 : vector<1x64x64xf32> to vector<64x64xf32>
    %dot_general3A_147 = arith.constant dense<0.000000e+00> : vector<400x64xf32>
    %dot_general3A_148 = tpu.matmul %max3A_141, %get3A_146, %dot_general3A_147 {dimension_numbers = #tpu.dot_dimension_numbers<[1], [0], [0], [1], [0, 0, 1, 1], [], []>, transpose_lhs_hint = false} : vector<400x64xf32>, vector<64x64xf32>, vector<400x64xf32> -> vector<400x64xf32>
    %get3A_149 = arith.constant 0 : index
    %get3A_150 = arith.constant 0 : index
    %get3A_151 = vector.load %arg9[%get3A_149, %get3A_150] : memref<4x64xf32, #tpu.memory_space<vmem>>, vector<1x64xf32>
    %get3A_152 = vector.shape_cast %get3A_151 : vector<1x64xf32> to vector<64xf32>
    %broadcast_in_dim3A_153 = vector.shape_cast %get3A_152 : vector<64xf32> to vector<1x64xf32>
    %add3A_154 = vector.broadcast %broadcast_in_dim3A_153 : vector<1x64xf32> to vector<400x64xf32>
    %add3A_155 = arith.addf %dot_general3A_148, %add3A_154 : vector<400x64xf32>
    %max3A_156 = arith.constant 0.000000e+00 : f32
    %max3A_157 = vector.broadcast %max3A_156 : f32 to vector<400x64xf32>
    %max3A_158 = arith.maximumf %add3A_155, %max3A_157 : vector<400x64xf32>
    %get3A_159 = arith.constant 1 : index
    %get3A_160 = arith.constant 0 : index
    %get3A_161 = arith.constant 0 : index
    %get3A_162 = vector.load %arg8[%get3A_159, %get3A_160, %get3A_161] : memref<4x64x64xf32, #tpu.memory_space<vmem>>, vector<1x64x64xf32>
    %get3A_163 = vector.shape_cast %get3A_162 : vector<1x64x64xf32> to vector<64x64xf32>
    %dot_general3A_164 = arith.constant dense<0.000000e+00> : vector<400x64xf32>
    %dot_general3A_165 = tpu.matmul %max3A_158, %get3A_163, %dot_general3A_164 {dimension_numbers = #tpu.dot_dimension_numbers<[1], [0], [0], [1], [0, 0, 1, 1], [], []>, transpose_lhs_hint = false} : vector<400x64xf32>, vector<64x64xf32>, vector<400x64xf32> -> vector<400x64xf32>
    %get3A_166 = arith.constant 1 : index
    %get3A_167 = arith.constant 0 : index
    %get3A_168 = vector.load %arg9[%get3A_166, %get3A_167] : memref<4x64xf32, #tpu.memory_space<vmem>>, vector<1x64xf32>
    %get3A_169 = vector.shape_cast %get3A_168 : vector<1x64xf32> to vector<64xf32>
    %broadcast_in_dim3A_170 = vector.shape_cast %get3A_169 : vector<64xf32> to vector<1x64xf32>
    %add3A_171 = vector.broadcast %broadcast_in_dim3A_170 : vector<1x64xf32> to vector<400x64xf32>
    %add3A_172 = arith.addf %dot_general3A_165, %add3A_171 : vector<400x64xf32>
    %max3A_173 = arith.constant 0.000000e+00 : f32
    %max3A_174 = vector.broadcast %max3A_173 : f32 to vector<400x64xf32>
    %max3A_175 = arith.maximumf %add3A_172, %max3A_174 : vector<400x64xf32>
    %add3A_176 = arith.addf %max3A_175, %max3A_141 : vector<400x64xf32>
    %get3A_177 = arith.constant 2 : index
    %get3A_178 = arith.constant 0 : index
    %get3A_179 = arith.constant 0 : index
    %get3A_180 = vector.load %arg8[%get3A_177, %get3A_178, %get3A_179] : memref<4x64x64xf32, #tpu.memory_space<vmem>>, vector<1x64x64xf32>
    %get3A_181 = vector.shape_cast %get3A_180 : vector<1x64x64xf32> to vector<64x64xf32>
    %dot_general3A_182 = arith.constant dense<0.000000e+00> : vector<400x64xf32>
    %dot_general3A_183 = tpu.matmul %add3A_176, %get3A_181, %dot_general3A_182 {dimension_numbers = #tpu.dot_dimension_numbers<[1], [0], [0], [1], [0, 0, 1, 1], [], []>, transpose_lhs_hint = false} : vector<400x64xf32>, vector<64x64xf32>, vector<400x64xf32> -> vector<400x64xf32>
    %get3A_184 = arith.constant 2 : index
    %get3A_185 = arith.constant 0 : index
    %get3A_186 = vector.load %arg9[%get3A_184, %get3A_185] : memref<4x64xf32, #tpu.memory_space<vmem>>, vector<1x64xf32>
    %get3A_187 = vector.shape_cast %get3A_186 : vector<1x64xf32> to vector<64xf32>
    %broadcast_in_dim3A_188 = vector.shape_cast %get3A_187 : vector<64xf32> to vector<1x64xf32>
    %add3A_189 = vector.broadcast %broadcast_in_dim3A_188 : vector<1x64xf32> to vector<400x64xf32>
    %add3A_190 = arith.addf %dot_general3A_183, %add3A_189 : vector<400x64xf32>
    %max3A_191 = arith.constant 0.000000e+00 : f32
    %max3A_192 = vector.broadcast %max3A_191 : f32 to vector<400x64xf32>
    %max3A_193 = arith.maximumf %add3A_190, %max3A_192 : vector<400x64xf32>
    %get3A_194 = arith.constant 3 : index
    %get3A_195 = arith.constant 0 : index
    %get3A_196 = arith.constant 0 : index
    %get3A_197 = vector.load %arg8[%get3A_194, %get3A_195, %get3A_196] : memref<4x64x64xf32, #tpu.memory_space<vmem>>, vector<1x64x64xf32>
    %get3A_198 = vector.shape_cast %get3A_197 : vector<1x64x64xf32> to vector<64x64xf32>
    %dot_general3A_199 = arith.constant dense<0.000000e+00> : vector<400x64xf32>
    %dot_general3A_200 = tpu.matmul %max3A_193, %get3A_198, %dot_general3A_199 {dimension_numbers = #tpu.dot_dimension_numbers<[1], [0], [0], [1], [0, 0, 1, 1], [], []>, transpose_lhs_hint = false} : vector<400x64xf32>, vector<64x64xf32>, vector<400x64xf32> -> vector<400x64xf32>
    %get3A_201 = arith.constant 3 : index
    %get3A_202 = arith.constant 0 : index
    %get3A_203 = vector.load %arg9[%get3A_201, %get3A_202] : memref<4x64xf32, #tpu.memory_space<vmem>>, vector<1x64xf32>
    %get3A_204 = vector.shape_cast %get3A_203 : vector<1x64xf32> to vector<64xf32>
    %broadcast_in_dim3A_205 = vector.shape_cast %get3A_204 : vector<64xf32> to vector<1x64xf32>
    %add3A_206 = vector.broadcast %broadcast_in_dim3A_205 : vector<1x64xf32> to vector<400x64xf32>
    %add3A_207 = arith.addf %dot_general3A_200, %add3A_206 : vector<400x64xf32>
    %max3A_208 = arith.constant 0.000000e+00 : f32
    %max3A_209 = vector.broadcast %max3A_208 : f32 to vector<400x64xf32>
    %max3A_210 = arith.maximumf %add3A_207, %max3A_209 : vector<400x64xf32>
    %add3A_211 = arith.addf %max3A_210, %add3A_176 : vector<400x64xf32>
    %get3A_212 = arith.constant 0 : index
    %get3A_213 = arith.constant 0 : index
    %get3A_214 = vector.load %arg10[%get3A_212, %get3A_213] : memref<1x64xf32, #tpu.memory_space<vmem>>, vector<1x64xf32>
    %get3A_215 = vector.shape_cast %get3A_214 : vector<1x64xf32> to vector<64xf32>
    %broadcast_in_dim3A_216 = vector.shape_cast %get3A_215 : vector<64xf32> to vector<1x64xf32>
    %mul3A_217 = vector.broadcast %broadcast_in_dim3A_216 : vector<1x64xf32> to vector<400x64xf32>
    %mul3A_218 = arith.mulf %add3A_211, %mul3A_217 : vector<400x64xf32>
    %reduce_sum3A_219 = arith.constant dense<0.000000e+00> : vector<400xf32>
    %reduce_sum3A_220 = vector.multi_reduction <add>, %mul3A_218, %reduce_sum3A_219 [1] : vector<400x64xf32> to vector<400xf32>
    %broadcast_in_dim3A_221 = vector.shape_cast %reduce_sum3A_220 : vector<400xf32> to vector<400x1xf32>
    %get3A_222 = arith.constant 0 : index
    %get3A_223 = arith.constant 1 : index
    %get3A_224 = vector.load %arg11[%get3A_222, %get3A_223] : memref<1x8xf32, #tpu.memory_space<vmem>>, vector<1x1xf32>
    %get3A_225 = vector.extract %get3A_224[0, 0] : f32 from vector<1x1xf32>
    %add3A_226 = vector.broadcast %get3A_225 : f32 to vector<400x1xf32>
    %add3A_227 = arith.addf %broadcast_in_dim3A_221, %add3A_226 : vector<400x1xf32>
    %neg3A = arith.constant 0.000000e+00 : f32
    %neg3A_228 = vector.broadcast %neg3A : f32 to vector<400x1xf32>
    %neg3A_229 = arith.subf %neg3A_228, %add3A_227 : vector<400x1xf32>
    %exp3A_230 = math.exp %neg3A_229 : vector<400x1xf32>
    %add3A_231 = arith.constant 1.000000e+00 : f32
    %add3A_232 = vector.broadcast %add3A_231 : f32 to vector<400x1xf32>
    %add3A_233 = arith.addf %add3A_232, %exp3A_230 : vector<400x1xf32>
    %div3A_234 = arith.constant 1.000000e+00 : f32
    %div3A_235 = vector.broadcast %div3A_234 : f32 to vector<400x1xf32>
    %div3A_236 = arith.divf %div3A_235, %add3A_233 : vector<400x1xf32>
    %swap3A = arith.constant 0 : index
    %swap3A_237 = arith.constant 0 : index
    %swap3A_238 = vector.load %arg12[%swap3A, %swap3A_237] : memref<400x1xf32, #tpu.memory_space<vmem>>, vector<400x1xf32>
    tpu.vector_store %arg12[%swap3A, %swap3A_237], %div3A_236 {strides = array<i32>} : memref<400x1xf32, #tpu.memory_space<vmem>>, vector<400x1xf32>,
    return
  }
  func.func @transform_0(%arg0: i32) -> (i32, i32) {
    %c0_i32 = arith.constant 0 : i32
    %c0_i32_0 = arith.constant 0 : i32
    return %arg0, %c0_i32 : i32, i32
  }
  func.func @transform_1(%arg0: i32) -> (i32, i32, i32) {
    %c0_i32 = arith.constant 0 : i32
    %c0_i32_0 = arith.constant 0 : i32
    %c0_i32_1 = arith.constant 0 : i32
    return %c0_i32, %arg0, %c0_i32_0 : i32, i32, i32
  }
  func.func @transform_2(%arg0: i32) -> (i32, i32, i32) {
    %c0_i32 = arith.constant 0 : i32
    %c0_i32_0 = arith.constant 0 : i32
    %c0_i32_1 = arith.constant 0 : i32
    return %c0_i32, %arg0, %c0_i32_0 : i32, i32, i32
  }
  func.func @transform_3(%arg0: i32) -> (i32, i32) {
    %c0_i32 = arith.constant 0 : i32
    %c0_i32_0 = arith.constant 0 : i32
    %c0_i32_1 = arith.constant 0 : i32
    return %c0_i32, %c0_i32_0 : i32, i32
  }
  func.func @transform_4(%arg0: i32) -> (i32, i32) {
    %c0_i32 = arith.constant 0 : i32
    %c0_i32_0 = arith.constant 0 : i32
    %c0_i32_1 = arith.constant 0 : i32
    return %c0_i32, %c0_i32_0 : i32, i32
  }
  func.func @transform_5(%arg0: i32) -> (i32, i32) {
    %c0_i32 = arith.constant 0 : i32
    %c0_i32_0 = arith.constant 0 : i32
    %c0_i32_1 = arith.constant 0 : i32
    return %c0_i32, %c0_i32_0 : i32, i32
  }
  func.func @transform_6(%arg0: i32) -> (i32, i32) {
    %c0_i32 = arith.constant 0 : i32
    %c0_i32_0 = arith.constant 0 : i32
    %c0_i32_1 = arith.constant 0 : i32
    return %c0_i32, %c0_i32_0 : i32, i32
  }
  func.func @transform_7(%arg0: i32) -> (i32, i32, i32) {
    %c0_i32 = arith.constant 0 : i32
    %c0_i32_0 = arith.constant 0 : i32
    %c0_i32_1 = arith.constant 0 : i32
    %c0_i32_2 = arith.constant 0 : i32
    return %c0_i32, %c0_i32_0, %c0_i32_1 : i32, i32, i32
  }
  func.func @transform_8(%arg0: i32) -> (i32, i32) {
    %c0_i32 = arith.constant 0 : i32
    %c0_i32_0 = arith.constant 0 : i32
    %c0_i32_1 = arith.constant 0 : i32
    return %c0_i32, %c0_i32_0 : i32, i32
  }
  func.func @transform_9(%arg0: i32) -> (i32, i32) {
    %c0_i32 = arith.constant 0 : i32
    %c0_i32_0 = arith.constant 0 : i32
    %c0_i32_1 = arith.constant 0 : i32
    return %c0_i32, %c0_i32_0 : i32, i32
  }
  func.func @transform_10(%arg0: i32) -> (i32, i32) {
    %c0_i32 = arith.constant 0 : i32
    %c0_i32_0 = arith.constant 0 : i32
    %c0_i32_1 = arith.constant 0 : i32
    return %c0_i32, %c0_i32_0 : i32, i32
  }
  func.func @transform_11(%arg0: i32) -> (i32, i32) {
    %c0_i32 = arith.constant 0 : i32
    %c0_i32_0 = arith.constant 0 : i32
    return %arg0, %c0_i32 : i32, i32
  }
}

</mosaic_0001>

<sc_bundles>
// kernel: kernel.5.cloned.1.call-start
scs
__scs_entry_jumppad:
0x0: {  	(pc) =	sbr.rel $0x88, $3  }
0x1: {  	(tag) =	ssettag $0x0;
	lr =	simm.s32 $0x1  }
0x2: {  	[smem:$0x3F80] =	sst lr;
	_ =	strace $0xD0000000  }
0x3: {  	_ = 	snop  }
0x4: {  	_ = 	snop  }
0x5: {  	_ = 	snop  }
0x6: {  	_ = 	snop  }
0x7: {  	_ = 	snop  }
__scs_overlays_trampoline_lowered:
0x8: {  	[smem:$0x3F8F] =	sst s0  }
0x9: {  	[smem:$0x3F90] =	sst s1  }
0xa: {  	[smem:$0x3F91] =	sst s2  }
0xb: {  	[smem:$0x3F92] =	sst s3  }
0xc: {  	[smem:$0x3F93] =	sst s4  }
0xd: {  	[smem:$0x3F94] =	sst s5  }
0xe: {  	[smem:$0x3F95] =	sst s6  }
0xf: {  	[smem:$0x3F96] =	sst s7  }
0x10: {  	[smem:$0x3F97] =	sst s8  }
0x11: {  	[smem:$0x3F98] =	sst s9;
	s0 =	simm.s32 @!p0 $0x0  }
0x12: {  	s1 =	sld [smem:$0x3F7E];
	s0 =	simm.s32 @p0 $0x1  }
0x13: {  	[smem:$0x3F99] =	sst s0;
	s0 =	simm.s32 @!p1 $0x0  }
0x14: {  	s2 =	sld [smem:$0x3F7D];
	s0 =	simm.s32 @p1 $0x1  }
0x15: {  	[smem:$0x3F9A] =	sst s0;
	s0 =	simm.s32 @!p2 $0x0  }
0x16: {  	s3 =	sld [smem:$0x3FDB];
	s0 =	simm.s32 @p2 $0x1  }
0x17: {  	s4 =	simm.s32 $0x1BF5;
	[smem:$0x3F9C] =	sst s0  }
0x18: {  	s0 =	sld [smem:$0x3F7F];
	_ =	swait.ge [sflag:s4], $0x0  }
0x19: {  	s7 =	sld [smem:$0x3F80]  }
0x1a: {  	s8 =	sadd.s32 $0xFFFFE003, lr  }
0x1b: {  	s9 =	sadd.s32 $0xFFFFFEF7, lr;
	s5 =	simm.s32 $0xFFFFFFFF;
	p2 =	slt.u32 s8, $0xFFFFF086  }
0x1c: {  	p1 =	slt.u32 s9, $0xF7A;
	s5 =	simm.s32 @!p2 $0x0  }
0x1d: {  	s5 =	simm.s32 @p1 $0x1;
	p0 =	seq.s32 s7, s2  }
0x1e: {  	s7 =	smul.u32 @!p0 $0xF7A, s2;
	p2 =	seq.s32 @!p0 s5, $0x0  }
0x1f: {  	s9 =	smul.u32 $0xF7A, s1;
	s8 =	simm.s32 @!p0 $0x1BF5;
	p2 =	por !p2, p0  }
0x20: {  	[sflag:s8] =	ssyncset.s32 @!p0 $0xFFFFF086;
	s6 =	sadd.s32 @!p0 s3, s7;
	s7 =	simm.s32 @!p0 $0x108  }
0x21: {  	s3 =	sadd.s32 s3, s9;
	s6 =	sadd.s32 @!p0 $0x88, s6;
	s7 =	simm.s32 @p2 $0x1082  }
0x22: {  	[simem:s7], [sflag:s8] =	dma.local @!p0 [hbm:s6], $0xF7A  }
0x23: {  	s9 =	sor.u32 $0xD0000000, s2;
	s6 =	simm.s32 $0x108;
	_ =	swait.ge @!p0 [sflag:s8], $0x0  }
0x24: {  	s3 =	sadd.s32 $0x88, s3;
	s6 =	simm.s32 @!p1 $0x1082;
	[sflag:s4] =	ssyncset.s32 $0xFFFFF086  }
0x25: {  	[simem:s6], [sflag:s4] =	dma.local [hbm:s3], $0xF7A  }
0x26: {  	[smem:$0x3F80] =	sst s1;
	(tag) =	ssettag s2;
	_ =	strace s9  }
0x27: {  	s1 =	sld [smem:$0x3F90]  }
0x28: {  	s2 =	sld [smem:$0x3F91]  }
0x29: {  	s4 =	sld [smem:$0x3F93]  }
0x2a: {  	p0 =	seq.s32 s5, $0x0;
	s5 =	sld [smem:$0x3F94]  }
0x2b: {  	s6 =	sld [smem:$0x3F95]  }
0x2c: {  	s7 =	sld [smem:$0x3F96]  }
0x2d: {  	s3 =	simm.s32 $0x108;
	s8 =	sld [smem:$0x3F97]  }
0x2e: {  	s3 =	simm.s32 @!p0 $0x1082;
	s9 =	sld [smem:$0x3F98]  }
0x2f: {  	lr =	sadd.s32 s0, s3;
	s0 =	sld [smem:$0x3F8F]  }
0x30: {  	s3 =	sld [smem:$0x3F92]  }
0x31: {  	[smem:$0x3F9B] =	sst s10  }
0x32: {  	s10 =	sld [smem:$0x3F99];
	_ =	sdelay $0x3  }
0x33: {  	p0 =	seq.s32 s10, $0x1;
	s10 =	sld [smem:$0x3F9B];
	_ =	sdelay $0x3  }
0x34: {  	[smem:$0x3F9B] =	sst s10  }
0x35: {  	s10 =	sld [smem:$0x3F9A];
	_ =	sdelay $0x3  }
0x36: {  	p1 =	seq.s32 s10, $0x1;
	s10 =	sld [smem:$0x3F9B];
	_ =	sdelay $0x3  }
0x37: {  	[smem:$0x3F9B] =	sst s10  }
0x38: {  	s10 =	sld [smem:$0x3F9C]  }
0x39: {  	_ = 	snop;
	(pc) =	sbr.ind lr, $3  }
0x3a: {  	_ = 	snop  }
0x3b: {  	_ = 	snop  }
0x3c: {  	p2 =	seq.s32 s10, $0x1;
	s10 =	sld [smem:$0x3F9B]  }
0x3d: {  	_ =	shalt  }
0x3e: {  	_ =	shalt  }
0x3f: {  	_ =	shalt  }
0x40: {  	_ =	shalt  }
0x41: {  	_ =	shalt  }
0x42: {  	_ =	shalt  }
0x43: {  	_ =	shalt  }
0x44: {  	_ =	shalt  }
0x45: {  	_ =	shalt  }
0x46: {  	_ =	shalt  }
0x47: {  	_ =	shalt  }
0x48: {  	_ =	shalt  }
0x49: {  	_ =	shalt  }
0x4a: {  	_ =	shalt  }
0x4b: {  	_ =	shalt  }
0x4c: {  	_ =	shalt  }
0x4d: {  	_ =	shalt  }
0x4e: {  	_ =	shalt  }
0x4f: {  	_ =	shalt  }
0x50: {  	_ =	shalt  }
0x51: {  	_ =	shalt  }
0x52: {  	_ =	shalt  }
0x53: {  	_ =	shalt  }
0x54: {  	_ =	shalt  }
0x55: {  	_ =	shalt  }
0x56: {  	_ =	shalt  }
0x57: {  	_ =	shalt  }
0x58: {  	_ =	shalt  }
0x59: {  	_ =	shalt  }
0x5a: {  	_ =	shalt  }
0x5b: {  	_ =	shalt  }
0x5c: {  	_ =	shalt  }
0x5d: {  	_ =	shalt  }
0x5e: {  	_ =	shalt  }
0x5f: {  	_ =	shalt  }
0x60: {  	_ =	shalt  }
0x61: {  	_ =	shalt  }
0x62: {  	_ =	shalt  }
0x63: {  	_ =	shalt  }
0x64: {  	_ =	shalt  }
0x65: {  	_ =	shalt  }
0x66: {  	_ =	shalt  }
0x67: {  	_ =	shalt  }
0x68: {  	_ =	shalt  }
0x69: {  	_ =	shalt  }
0x6a: {  	_ =	shalt  }
0x6b: {  	_ =	shalt  }
0x6c: {  	_ =	shalt  }
0x6d: {  	_ =	shalt  }
0x6e: {  	_ =	shalt  }
0x6f: {  	_ =	shalt  }
0x70: {  	_ =	shalt  }
0x71: {  	_ =	shalt  }
0x72: {  	_ =	shalt  }
0x73: {  	_ =	shalt  }
0x74: {  	_ =	shalt  }
0x75: {  	_ =	shalt  }
0x76: {  	_ =	shalt  }
0x77: {  	_ =	shalt  }
0x78: {  	_ =	shalt  }
0x79: {  	_ =	shalt  }
0x7a: {  	_ =	shalt  }
0x7b: {  	_ =	shalt  }
0x7c: {  	_ =	shalt  }
0x7d: {  	_ =	shalt  }
0x7e: {  	_ =	shalt  }
0x7f: {  	_ =	shalt  }
0x80: {  	_ =	shalt  }
0x81: {  	_ =	shalt  }
0x82: {  	_ =	shalt  }
0x83: {  	_ =	shalt  }
0x84: {  	_ =	shalt  }
0x85: {  	_ =	shalt  }
0x86: {  	_ =	shalt  }
0x87: {  	_ =	shalt  }
.Lfunc_end0:
.L_simem_size_0:
called_computation_lowered:
.L_overlay_start_0:
0x88: {  	s2 =	sld [smem:$0x3FD9]  }
0x89: {  	s3 =	sld [smem:$0x3FFE];
	_ =	sdelay $0x1  }
0x8a: {  	s1 =	srdreg.scid  }
0x8b: {  	s0 =	sand.u32 $0x1, s1  }
0x8c: {  	s16 =	sshll.u32 s0, $0xA;
	s2 =	sadd.s32 s3, s2  }
0x8d: {  	s2 =	sadd.s32 s2, s16  }
0x8e: {  	[smem:$0x3FA7] =	sst s2  }
0x8f: {  	_ = 	snop  }
0x90: {  	(tm) =	ssettm $0x1  }
0x91: {  	s17 =	sld [smem:$0x3FFB];
	_ =	sdelay $0x3  }
0x92: {  	_ =	strace s17  }
0x93: {  	s2 =	sld [smem:$0x3FFC];
	_ =	sdelay $0x3  }
0x94: {  	_ =	strace s2  }
0x95: {  	s2 =	sld [smem:$0x3FFD];
	_ =	sdelay $0x3  }
0x96: {  	_ =	strace s2  }
0x97: {  	_ =	strace $0x8FFFFFFF  }
0x98: {  	s18 =	sld [smem:$0x3FDB];
	_ =	sdelay $0x1  }
0x99: {  	s19 =	simm.s32 $_scs_section_size  }
0x9a: {  	s4 =	simm.s32 $_size__tile_overlayer_lowered;
	s5 =	simm.s32 $_tile_overlayer_lowered  }
0x9b: {  	s22 =	simm.s32 $0x1BFF;
	s21 =	sshll.u32 s5, $0x1;
	s2 =	sadd.s32 s19, s18  }
0x9c: {  	s6 =	simm.s32 $0x0;
	s20 =	sshll.u32 s4, $0x1;
	s4 =	sadd.s32 s21, s2  }
0x9d: {  	[timem:s6], [sflag:s22] =	dma.local [hbm:s4], s20  }
0x9e: {  	_ =	swait.ge [sflag:s22], s20  }
0x9f: {  	s3 =	ssub.s32 $0x0, s20;
	[sflag:s22] =	ssyncset.done $0x0  }
0xa0: {  	[sflag:s22] =	ssyncadd.s32 s3;
	_ =	sdelay $0x1  }
0xa1: {  	s23 =	simm.s32 $0x1B8B  }
0xa2: {  	_ =	swait.ge [sflag:s23], $0x1  }
0xa3: {  	[sflag:s23] =	ssyncset.done $0x0  }
0xa4: {  	s25 =	simm.s32 $0x1B8E;
	s24 =	sld [smem:$0x3FFE];
	[sflag:s23] =	ssyncadd.s32 $0xFFFFFFFF  }
0xa5: {  	s26 =	simm.s32 $execute0_lowered;
	[smem:$0x3FD2] =	sst s25  }
0xa6: {  	s4 =	sshll.u32 s26, $0x1;
	_ =	strace $0x80000046;
	[dreg:$0x1] =	wrdreg $0xFFFFFFFF  }
0xa7: {  	s28 =	simm.s32 $_size_execute0_lowered;
	s2 =	sadd.s32 s2, s4;
	[dreg:$0x0] =	wrdreg $0x0  }
0xa8: {  	s4 =	sshll.u32 s28, $0x1;
	[dreg:$0x2] =	wrdreg s2  }
0xa9: {  	[dreg:$0x3] =	wrdreg s4  }
0xaa: {  	[dreg:$0x4] =	wrdreg $0xC0  }
0xab: {  	_ =	task [dreg:s6], $0x5FFFF  }
0xac: {  	[dreg:$0x1] =	wrdreg $0xFFFFFFFF  }
0xad: {  	[dreg:$0x0] =	wrdreg $0x60  }
0xae: {  	[dreg:$0x2] =	wrdreg s24  }
0xaf: {  	[dreg:$0x3] =	wrdreg $0xF5F00  }
0xb0: {  	[dreg:$0x4] =	wrdreg $0x9  }
0xb1: {  	_ =	task.clear_ibuf [dreg:s6], $0x5FFFF;
	_ =	strace $0x90000046  }
0xb2: {  	s29 =	simm.s32 $0x9;
	_ =	strace $0x80000048  }
0xb3: {  	_ =	swait.ge [sflag:s29], $0x1  }
0xb4: {  	[sflag:s29] =	ssyncadd.s32 $0xFFFFFFFF  }
0xb5: {  	_ =	strace $0x90000048  }
0xb6: {  	_ =	sfence  }
0xb7: {  	s30 =	sld [smem:$0x0];
	_ =	sdelay $0x2  }
0xb8: {  	s31 =	sshll.u32 s1, $0xD;
	s1 =	sshrl.u32 s1, $0x2  }
0xb9: {  	s3 =	sand.u32 $0x4000, s31;
	s1 =	sadd.s32 s1, s30  }
0xba: {  	s0 =	sor.u32 s3, s0;
	s1 =	sshll.u32 s1, $0x11  }
0xbb: {  	s0 =	sor.u32 s1, s0  }
0xbc: {  	s0 =	sadd.s32 $0x8F2B, s0  }
0xbd: {  	[sflag:s0] =	ssyncadd.remote.s32 $0x1  }
0xbe: {  	_ =	sfence.sel $0xFFFF  }
0xbf: {  	[dreg:$0x0] =	wrdreg $0xFFFFFFFF;
	(pc) =	sbr.abs _section_cstart, $3  }
0xc0: {  	[dreg:$0x1] =	wrdreg $0xFFFFFFFF  }
0xc1: {  	_ =	task.clear_ibuf [dreg:s6], $0x2FFFF;
	_ =	strace $0x9FFFFFFF  }
0xc2: {  	(tm) =	ssettm $0x7FFFFFFF  }
0xc3: {  	_ =	shalt  }
tec
execute0_lowered:
.L_overlay_start_1:
0x0: {  	(tag) =	ssettag $0x1  }
0x1: {  	s0 =	rddreg [dreg:$0x0]  }
0x2: {  	s1 =	rddreg [dreg:$0x1];
	s2 =	srdreg.scid  }
0x3: {  	s3 =	simm.s32 $0x0;
	s18 =	stileid.u32;
	s28 =	simm.s32 $0x84D0  }
0x4: {  	s29 =	simm.s32 $0x50;
	s30 =	simm.s32 $0x8CA0;
	s9 =	smul.u32 $0xC800, s18  }
0x5: {  	s31 =	simm.s32 $0xA0A0;
	s2 =	sand.u32 $0x1, s2;
	s10 =	smul.u32 $0x32000, s18  }
0x6: {  	[smem:$0x7FF] =	sst s3;
	s4 =	sadd.s32 $0x2C600, s0;
	s18 =	smul.u32 $0xFA, s18  }
0x7: {  	s5 =	sadd.s32 $0x5400, s0;
	s7 =	sadd.s32 $0x53800, s0;
	s6 =	smul.u32 $0x4E2, s2  }
0x8: {  	s8 =	smul.u32 $0xC8000, s2;
	_ =	strace $0x80000047;
	s12 =	ssub.s32 $0x2, s2  }
0x9: {  	s16 =	smul.u32 $0x4E200, s2;
	s2 =	simm.s32 $0x2;
	s11 =	sadd.s32 s6, s0  }
0xa: {  	s19 =	sshrl.u32 s12, $0x1;
	s10 =	sshrl.u32 s10, $0x2;
	s20 =	sadd.s32 $0x4000, s11  }
0xb: {  	s6 =	sadd.s32 $0x67200, s0;
	s21 =	sadd.s32 $0x3600, s11;
	[dreg:$0x3] =	wrdreg s20  }
0xc: {  	s10 =	sadd.s32 s10, s1;
	s11 =	sadd.s32 $0x4A00, s11;
	[dreg:$0x4] =	wrdreg s21  }
0xd: {  	s9 =	sadd.s32 s9, s8;
	s22 =	sadd.s32 $0x2800, s10;
	[dreg:$0x5] =	wrdreg s11  }
0xe: {  	s8 =	sadd.s32 $0x7AC00, s0;
	s23 =	sadd.s32 $0x5000, s10;
	[dreg:$0x6] =	wrdreg s22  }
0xf: {  	s9 =	sshrl.u32 s9, $0x3;
	s24 =	sadd.s32 $0x7800, s10;
	[dreg:$0x7] =	wrdreg s23  }
0x10: {  	s25 =	sadd.s32 $0xA000, s10;
	s0 =	sadd.s32 s9, s0;
	[dreg:$0x8] =	wrdreg s24  }
0x11: {  	s9 =	ssub.s32 s12, s19;
	[dreg:$0x9] =	wrdreg s25;
	s21 =	simm.s32 $0x3  }
0x12: {  	s22 =	simm.s32 $0x2710;
	s23 =	simm.s32 $0x4E20;
	s24 =	simm.s32 $0xCDF0  }
0x13: {  	s25 =	simm.s32 $0x7530;
	s11 =	simm.s32 $0x0;
	s0 =	sadd.s32 $0x8E600, s0  }
0x14: {  	s26 =	smax.u32 s9, $0x1;
	s9 =	simm.s32 $0xB4A0;
	[dreg:$0xa] =	wrdreg s0  }
0x15: {  	v0 =	vimm.f32 $0.0e+00;
	[dreg:$0xb] =	wrdreg s26;
	s26 =	simm.s32 $0x7D00;
	s0 =	simm.s32 $0x1  }
.LBB2_1:
0x16: {  	s3 =	simm.s32 $0x0;
	s12 =	rddreg [dreg:$0x3]  }
0x17: {  	[tilespmem:s3], [sflag:$0x3] =	stream.linear.gather [hbm4b:s12+s3], $0x2710, $0x38;
	[tilespmem:$0x1BDF0] =	vst v63  }
0x18: {  	_ =	swait.ge [sflag:s21], $0x2710  }
0x19: {  	[sflag:s21] =	ssyncset.done $0x0  }
0x1a: {  	s19 =	rddreg [dreg:$0x4];
	[sflag:s21] =	ssyncadd.s32 $0xFFFFD8F0  }
0x1b: {  	[tilespmem:s22], [sflag:$0x3] =	stream.linear.gather [hbm4b:s19+s3], $0x2710, $0x38;
	[tilespmem:$0x1BDF0] =	vst v63  }
0x1c: {  	_ =	swait.ge [sflag:s21], $0x2710  }
0x1d: {  	[sflag:s21] =	ssyncset.done $0x0  }
0x1e: {  	s20 =	rddreg [dreg:$0x5];
	[sflag:s21] =	ssyncadd.s32 $0xFFFFD8F0  }
0x1f: {  	[tilespmem:s23], [sflag:$0x3] =	stream.linear.gather [hbm4b:s20+s3], $0x2710, $0x38;
	[tilespmem:$0x1BDF0] =	vst v63  }
0x20: {  	_ =	swait.ge [sflag:s21], $0x2710  }
0x21: {  	[sflag:s21] =	ssyncset.done $0x0  }
0x22: {  	s13 =	simm.s32 $0x140;
	s12 =	simm.s32 $0x0;
	[sflag:s21] =	ssyncadd.s32 $0xFFFFD8F0  }
.LBB2_2:
0x23: {  	p0 =	sne.s32 s13, $0x9EC0;
	[tilespmem:s12+$0xCE30] =	vst v0;
	s14 =	smov.u32 s13;
	s13 =	sadd.s32 $0x140, s13  }
.Ltmp0:
0x24: {  	[tilespmem:s12+$0xCE20] =	vst v0;
	(pc) =	sbr.rel @p0 .LBB2_2-.Ltmp0, $4  }
0x25: {  	[tilespmem:s12+$0xCE10] =	vst v0  }
0x26: {  	[tilespmem:s12+$0xCDF0] =	vst v0  }
0x27: {  	[tilespmem:s12+$0xCE00] =	vst v0  }
0x28: {  	s12 =	sshra.s32 s14, $0x2  }
0x29: {  	[tilespmem:s12+$0xCE30] =	vst v0  }
0x2a: {  	[tilespmem:s12+$0xCE20] =	vst v0  }
0x2b: {  	[tilespmem:s12+$0xCE10] =	vst v0  }
0x2c: {  	[tilespmem:s12+$0xCDF0] =	vst v0  }
0x2d: {  	[tilespmem:s12+$0xCE00] =	vst v0  }
0x2e: {  	[spmem:s10] =	stream.linear.scatter [tilespmem:s24], [sflag:$0x3], $0x2800, $0x38;
	[tilespmem:$0x1BDF0] =	vst v63  }
0x2f: {  	_ =	swait.ge [sflag:s21], $0x2800  }
0x30: {  	[sflag:s21] =	ssyncset.done $0x0  }
0x31: {  	s3 =	rddreg [dreg:$0x6];
	[sflag:s21] =	ssyncadd.s32 $0xFFFFD800  }
0x32: {  	[spmem:s3] =	stream.linear.scatter [tilespmem:s24], [sflag:$0x3], $0x2800, $0x38;
	[tilespmem:$0x1BDF0] =	vst v63  }
0x33: {  	_ =	swait.ge [sflag:s21], $0x2800  }
0x34: {  	[sflag:s21] =	ssyncset.done $0x0  }
0x35: {  	s17 =	rddreg [dreg:$0x7];
	[sflag:s21] =	ssyncadd.s32 $0xFFFFD800  }
0x36: {  	[spmem:s17] =	stream.linear.scatter [tilespmem:s24], [sflag:$0x3], $0x2800, $0x38;
	[tilespmem:$0x1BDF0] =	vst v63  }
0x37: {  	_ =	swait.ge [sflag:s21], $0x2800  }
0x38: {  	[sflag:s21] =	ssyncset.done $0x0  }
0x39: {  	s19 =	rddreg [dreg:$0x8];
	[sflag:s21] =	ssyncadd.s32 $0xFFFFD800  }
0x3a: {  	[spmem:s19] =	stream.linear.scatter [tilespmem:s24], [sflag:$0x3], $0x2800, $0x38;
	[tilespmem:$0x1BDF0] =	vst v63  }
0x3b: {  	_ =	swait.ge [sflag:s21], $0x2800  }
0x3c: {  	[sflag:s21] =	ssyncset.done $0x0  }
0x3d: {  	s20 =	rddreg [dreg:$0x9];
	[sflag:s21] =	ssyncadd.s32 $0xFFFFD800  }
0x3e: {  	[spmem:s20] =	stream.linear.scatter [tilespmem:s24], [sflag:$0x3], $0x2800, $0x38;
	[tilespmem:$0x1BDF0] =	vst v63  }
0x3f: {  	_ =	swait.ge [sflag:s21], $0x2800  }
0x40: {  	[sflag:s21] =	ssyncset.done $0x0  }
0x41: {  	[sflag:s21] =	ssyncadd.s32 $0xFFFFD800  }
0x42: {  	s12 =	simm.s32 $0x0;
	s13 =	simm.s32 $0x0;
	[bflag:$0x0] =	sbarrier.arrive $0xFFFF  }
.LBB2_4:
0x43: {  	s14 =	smul.u32 $0x19, s13;
	_ =	sdelay $0x1  }
0x44: {  	s14 =	sadd.s32 s18, s14  }
0x45: {  	s14 =	smul.u32 $0x50, s14;
	_ =	sdelay $0x1  }
0x46: {  	s14 =	sadd.s32 s16, s14  }
0x47: {  	s14 =	sshrl.u32 s14, $0x3  }
0x48: {  	s15 =	sadd.s32 s6, s14  }
0x49: {  	[tilespmem:s25], [sflag:$0x3] =	stream.linear.gather [hbm4b:s15+s12], $0x7D0, $0x38;
	[tilespmem:$0x1BDF0] =	vst v63  }
0x4a: {  	_ =	swait.ge [sflag:s21], $0x7D0  }
0x4b: {  	[sflag:s21] =	ssyncset.done $0x0  }
0x4c: {  	s20 =	sadd.s32 s7, s14;
	[sflag:s21] =	ssyncadd.s32 $0xFFFFF830  }
0x4d: {  	[tilespmem:s26], [sflag:$0x3] =	stream.linear.gather [hbm4b:s20+s12], $0x7D0, $0x38;
	[tilespmem:$0x1BDF0] =	vst v63  }
0x4e: {  	_ =	swait.ge [sflag:s21], $0x7D0  }
0x4f: {  	[sflag:s21] =	ssyncset.done $0x0  }
0x50: {  	s14 =	sadd.s32 s8, s14;
	[sflag:s21] =	ssyncadd.s32 $0xFFFFF830  }
0x51: {  	[tilespmem:s28], [sflag:$0x3] =	stream.linear.gather [hbm4b:s14+s12], $0x7D0, $0x38;
	[tilespmem:$0x1BDF0] =	vst v63  }
0x52: {  	_ =	swait.ge [sflag:s21], $0x7D0  }
0x53: {  	[sflag:s21] =	ssyncset.done $0x0  }
0x54: {  	s14 =	simm.s32 $0x0;
	[sflag:s21] =	ssyncadd.s32 $0xFFFFF830  }
.LBB2_5:
0x55: {  	s17 =	smul.u32 $0x50, s14;
	_ =	sdelay $0x1  }
0x56: {  	s15 =	sadd.s32 $0x7D00, s17  }
0x57: {  	[tilespmem:s30], [sflag:$0x1] =	stream.indirect.gather [hbm4b:s4+s29], $0x40, s15, s29, $0xb8;
	[tilespmem:$0x1BDF0] =	vst v63  }
0x58: {  	s20 =	sadd.s32 $0x84D0, s17  }
0x59: {  	[tilespmem:s31], [sflag:$0x2] =	stream.indirect.gather [hbm4b:s5+s29], $0x40, s20, s29, $0xb8;
	[tilespmem:$0x1BDF0] =	vst v63  }
0x5a: {  	v1 =	vld [tilespmem:s17+$0x7530]  }
0x5b: {  	v2 =	vld [tilespmem:s17+$0x7D00];
	_ =	sdelay $0x1  }
0x5c: {  	v3 =	vld [tilespmem:s17+$0x84D0];
	_ =	sdelay $0x3  }
0x5d: {  	s15 =	simm.s32 $0x0  }
0x5e: {  	v1 =	vld.idx.msk [tilespmem:v1+s15+$0x0], $0xffff  }
0x5f: {  	v2 =	vld.idx.msk [tilespmem:v2+s22+$0x0], $0xffff;
	_ =	sdelay $0x1  }
0x60: {  	v3 =	vld.idx.msk [tilespmem:v3+s23+$0x0], $0xffff;
	_ =	sdelay $0x2  }
0x61: {  	v1 =	vadd.f32 v2, v1;
	_ =	sdelay $0x1  }
0x62: {  	v1 =	vadd.f32 v3, v1;
	_ =	sdelay $0x1  }
0x63: {  	v1 =	vadd.f32 v1, v1;
	_ =	sdelay $0x1  }
0x64: {  	v1 =	vmul.f32 $1.442695020e+00, v1;
	_ =	sdelay $0x1  }
0x65: {  	(erf) = vpow2.f32 v1;
	_ =	sdelay $0x8  }
0x66: {  	v1 =	vpop (erf)  }
0x67: {  	v1 =	vadd.f32 $1.000000000e+00, v1;
	_ =	sdelay $0x1  }
0x68: {  	(erf) = vrcp.f32 v1;
	_ =	sdelay $0x8  }
0x69: {  	v1 =	vpop (erf)  }
0x6a: {  	v1 =	vadd.f32 v1, v1;
	_ =	sdelay $0x1  }
0x6b: {  	v1 =	vsub.f32 $1.000000000e+00, v1;
	_ =	sdelay $0x1  }
0x6c: {  	v1 =	vmul.f32 $1.442695020e+00, v1;
	_ =	sdelay $0x1  }
0x6d: {  	(erf) = vpow2.f32 v1;
	_ =	sdelay $0x8  }
0x6e: {  	v1 =	vpop (erf)  }
0x6f: {  	[tilespmem:$0xCDA0] =	vst v1  }
0x70: {  	v1 =	vld [tilespmem:s17+$0x7540]  }
0x71: {  	v2 =	vld [tilespmem:s17+$0x7D10];
	_ =	sdelay $0x1  }
0x72: {  	v3 =	vld [tilespmem:s17+$0x84E0];
	_ =	sdelay $0x4  }
0x73: {  	v1 =	vld.idx.msk [tilespmem:v1+s15+$0x0], $0xffff  }
0x74: {  	v2 =	vld.idx.msk [tilespmem:v2+s22+$0x0], $0xffff;
	_ =	sdelay $0x1  }
0x75: {  	v3 =	vld.idx.msk [tilespmem:v3+s23+$0x0], $0xffff;
	_ =	sdelay $0x2  }
0x76: {  	v1 =	vadd.f32 v2, v1;
	_ =	sdelay $0x1  }
0x77: {  	v1 =	vadd.f32 v3, v1;
	_ =	sdelay $0x1  }
0x78: {  	v1 =	vadd.f32 v1, v1;
	_ =	sdelay $0x1  }
0x79: {  	v1 =	vmul.f32 $1.442695020e+00, v1;
	_ =	sdelay $0x1  }
0x7a: {  	(erf) = vpow2.f32 v1;
	_ =	sdelay $0x8  }
0x7b: {  	v1 =	vpop (erf)  }
0x7c: {  	v1 =	vadd.f32 $1.000000000e+00, v1;
	_ =	sdelay $0x1  }
0x7d: {  	(erf) = vrcp.f32 v1;
	_ =	sdelay $0x8  }
0x7e: {  	v1 =	vpop (erf)  }
0x7f: {  	v1 =	vadd.f32 v1, v1;
	_ =	sdelay $0x1  }
0x80: {  	v1 =	vsub.f32 $1.000000000e+00, v1;
	_ =	sdelay $0x1  }
0x81: {  	v1 =	vmul.f32 $1.442695020e+00, v1;
	_ =	sdelay $0x1  }
0x82: {  	(erf) = vpow2.f32 v1;
	_ =	sdelay $0x8  }
0x83: {  	v1 =	vpop (erf)  }
0x84: {  	[tilespmem:$0xCDB0] =	vst v1  }
0x85: {  	v1 =	vld [tilespmem:s17+$0x7550]  }
0x86: {  	v2 =	vld [tilespmem:s17+$0x7D20];
	_ =	sdelay $0x1  }
0x87: {  	v3 =	vld [tilespmem:s17+$0x84F0];
	_ =	sdelay $0x4  }
0x88: {  	v1 =	vld.idx.msk [tilespmem:v1+s15+$0x0], $0xffff  }
0x89: {  	v2 =	vld.idx.msk [tilespmem:v2+s22+$0x0], $0xffff;
	_ =	sdelay $0x1  }
0x8a: {  	v3 =	vld.idx.msk [tilespmem:v3+s23+$0x0], $0xffff;
	_ =	sdelay $0x2  }
0x8b: {  	v1 =	vadd.f32 v2, v1;
	_ =	sdelay $0x1  }
0x8c: {  	v1 =	vadd.f32 v3, v1;
	_ =	sdelay $0x1  }
0x8d: {  	v1 =	vadd.f32 v1, v1;
	_ =	sdelay $0x1  }
0x8e: {  	v1 =	vmul.f32 $1.442695020e+00, v1;
	_ =	sdelay $0x1  }
0x8f: {  	(erf) = vpow2.f32 v1;
	_ =	sdelay $0x8  }
0x90: {  	v1 =	vpop (erf)  }
0x91: {  	v1 =	vadd.f32 $1.000000000e+00, v1;
	_ =	sdelay $0x1  }
0x92: {  	(erf) = vrcp.f32 v1;
	_ =	sdelay $0x8  }
0x93: {  	v1 =	vpop (erf)  }
0x94: {  	v1 =	vadd.f32 v1, v1;
	_ =	sdelay $0x1  }
0x95: {  	v1 =	vsub.f32 $1.000000000e+00, v1;
	_ =	sdelay $0x1  }
0x96: {  	v1 =	vmul.f32 $1.442695020e+00, v1;
	_ =	sdelay $0x1  }
0x97: {  	(erf) = vpow2.f32 v1;
	_ =	sdelay $0x8  }
0x98: {  	v1 =	vpop (erf)  }
0x99: {  	[tilespmem:$0xCDC0] =	vst v1  }
0x9a: {  	v1 =	vld [tilespmem:s17+$0x7560]  }
0x9b: {  	v2 =	vld [tilespmem:s17+$0x7D30];
	_ =	sdelay $0x1  }
0x9c: {  	v3 =	vld [tilespmem:s17+$0x8500];
	_ =	sdelay $0x4  }
0x9d: {  	v1 =	vld.idx.msk [tilespmem:v1+s15+$0x0], $0xffff  }
0x9e: {  	v2 =	vld.idx.msk [tilespmem:v2+s22+$0x0], $0xffff;
	_ =	sdelay $0x1  }
0x9f: {  	v3 =	vld.idx.msk [tilespmem:v3+s23+$0x0], $0xffff;
	_ =	sdelay $0x2  }
0xa0: {  	v1 =	vadd.f32 v2, v1;
	_ =	sdelay $0x1  }
0xa1: {  	v1 =	vadd.f32 v3, v1;
	_ =	sdelay $0x1  }
0xa2: {  	v1 =	vadd.f32 v1, v1;
	_ =	sdelay $0x1  }
0xa3: {  	v1 =	vmul.f32 $1.442695020e+00, v1;
	_ =	sdelay $0x1  }
0xa4: {  	(erf) = vpow2.f32 v1;
	_ =	sdelay $0x8  }
0xa5: {  	v1 =	vpop (erf)  }
0xa6: {  	v1 =	vadd.f32 $1.000000000e+00, v1;
	_ =	sdelay $0x1  }
0xa7: {  	(erf) = vrcp.f32 v1;
	_ =	sdelay $0x8  }
0xa8: {  	v1 =	vpop (erf)  }
0xa9: {  	v1 =	vadd.f32 v1, v1;
	_ =	sdelay $0x1  }
0xaa: {  	v1 =	vsub.f32 $1.000000000e+00, v1;
	_ =	sdelay $0x1  }
0xab: {  	v1 =	vmul.f32 $1.442695020e+00, v1;
	_ =	sdelay $0x1  }
0xac: {  	(erf) = vpow2.f32 v1;
	_ =	sdelay $0x8  }
0xad: {  	v1 =	vpop (erf)  }
0xae: {  	[tilespmem:$0xCDD0] =	vst v1  }
0xaf: {  	v1 =	vld [tilespmem:s17+$0x7570]  }
0xb0: {  	v2 =	vld [tilespmem:s17+$0x7D40];
	_ =	sdelay $0x1  }
0xb1: {  	v3 =	vld [tilespmem:s17+$0x8510];
	_ =	sdelay $0x4  }
0xb2: {  	v1 =	vld.idx.msk [tilespmem:v1+s15+$0x0], $0xffff  }
0xb3: {  	v2 =	vld.idx.msk [tilespmem:v2+s22+$0x0], $0xffff;
	_ =	sdelay $0x1  }
0xb4: {  	v3 =	vld.idx.msk [tilespmem:v3+s23+$0x0], $0xffff;
	_ =	sdelay $0x2  }
0xb5: {  	v1 =	vadd.f32 v2, v1;
	_ =	sdelay $0x1  }
0xb6: {  	v1 =	vadd.f32 v3, v1;
	_ =	sdelay $0x1  }
0xb7: {  	v1 =	vadd.f32 v1, v1;
	_ =	sdelay $0x1  }
0xb8: {  	v1 =	vmul.f32 $1.442695020e+00, v1;
	_ =	sdelay $0x1  }
0xb9: {  	(erf) = vpow2.f32 v1;
	_ =	sdelay $0x8  }
0xba: {  	v1 =	vpop (erf)  }
0xbb: {  	v1 =	vadd.f32 $1.000000000e+00, v1;
	_ =	sdelay $0x1  }
0xbc: {  	(erf) = vrcp.f32 v1;
	_ =	sdelay $0x8  }
0xbd: {  	v1 =	vpop (erf)  }
0xbe: {  	v1 =	vadd.f32 v1, v1;
	_ =	sdelay $0x1  }
0xbf: {  	v1 =	vsub.f32 $1.000000000e+00, v1;
	_ =	sdelay $0x1  }
0xc0: {  	v1 =	vmul.f32 $1.442695020e+00, v1;
	_ =	sdelay $0x1  }
0xc1: {  	(erf) = vpow2.f32 v1;
	_ =	sdelay $0x8  }
0xc2: {  	v1 =	vpop (erf)  }
0xc3: {  	[tilespmem:$0xCDE0] =	vst v1  }
0xc4: {  	_ =	swait.ge [sflag:s0], $0x1400  }
0xc5: {  	[sflag:s0] =	ssyncset.done $0x0  }
0xc6: {  	[sflag:s0] =	ssyncadd.s32 $0xFFFFEC00  }
0xc7: {  	_ =	swait.ge [sflag:s2], $0x1400  }
0xc8: {  	[sflag:s2] =	ssyncset.done $0x0  }
0xc9: {  	s17 =	sadd.s32 $0x7530, s17;
	[sflag:s2] =	ssyncadd.s32 $0xFFFFEC00  }
.LBB2_6:
0xca: {  	s19 =	sshll.u32 s15, $0x4  }
0xcb: {  	s20 =	sshll.u32 s15, $0xA;
	v1 =	vld [tilespmem:s19+$0xCDA0]  }
0xcc: {  	v2 =	vld [tilespmem:s20+$0x8CA0]  }
0xcd: {  	v3 =	vld [tilespmem:s20+$0xA0A0];
	_ =	sdelay $0x4  }
0xce: {  	v4 =	vbroadcast v1, $0x0;
	v2 =	vadd.f32 v3, v2  }
0xcf: {  	s3 =	smul.u32 $0x1400, s15  }
0xd0: {  	v2 =	vmul.f32 v2, v4  }
0xd1: {  	s3 =	sshra.s32 s3, $0x2  }
0xd2: {  	[tilespmem:s3+$0xB4A0] =	vst v2  }
0xd3: {  	v2 =	vld [tilespmem:s20+$0x8CB0]  }
0xd4: {  	v3 =	vld [tilespmem:s20+$0xA0B0];
	_ =	sdelay $0x4  }
0xd5: {  	v2 =	vadd.f32 v3, v2;
	_ =	sdelay $0x1  }
0xd6: {  	v2 =	vmul.f32 v2, v4;
	_ =	sdelay $0x1  }
0xd7: {  	[tilespmem:s3+$0xB4B0] =	vst v2  }
0xd8: {  	v2 =	vld [tilespmem:s20+$0x8CC0]  }
0xd9: {  	v3 =	vld [tilespmem:s20+$0xA0C0];
	_ =	sdelay $0x4  }
0xda: {  	v2 =	vadd.f32 v3, v2;
	_ =	sdelay $0x1  }
0xdb: {  	v2 =	vmul.f32 v2, v4;
	_ =	sdelay $0x1  }
0xdc: {  	[tilespmem:s3+$0xB4C0] =	vst v2  }
0xdd: {  	v2 =	vld [tilespmem:s20+$0x8CD0]  }
0xde: {  	v3 =	vld [tilespmem:s20+$0xA0D0];
	_ =	sdelay $0x4  }
0xdf: {  	v2 =	vadd.f32 v3, v2;
	_ =	sdelay $0x1  }
0xe0: {  	v2 =	vmul.f32 v2, v4  }
0xe1: {  	s20 =	sor.u32 $0x1, s19;
	[tilespmem:s3+$0xB4E0] =	vst v4  }
0xe2: {  	[tilespmem:s3+$0xB4D0] =	vst v2;
	s3 =	sshll.u32 s20, $0x6  }
0xe3: {  	v2 =	vld [tilespmem:s3+$0x8CA0]  }
0xe4: {  	v3 =	vld [tilespmem:s3+$0xA0A0];
	_ =	sdelay $0x4  }
0xe5: {  	v50 =	vbroadcast v1, $0x1;
	v2 =	vadd.f32 v3, v2  }
0xe6: {  	s20 =	smul.u32 $0x140, s20  }
0xe7: {  	v2 =	vmul.f32 v2, v50  }
0xe8: {  	s20 =	sshra.s32 s20, $0x2  }
0xe9: {  	[tilespmem:s20+$0xB4A0] =	vst v2  }
0xea: {  	v2 =	vld [tilespmem:s3+$0x8CB0]  }
0xeb: {  	v3 =	vld [tilespmem:s3+$0xA0B0];
	_ =	sdelay $0x4  }
0xec: {  	v2 =	vadd.f32 v3, v2;
	_ =	sdelay $0x1  }
0xed: {  	v2 =	vmul.f32 v2, v50;
	_ =	sdelay $0x1  }
0xee: {  	[tilespmem:s20+$0xB4B0] =	vst v2  }
0xef: {  	v2 =	vld [tilespmem:s3+$0x8CC0]  }
0xf0: {  	v3 =	vld [tilespmem:s3+$0xA0C0];
	_ =	sdelay $0x4  }
0xf1: {  	v2 =	vadd.f32 v3, v2;
	_ =	sdelay $0x1  }
0xf2: {  	v2 =	vmul.f32 v2, v50;
	_ =	sdelay $0x1  }
0xf3: {  	[tilespmem:s20+$0xB4C0] =	vst v2  }
0xf4: {  	v2 =	vld [tilespmem:s3+$0x8CD0]  }
0xf5: {  	v3 =	vld [tilespmem:s3+$0xA0D0];
	_ =	sdelay $0x4  }
0xf6: {  	v2 =	vadd.f32 v3, v2;
	_ =	sdelay $0x1  }
0xf7: {  	v2 =	vmul.f32 v2, v50  }
0xf8: {  	s3 =	sor.u32 $0x2, s19;
	[tilespmem:s20+$0xB4E0] =	vst v50  }
0xf9: {  	[tilespmem:s20+$0xB4D0] =	vst v2;
	s20 =	sshll.u32 s3, $0x6  }
0xfa: {  	v2 =	vld [tilespmem:s20+$0x8CA0]  }
0xfb: {  	v3 =	vld [tilespmem:s20+$0xA0A0];
	_ =	sdelay $0x4  }
0xfc: {  	v51 =	vbroadcast v1, $0x2;
	v2 =	vadd.f32 v3, v2  }
0xfd: {  	s3 =	smul.u32 $0x140, s3  }
0xfe: {  	v2 =	vmul.f32 v2, v51  }
0xff: {  	s3 =	sshra.s32 s3, $0x2  }
0x100: {  	[tilespmem:s3+$0xB4A0] =	vst v2  }
0x101: {  	v2 =	vld [tilespmem:s20+$0x8CB0]  }
0x102: {  	v3 =	vld [tilespmem:s20+$0xA0B0];
	_ =	sdelay $0x4  }
0x103: {  	v2 =	vadd.f32 v3, v2;
	_ =	sdelay $0x1  }
0x104: {  	v2 =	vmul.f32 v2, v51;
	_ =	sdelay $0x1  }
0x105: {  	[tilespmem:s3+$0xB4B0] =	vst v2  }
0x106: {  	v2 =	vld [tilespmem:s20+$0x8CC0]  }
0x107: {  	v3 =	vld [tilespmem:s20+$0xA0C0];
	_ =	sdelay $0x4  }
0x108: {  	v2 =	vadd.f32 v3, v2;
	_ =	sdelay $0x1  }
0x109: {  	v2 =	vmul.f32 v2, v51;
	_ =	sdelay $0x1  }
0x10a: {  	[tilespmem:s3+$0xB4C0] =	vst v2  }
0x10b: {  	v2 =	vld [tilespmem:s20+$0x8CD0]  }
0x10c: {  	v3 =	vld [tilespmem:s20+$0xA0D0];
	_ =	sdelay $0x4  }
0x10d: {  	v2 =	vadd.f32 v3, v2;
	_ =	sdelay $0x1  }
0x10e: {  	v2 =	vmul.f32 v2, v51  }
0x10f: {  	s20 =	sor.u32 $0x3, s19;
	[tilespmem:s3+$0xB4E0] =	vst v51  }
0x110: {  	[tilespmem:s3+$0xB4D0] =	vst v2;
	s3 =	sshll.u32 s20, $0x6  }
0x111: {  	v2 =	vld [tilespmem:s3+$0x8CA0]  }
0x112: {  	v3 =	vld [tilespmem:s3+$0xA0A0];
	_ =	sdelay $0x4  }
0x113: {  	v52 =	vbroadcast v1, $0x3;
	v2 =	vadd.f32 v3, v2  }
0x114: {  	s20 =	smul.u32 $0x140, s20  }
0x115: {  	v2 =	vmul.f32 v2, v52  }
0x116: {  	s20 =	sshra.s32 s20, $0x2  }
0x117: {  	[tilespmem:s20+$0xB4A0] =	vst v2  }
0x118: {  	v2 =	vld [tilespmem:s3+$0x8CB0]  }
0x119: {  	v3 =	vld [tilespmem:s3+$0xA0B0];
	_ =	sdelay $0x4  }
0x11a: {  	v2 =	vadd.f32 v3, v2;
	_ =	sdelay $0x1  }
0x11b: {  	v2 =	vmul.f32 v2, v52;
	_ =	sdelay $0x1  }
0x11c: {  	[tilespmem:s20+$0xB4B0] =	vst v2  }
0x11d: {  	v2 =	vld [tilespmem:s3+$0x8CC0]  }
0x11e: {  	v3 =	vld [tilespmem:s3+$0xA0C0];
	_ =	sdelay $0x4  }
0x11f: {  	v2 =	vadd.f32 v3, v2;
	_ =	sdelay $0x1  }
0x120: {  	v2 =	vmul.f32 v2, v52;
	_ =	sdelay $0x1  }
0x121: {  	[tilespmem:s20+$0xB4C0] =	vst v2  }
0x122: {  	v2 =	vld [tilespmem:s3+$0x8CD0]  }
0x123: {  	v3 =	vld [tilespmem:s3+$0xA0D0];
	_ =	sdelay $0x4  }
0x124: {  	v2 =	vadd.f32 v3, v2;
	_ =	sdelay $0x1  }
0x125: {  	v2 =	vmul.f32 v2, v52  }
0x126: {  	s3 =	sor.u32 $0x4, s19;
	[tilespmem:s20+$0xB4E0] =	vst v52  }
0x127: {  	[tilespmem:s20+$0xB4D0] =	vst v2;
	s20 =	sshll.u32 s3, $0x6  }
0x128: {  	v2 =	vld [tilespmem:s20+$0x8CA0]  }
0x129: {  	v3 =	vld [tilespmem:s20+$0xA0A0];
	_ =	sdelay $0x4  }
0x12a: {  	v53 =	vbroadcast v1, $0x4;
	v2 =	vadd.f32 v3, v2  }
0x12b: {  	s3 =	smul.u32 $0x140, s3  }
0x12c: {  	v2 =	vmul.f32 v2, v53  }
0x12d: {  	s3 =	sshra.s32 s3, $0x2  }
0x12e: {  	[tilespmem:s3+$0xB4A0] =	vst v2  }
0x12f: {  	v2 =	vld [tilespmem:s20+$0x8CB0]  }
0x130: {  	v3 =	vld [tilespmem:s20+$0xA0B0];
	_ =	sdelay $0x4  }
0x131: {  	v2 =	vadd.f32 v3, v2;
	_ =	sdelay $0x1  }
0x132: {  	v2 =	vmul.f32 v2, v53;
	_ =	sdelay $0x1  }
0x133: {  	[tilespmem:s3+$0xB4B0] =	vst v2  }
0x134: {  	v2 =	vld [tilespmem:s20+$0x8CC0]  }
0x135: {  	v3 =	vld [tilespmem:s20+$0xA0C0];
	_ =	sdelay $0x4  }
0x136: {  	v2 =	vadd.f32 v3, v2;
	_ =	sdelay $0x1  }
0x137: {  	v2 =	vmul.f32 v2, v53;
	_ =	sdelay $0x1  }
0x138: {  	[tilespmem:s3+$0xB4C0] =	vst v2  }
0x139: {  	v2 =	vld [tilespmem:s20+$0x8CD0]  }
0x13a: {  	v3 =	vld [tilespmem:s20+$0xA0D0];
	_ =	sdelay $0x4  }
0x13b: {  	v2 =	vadd.f32 v3, v2;
	_ =	sdelay $0x1  }
0x13c: {  	v2 =	vmul.f32 v2, v53  }
0x13d: {  	s20 =	sor.u32 $0x5, s19;
	[tilespmem:s3+$0xB4E0] =	vst v53  }
0x13e: {  	[tilespmem:s3+$0xB4D0] =	vst v2;
	s3 =	sshll.u32 s20, $0x6  }
0x13f: {  	v2 =	vld [tilespmem:s3+$0x8CA0]  }
0x140: {  	v3 =	vld [tilespmem:s3+$0xA0A0];
	_ =	sdelay $0x4  }
0x141: {  	v54 =	vbroadcast v1, $0x5;
	v2 =	vadd.f32 v3, v2  }
0x142: {  	s20 =	smul.u32 $0x140, s20  }
0x143: {  	v2 =	vmul.f32 v2, v54  }
0x144: {  	s20 =	sshra.s32 s20, $0x2  }
0x145: {  	[tilespmem:s20+$0xB4A0] =	vst v2  }
0x146: {  	v2 =	vld [tilespmem:s3+$0x8CB0]  }
0x147: {  	v3 =	vld [tilespmem:s3+$0xA0B0];
	_ =	sdelay $0x4  }
0x148: {  	v2 =	vadd.f32 v3, v2;
	_ =	sdelay $0x1  }
0x149: {  	v2 =	vmul.f32 v2, v54;
	_ =	sdelay $0x1  }
0x14a: {  	[tilespmem:s20+$0xB4B0] =	vst v2  }
0x14b: {  	v2 =	vld [tilespmem:s3+$0x8CC0]  }
0x14c: {  	v3 =	vld [tilespmem:s3+$0xA0C0];
	_ =	sdelay $0x4  }
0x14d: {  	v2 =	vadd.f32 v3, v2;
	_ =	sdelay $0x1  }
0x14e: {  	v2 =	vmul.f32 v2, v54;
	_ =	sdelay $0x1  }
0x14f: {  	[tilespmem:s20+$0xB4C0] =	vst v2  }
0x150: {  	v2 =	vld [tilespmem:s3+$0x8CD0]  }
0x151: {  	v3 =	vld [tilespmem:s3+$0xA0D0];
	_ =	sdelay $0x4  }
0x152: {  	v2 =	vadd.f32 v3, v2;
	_ =	sdelay $0x1  }
0x153: {  	v2 =	vmul.f32 v2, v54  }
0x154: {  	s3 =	sor.u32 $0x6, s19;
	[tilespmem:s20+$0xB4E0] =	vst v54  }
0x155: {  	[tilespmem:s20+$0xB4D0] =	vst v2;
	s20 =	sshll.u32 s3, $0x6  }
0x156: {  	v2 =	vld [tilespmem:s20+$0x8CA0]  }
0x157: {  	v3 =	vld [tilespmem:s20+$0xA0A0];
	_ =	sdelay $0x4  }
0x158: {  	v55 =	vbroadcast v1, $0x6;
	v2 =	vadd.f32 v3, v2  }
0x159: {  	s3 =	smul.u32 $0x140, s3  }
0x15a: {  	v2 =	vmul.f32 v2, v55  }
0x15b: {  	s3 =	sshra.s32 s3, $0x2  }
0x15c: {  	[tilespmem:s3+$0xB4A0] =	vst v2  }
0x15d: {  	v2 =	vld [tilespmem:s20+$0x8CB0]  }
0x15e: {  	v3 =	vld [tilespmem:s20+$0xA0B0];
	_ =	sdelay $0x4  }
0x15f: {  	v2 =	vadd.f32 v3, v2;
	_ =	sdelay $0x1  }
0x160: {  	v2 =	vmul.f32 v2, v55;
	_ =	sdelay $0x1  }
0x161: {  	[tilespmem:s3+$0xB4B0] =	vst v2  }
0x162: {  	v2 =	vld [tilespmem:s20+$0x8CC0]  }
0x163: {  	v3 =	vld [tilespmem:s20+$0xA0C0];
	_ =	sdelay $0x4  }
0x164: {  	v2 =	vadd.f32 v3, v2;
	_ =	sdelay $0x1  }
0x165: {  	v2 =	vmul.f32 v2, v55;
	_ =	sdelay $0x1  }
0x166: {  	[tilespmem:s3+$0xB4C0] =	vst v2  }
0x167: {  	v2 =	vld [tilespmem:s20+$0x8CD0]  }
0x168: {  	v3 =	vld [tilespmem:s20+$0xA0D0];
	_ =	sdelay $0x4  }
0x169: {  	v2 =	vadd.f32 v3, v2;
	_ =	sdelay $0x1  }
0x16a: {  	v2 =	vmul.f32 v2, v55  }
0x16b: {  	s20 =	sor.u32 $0x7, s19;
	[tilespmem:s3+$0xB4E0] =	vst v55  }
0x16c: {  	[tilespmem:s3+$0xB4D0] =	vst v2;
	s3 =	sshll.u32 s20, $0x6  }
0x16d: {  	v2 =	vld [tilespmem:s3+$0x8CA0]  }
0x16e: {  	v3 =	vld [tilespmem:s3+$0xA0A0];
	_ =	sdelay $0x4  }
0x16f: {  	v56 =	vbroadcast v1, $0x7;
	v2 =	vadd.f32 v3, v2  }
0x170: {  	s20 =	smul.u32 $0x140, s20  }
0x171: {  	v2 =	vmul.f32 v2, v56  }
0x172: {  	s20 =	sshra.s32 s20, $0x2  }
0x173: {  	[tilespmem:s20+$0xB4A0] =	vst v2  }
0x174: {  	v2 =	vld [tilespmem:s3+$0x8CB0]  }
0x175: {  	v3 =	vld [tilespmem:s3+$0xA0B0];
	_ =	sdelay $0x4  }
0x176: {  	v2 =	vadd.f32 v3, v2;
	_ =	sdelay $0x1  }
0x177: {  	v2 =	vmul.f32 v2, v56;
	_ =	sdelay $0x1  }
0x178: {  	[tilespmem:s20+$0xB4B0] =	vst v2  }
0x179: {  	v2 =	vld [tilespmem:s3+$0x8CC0]  }
0x17a: {  	v3 =	vld [tilespmem:s3+$0xA0C0];
	_ =	sdelay $0x4  }
0x17b: {  	v2 =	vadd.f32 v3, v2;
	_ =	sdelay $0x1  }
0x17c: {  	v2 =	vmul.f32 v2, v56;
	_ =	sdelay $0x1  }
0x17d: {  	[tilespmem:s20+$0xB4C0] =	vst v2  }
0x17e: {  	v2 =	vld [tilespmem:s3+$0x8CD0]  }
0x17f: {  	v3 =	vld [tilespmem:s3+$0xA0D0];
	_ =	sdelay $0x4  }
0x180: {  	v2 =	vadd.f32 v3, v2;
	_ =	sdelay $0x1  }
0x181: {  	v2 =	vmul.f32 v2, v56  }
0x182: {  	s3 =	sor.u32 $0x8, s19;
	[tilespmem:s20+$0xB4E0] =	vst v56  }
0x183: {  	[tilespmem:s20+$0xB4D0] =	vst v2;
	s20 =	sshll.u32 s3, $0x6  }
0x184: {  	v2 =	vld [tilespmem:s20+$0x8CA0]  }
0x185: {  	v3 =	vld [tilespmem:s20+$0xA0A0];
	_ =	sdelay $0x4  }
0x186: {  	v57 =	vbroadcast v1, $0x8;
	v2 =	vadd.f32 v3, v2  }
0x187: {  	s3 =	smul.u32 $0x140, s3  }
0x188: {  	v2 =	vmul.f32 v2, v57  }
0x189: {  	s3 =	sshra.s32 s3, $0x2  }
0x18a: {  	[tilespmem:s3+$0xB4A0] =	vst v2  }
0x18b: {  	v2 =	vld [tilespmem:s20+$0x8CB0]  }
0x18c: {  	v3 =	vld [tilespmem:s20+$0xA0B0];
	_ =	sdelay $0x4  }
0x18d: {  	v2 =	vadd.f32 v3, v2;
	_ =	sdelay $0x1  }
0x18e: {  	v2 =	vmul.f32 v2, v57;
	_ =	sdelay $0x1  }
0x18f: {  	[tilespmem:s3+$0xB4B0] =	vst v2  }
0x190: {  	v2 =	vld [tilespmem:s20+$0x8CC0]  }
0x191: {  	v3 =	vld [tilespmem:s20+$0xA0C0];
	_ =	sdelay $0x4  }
0x192: {  	v2 =	vadd.f32 v3, v2;
	_ =	sdelay $0x1  }
0x193: {  	v2 =	vmul.f32 v2, v57;
	_ =	sdelay $0x1  }
0x194: {  	[tilespmem:s3+$0xB4C0] =	vst v2  }
0x195: {  	v2 =	vld [tilespmem:s20+$0x8CD0]  }
0x196: {  	v3 =	vld [tilespmem:s20+$0xA0D0];
	_ =	sdelay $0x4  }
0x197: {  	v2 =	vadd.f32 v3, v2;
	_ =	sdelay $0x1  }
0x198: {  	v2 =	vmul.f32 v2, v57  }
0x199: {  	s20 =	sor.u32 $0x9, s19;
	[tilespmem:s3+$0xB4E0] =	vst v57  }
0x19a: {  	[tilespmem:s3+$0xB4D0] =	vst v2;
	s3 =	sshll.u32 s20, $0x6  }
0x19b: {  	v2 =	vld [tilespmem:s3+$0x8CA0]  }
0x19c: {  	v3 =	vld [tilespmem:s3+$0xA0A0];
	_ =	sdelay $0x4  }
0x19d: {  	v58 =	vbroadcast v1, $0x9;
	v2 =	vadd.f32 v3, v2  }
0x19e: {  	s20 =	smul.u32 $0x140, s20  }
0x19f: {  	v2 =	vmul.f32 v2, v58  }
0x1a0: {  	s20 =	sshra.s32 s20, $0x2  }
0x1a1: {  	[tilespmem:s20+$0xB4A0] =	vst v2  }
0x1a2: {  	v2 =	vld [tilespmem:s3+$0x8CB0]  }
0x1a3: {  	v3 =	vld [tilespmem:s3+$0xA0B0];
	_ =	sdelay $0x4  }
0x1a4: {  	v2 =	vadd.f32 v3, v2;
	_ =	sdelay $0x1  }
0x1a5: {  	v2 =	vmul.f32 v2, v58;
	_ =	sdelay $0x1  }
0x1a6: {  	[tilespmem:s20+$0xB4B0] =	vst v2  }
0x1a7: {  	v2 =	vld [tilespmem:s3+$0x8CC0]  }
0x1a8: {  	v3 =	vld [tilespmem:s3+$0xA0C0];
	_ =	sdelay $0x4  }
0x1a9: {  	v2 =	vadd.f32 v3, v2;
	_ =	sdelay $0x1  }
0x1aa: {  	v2 =	vmul.f32 v2, v58;
	_ =	sdelay $0x1  }
0x1ab: {  	[tilespmem:s20+$0xB4C0] =	vst v2  }
0x1ac: {  	v2 =	vld [tilespmem:s3+$0x8CD0]  }
0x1ad: {  	v3 =	vld [tilespmem:s3+$0xA0D0];
	_ =	sdelay $0x4  }
0x1ae: {  	v2 =	vadd.f32 v3, v2;
	_ =	sdelay $0x1  }
0x1af: {  	v2 =	vmul.f32 v2, v58  }
0x1b0: {  	s3 =	sor.u32 $0xA, s19;
	[tilespmem:s20+$0xB4E0] =	vst v58  }
0x1b1: {  	[tilespmem:s20+$0xB4D0] =	vst v2;
	s20 =	sshll.u32 s3, $0x6  }
0x1b2: {  	v2 =	vld [tilespmem:s20+$0x8CA0]  }
0x1b3: {  	v3 =	vld [tilespmem:s20+$0xA0A0];
	_ =	sdelay $0x4  }
0x1b4: {  	v59 =	vbroadcast v1, $0xA;
	v2 =	vadd.f32 v3, v2  }
0x1b5: {  	s3 =	smul.u32 $0x140, s3  }
0x1b6: {  	v2 =	vmul.f32 v2, v59  }
0x1b7: {  	s3 =	sshra.s32 s3, $0x2  }
0x1b8: {  	[tilespmem:s3+$0xB4A0] =	vst v2  }
0x1b9: {  	v2 =	vld [tilespmem:s20+$0x8CB0]  }
0x1ba: {  	v3 =	vld [tilespmem:s20+$0xA0B0];
	_ =	sdelay $0x4  }
0x1bb: {  	v2 =	vadd.f32 v3, v2;
	_ =	sdelay $0x1  }
0x1bc: {  	v2 =	vmul.f32 v2, v59;
	_ =	sdelay $0x1  }
0x1bd: {  	[tilespmem:s3+$0xB4B0] =	vst v2  }
0x1be: {  	v2 =	vld [tilespmem:s20+$0x8CC0]  }
0x1bf: {  	v3 =	vld [tilespmem:s20+$0xA0C0];
	_ =	sdelay $0x4  }
0x1c0: {  	v2 =	vadd.f32 v3, v2;
	_ =	sdelay $0x1  }
0x1c1: {  	v2 =	vmul.f32 v2, v59;
	_ =	sdelay $0x1  }
0x1c2: {  	[tilespmem:s3+$0xB4C0] =	vst v2  }
0x1c3: {  	v2 =	vld [tilespmem:s20+$0x8CD0]  }
0x1c4: {  	v3 =	vld [tilespmem:s20+$0xA0D0];
	_ =	sdelay $0x4  }
0x1c5: {  	v2 =	vadd.f32 v3, v2;
	_ =	sdelay $0x1  }
0x1c6: {  	v2 =	vmul.f32 v2, v59  }
0x1c7: {  	s20 =	sor.u32 $0xB, s19;
	[tilespmem:s3+$0xB4E0] =	vst v59  }
0x1c8: {  	[tilespmem:s3+$0xB4D0] =	vst v2;
	s3 =	sshll.u32 s20, $0x6  }
0x1c9: {  	v2 =	vld [tilespmem:s3+$0x8CA0]  }
0x1ca: {  	v3 =	vld [tilespmem:s3+$0xA0A0];
	_ =	sdelay $0x4  }
0x1cb: {  	v60 =	vbroadcast v1, $0xB;
	v2 =	vadd.f32 v3, v2  }
0x1cc: {  	s20 =	smul.u32 $0x140, s20  }
0x1cd: {  	v2 =	vmul.f32 v2, v60  }
0x1ce: {  	s20 =	sshra.s32 s20, $0x2  }
0x1cf: {  	[tilespmem:s20+$0xB4A0] =	vst v2  }
0x1d0: {  	v2 =	vld [tilespmem:s3+$0x8CB0]  }
0x1d1: {  	v3 =	vld [tilespmem:s3+$0xA0B0];
	_ =	sdelay $0x4  }
0x1d2: {  	v2 =	vadd.f32 v3, v2;
	_ =	sdelay $0x1  }
0x1d3: {  	v2 =	vmul.f32 v2, v60;
	_ =	sdelay $0x1  }
0x1d4: {  	[tilespmem:s20+$0xB4B0] =	vst v2  }
0x1d5: {  	v2 =	vld [tilespmem:s3+$0x8CC0]  }
0x1d6: {  	v3 =	vld [tilespmem:s3+$0xA0C0];
	_ =	sdelay $0x4  }
0x1d7: {  	v2 =	vadd.f32 v3, v2;
	_ =	sdelay $0x1  }
0x1d8: {  	v2 =	vmul.f32 v2, v60;
	_ =	sdelay $0x1  }
0x1d9: {  	[tilespmem:s20+$0xB4C0] =	vst v2  }
0x1da: {  	v2 =	vld [tilespmem:s3+$0x8CD0]  }
0x1db: {  	v3 =	vld [tilespmem:s3+$0xA0D0];
	_ =	sdelay $0x4  }
0x1dc: {  	v2 =	vadd.f32 v3, v2;
	_ =	sdelay $0x1  }
0x1dd: {  	v2 =	vmul.f32 v2, v60  }
0x1de: {  	s3 =	sor.u32 $0xC, s19;
	[tilespmem:s20+$0xB4E0] =	vst v60  }
0x1df: {  	[tilespmem:s20+$0xB4D0] =	vst v2;
	s20 =	sshll.u32 s3, $0x6  }
0x1e0: {  	v2 =	vld [tilespmem:s20+$0x8CA0]  }
0x1e1: {  	v3 =	vld [tilespmem:s20+$0xA0A0];
	_ =	sdelay $0x4  }
0x1e2: {  	v61 =	vbroadcast v1, $0xC;
	v2 =	vadd.f32 v3, v2  }
0x1e3: {  	s3 =	smul.u32 $0x140, s3  }
0x1e4: {  	v2 =	vmul.f32 v2, v61  }
0x1e5: {  	s3 =	sshra.s32 s3, $0x2  }
0x1e6: {  	[tilespmem:s3+$0xB4A0] =	vst v2  }
0x1e7: {  	v2 =	vld [tilespmem:s20+$0x8CB0]  }
0x1e8: {  	v3 =	vld [tilespmem:s20+$0xA0B0];
	_ =	sdelay $0x4  }
0x1e9: {  	v2 =	vadd.f32 v3, v2;
	_ =	sdelay $0x1  }
0x1ea: {  	v2 =	vmul.f32 v2, v61;
	_ =	sdelay $0x1  }
0x1eb: {  	[tilespmem:s3+$0xB4B0] =	vst v2  }
0x1ec: {  	v2 =	vld [tilespmem:s20+$0x8CC0]  }
0x1ed: {  	v3 =	vld [tilespmem:s20+$0xA0C0];
	_ =	sdelay $0x4  }
0x1ee: {  	v2 =	vadd.f32 v3, v2;
	_ =	sdelay $0x1  }
0x1ef: {  	v2 =	vmul.f32 v2, v61;
	_ =	sdelay $0x1  }
0x1f0: {  	[tilespmem:s3+$0xB4C0] =	vst v2  }
0x1f1: {  	v2 =	vld [tilespmem:s20+$0x8CD0]  }
0x1f2: {  	v3 =	vld [tilespmem:s20+$0xA0D0];
	_ =	sdelay $0x4  }
0x1f3: {  	v2 =	vadd.f32 v3, v2;
	_ =	sdelay $0x1  }
0x1f4: {  	v2 =	vmul.f32 v2, v61  }
0x1f5: {  	s20 =	sor.u32 $0xD, s19;
	[tilespmem:s3+$0xB4E0] =	vst v61  }
0x1f6: {  	[tilespmem:s3+$0xB4D0] =	vst v2;
	s3 =	sshll.u32 s20, $0x6  }
0x1f7: {  	v2 =	vld [tilespmem:s3+$0x8CA0]  }
0x1f8: {  	v3 =	vld [tilespmem:s3+$0xA0A0];
	_ =	sdelay $0x4  }
0x1f9: {  	v62 =	vbroadcast v1, $0xD;
	v2 =	vadd.f32 v3, v2  }
0x1fa: {  	s20 =	smul.u32 $0x140, s20  }
0x1fb: {  	v2 =	vmul.f32 v2, v62  }
0x1fc: {  	s20 =	sshra.s32 s20, $0x2  }
0x1fd: {  	[tilespmem:s20+$0xB4A0] =	vst v2  }
0x1fe: {  	v2 =	vld [tilespmem:s3+$0x8CB0]  }
0x1ff: {  	v3 =	vld [tilespmem:s3+$0xA0B0];
	_ =	sdelay $0x4  }
0x200: {  	v2 =	vadd.f32 v3, v2;
	_ =	sdelay $0x1  }
0x201: {  	v2 =	vmul.f32 v2, v62;
	_ =	sdelay $0x1  }
0x202: {  	[tilespmem:s20+$0xB4B0] =	vst v2  }
0x203: {  	v2 =	vld [tilespmem:s3+$0x8CC0]  }
0x204: {  	v3 =	vld [tilespmem:s3+$0xA0C0];
	_ =	sdelay $0x4  }
0x205: {  	v2 =	vadd.f32 v3, v2;
	_ =	sdelay $0x1  }
0x206: {  	v2 =	vmul.f32 v2, v62;
	_ =	sdelay $0x1  }
0x207: {  	[tilespmem:s20+$0xB4C0] =	vst v2  }
0x208: {  	v2 =	vld [tilespmem:s3+$0x8CD0]  }
0x209: {  	v3 =	vld [tilespmem:s3+$0xA0D0];
	_ =	sdelay $0x4  }
0x20a: {  	v2 =	vadd.f32 v3, v2;
	_ =	sdelay $0x1  }
0x20b: {  	v2 =	vmul.f32 v2, v62  }
0x20c: {  	s3 =	sor.u32 $0xE, s19;
	[tilespmem:s20+$0xB4E0] =	vst v62  }
0x20d: {  	s19 =	sshll.u32 s3, $0x6;
	[tilespmem:s20+$0xB4D0] =	vst v2  }
0x20e: {  	v2 =	vld [tilespmem:s19+$0x8CA0]  }
0x20f: {  	v3 =	vld [tilespmem:s19+$0xA0A0];
	_ =	sdelay $0x4  }
0x210: {  	v63 =	vbroadcast v1, $0xE;
	v2 =	vadd.f32 v3, v2  }
0x211: {  	s3 =	smul.u32 $0x140, s3  }
0x212: {  	v2 =	vmul.f32 v2, v63  }
0x213: {  	s3 =	sshra.s32 s3, $0x2  }
0x214: {  	[tilespmem:s3+$0xB4A0] =	vst v2  }
0x215: {  	v2 =	vld [tilespmem:s19+$0x8CB0]  }
0x216: {  	v3 =	vld [tilespmem:s19+$0xA0B0];
	_ =	sdelay $0x4  }
0x217: {  	v2 =	vadd.f32 v3, v2;
	_ =	sdelay $0x1  }
0x218: {  	v2 =	vmul.f32 v2, v63;
	_ =	sdelay $0x1  }
0x219: {  	[tilespmem:s3+$0xB4B0] =	vst v2  }
0x21a: {  	v2 =	vld [tilespmem:s19+$0x8CC0]  }
0x21b: {  	v3 =	vld [tilespmem:s19+$0xA0C0];
	_ =	sdelay $0x4  }
0x21c: {  	v2 =	vadd.f32 v3, v2;
	_ =	sdelay $0x1  }
0x21d: {  	v2 =	vmul.f32 v2, v63;
	_ =	sdelay $0x1  }
0x21e: {  	[tilespmem:s3+$0xB4C0] =	vst v2  }
0x21f: {  	v2 =	vld [tilespmem:s19+$0x8CD0]  }
0x220: {  	v3 =	vld [tilespmem:s19+$0xA0D0];
	_ =	sdelay $0x4  }
0x221: {  	v2 =	vadd.f32 v3, v2;
	_ =	sdelay $0x1  }
0x222: {  	v2 =	vmul.f32 v2, v63  }
0x223: {  	s19 =	sshllo.u32 s15, $0x4;
	[tilespmem:s3+$0xB4E0] =	vst v63  }
0x224: {  	s20 =	sshll.u32 s19, $0x6;
	[tilespmem:s3+$0xB4D0] =	vst v2  }
0x225: {  	v2 =	vld [tilespmem:s20+$0x8CA0]  }
0x226: {  	v3 =	vld [tilespmem:s20+$0xA0A0];
	_ =	sdelay $0x4  }
0x227: {  	v1 =	vbroadcast v1, $0xF;
	v2 =	vadd.f32 v3, v2  }
0x228: {  	s19 =	smul.u32 $0x140, s19  }
0x229: {  	v2 =	vmul.f32 v2, v1  }
0x22a: {  	s19 =	sshra.s32 s19, $0x2  }
0x22b: {  	[tilespmem:s19+$0xB4A0] =	vst v2  }
0x22c: {  	v2 =	vld [tilespmem:s20+$0x8CB0]  }
0x22d: {  	v3 =	vld [tilespmem:s20+$0xA0B0];
	_ =	sdelay $0x4  }
0x22e: {  	v2 =	vadd.f32 v3, v2;
	_ =	sdelay $0x1  }
0x22f: {  	v2 =	vmul.f32 v2, v1;
	_ =	sdelay $0x1  }
0x230: {  	[tilespmem:s19+$0xB4B0] =	vst v2  }
0x231: {  	v2 =	vld [tilespmem:s20+$0x8CC0]  }
0x232: {  	v3 =	vld [tilespmem:s20+$0xA0C0];
	_ =	sdelay $0x4  }
0x233: {  	v2 =	vadd.f32 v3, v2;
	_ =	sdelay $0x1  }
0x234: {  	v2 =	vmul.f32 v2, v1;
	_ =	sdelay $0x1  }
0x235: {  	[tilespmem:s19+$0xB4C0] =	vst v2  }
0x236: {  	v2 =	vld [tilespmem:s20+$0x8CD0]  }
0x237: {  	v3 =	vld [tilespmem:s20+$0xA0D0];
	_ =	sdelay $0x3  }
0x238: {  	p0 =	sne.s32 s15, $0x4  }
.Ltmp1:
0x239: {  	v2 =	vadd.f32 v3, v2;
	(pc) =	sbr.rel @p0 .LBB2_6-.Ltmp1, $4  }
0x23a: {  	_ = 	snop  }
0x23b: {  	v2 =	vmul.f32 v2, v1  }
0x23c: {  	[tilespmem:s19+$0xB4E0] =	vst v1  }
0x23d: {  	s15 =	sadd.s32 $0x1, s15;
	[tilespmem:s19+$0xB4D0] =	vst v2  }
0x23e: {  	s14 =	sadd.s32 $0x1, s14  }
0x23f: {  	p0 =	sne.s32 s14, $0x19  }
.Ltmp2:
0x240: {  	_ = 	snop;
	(pc) =	sbr.rel @p0 .LBB2_5-.Ltmp2, $4  }
0x241: {  	[spmem:s1] =	stream.indirect.scatter.add.f32 [tilespmem:s9], [sflag:$0x3], $0x50, s17, s29, $0xb8;
	[tilespmem:$0x1BDF0] =	vst v63  }
0x242: {  	_ =	swait.ge [sflag:s21], $0x1900  }
0x243: {  	[sflag:s21] =	ssyncset.done $0x0  }
0x244: {  	[sflag:s21] =	ssyncadd.s32 $0xFFFFE700  }
0x245: {  	s13 =	sadd.s32 $0x1, s13  }
0x246: {  	p0 =	sne.s32 s13, $0xA  }
.Ltmp3:
0x247: {  	_ = 	snop;
	(pc) =	sbr.rel @p0 .LBB2_4-.Ltmp3, $1  }
0x248: {  	_ =	sdelay $0x3  }
0x249: {  	s3 =	stileid.u32  }
0x24a: {  	[bflag:$0x0] =	sbarrier.arrive $0xFFFF;
	s3 =	sshll.u32 s3, $0x6  }
0x24b: {  	s12 =	sshrl.u32 s10, $0x3;
	s13 =	rddreg [dreg:$0xa];
	s3 =	sor.u32 $0x1C03, s3  }
0x24c: {  	[hbm:s13], [sflag:s3] =	dma.local [spmem:s12], $0x1900  }
0x24d: {  	_ =	swait.ge [sflag:s21], $0x1900  }
0x24e: {  	s11 =	sadd.s32 $0x1, s11;
	s20 =	rddreg [dreg:$0xb]  }
0x24f: {  	p0 =	sne.s32 s11, s20  }
.Ltmp4:
0x250: {  	_ = 	snop;
	(pc) =	sbr.rel @p0 .LBB2_1-.Ltmp4, $3  }
0x251: {  	_ =	sdelay $0x1  }
0x252: {  	[sflag:s21] =	ssyncset.done $0x0  }
0x253: {  	[sflag:s21] =	ssyncadd.s32 $0xFFFFE700  }
0x254: {  	_ =	sfence.sel $0x180000  }
0x255: {  	[bflag:$0x0] =	sbarrier.arrive $0xFFFF  }
0x256: {  	_ =	strace $0x90000047  }
0x257: {  	s0 =	stileid.u32;
	[bflag:$0x2] =	sbarrier.arrive $0xFFFF  }
0x258: {  	p0 =	sne.s32 s0, $0x0;
	s0 =	rddreg [dreg:$0x2]  }
0x259: {  	s0 =	sadd.s32 @!p0 $0x100000, s0  }
0x25a: {  	[sflag:s0] =	ssyncadd.tile.s32 @!p0 $0x1;
	_ =	shalt  }
.Lfunc_end2:
_tile_overlayer_lowered:
.L_overlay_start_2:
0x25b: {  	(tag) =	ssettag $0x2  }
0x25c: {  	s0 =	rddreg [dreg:$0x0];
	s2 =	stileid.u32  }
0x25d: {  	s1 =	rddreg [dreg:$0x1];
	p0 =	sne.s32 s2, $0x0  }
0x25e: {  	s3 =	rddreg [dreg:$0x2];
	[bflag:$0x3] =	sbarrier.arrive $0xFFFF;
	s2 =	simm.s32 @!p0 $0x1C03  }
0x25f: {  	[timem:s3], [sflag:s2] =	dma.local @!p0 [hbm:s0], s1  }
0x260: {  	s0 =	simm.s32 @!p0 $0x3  }
0x261: {  	_ =	swait.ge @!p0 [sflag:s0], s1  }
0x262: {  	s1 =	ssub.s32 @!p0 $0x0, s1;
	[sflag:s0] =	ssyncset.done @!p0 $0x0  }
0x263: {  	[sflag:s0] =	ssyncadd.s32 @!p0 s1  }
0x264: {  	[bflag:$0x3] =	sbarrier.arrive $0xFFFF  }
0x265: {  	_ =	shalt  }

</sc_bundles>
